<compile_context>
chip_gen: v7x
topology: tpu7x:2x2x1
jax: 0.10.2.dev20260603
libtpu: 0.0.44.dev20260713+nightly
codegen_flags: <defaults>
</compile_context>

<pallas_src>
import functools

import jax
import jax.numpy as jnp
from jax import lax
from jax.experimental import pallas as pl
from jax.experimental.pallas import tpu as pltpu
from jax.experimental.pallas import tpu_sc as plsc

N_NODES = 10000
N_EDGES = 160000
D_IN = 288
D_H1 = 16
D_H2 = 32
D_OUT = 7

NC = 2
NS = 16
NW = NC * NS

N_PAD = 10240
ROWS_PER_TILE = N_PAD // NS
PAD_DST = N_NODES + 8
PAD_SRC = N_PAD - 1

CHUNK = 128
E_PER_W = 5120
N_CHUNKS = E_PER_W // CHUNK
E_PAD = NW * E_PER_W


def _sc_mesh():
  return plsc.VectorSubcoreMesh(core_axis_name="c", subcore_axis_name="s")


GRP = 4
CH_C0 = 44
CH_C1 = 36
ROW_PAD = 1296


def _deg_kernel(edges_hbm, ones_hbm, zeros_hbm, out_hbm,
                idx_v, ones_v, acc_sh, ssem):
  c = lax.axis_index("c")
  s = lax.axis_index("s")
  row0 = s * ROWS_PER_TILE
  cbase = jnp.where(c == 0, s * CH_C0, NS * CH_C0 + s * CH_C1)
  ngrp = jnp.where(c == 0, CH_C0 // GRP, CH_C1 // GRP)

  pltpu.sync_copy(zeros_hbm.at[pl.ds(row0, ROWS_PER_TILE)],
                  acc_sh.at[pl.ds(row0, ROWS_PER_TILE)])
  pltpu.sync_copy(ones_hbm, ones_v)
  pltpu.sync_copy(edges_hbm.at[1, pl.ds(cbase, CH_C0)], idx_v)
  plsc.subcore_barrier()

  def body(g, carry):
    jj = g * GRP
    hs = [
        pltpu.async_copy(ones_v, acc_sh.at[idx_v.at[jj + b]],
                         ssem.at[b], add=True)
        for b in range(GRP)
    ]
    for h in hs:
      h.wait()
    return carry

  lax.fori_loop(0, ngrp, body, 0)
  plsc.subcore_barrier()
  pltpu.sync_copy(acc_sh.at[pl.ds(row0, ROWS_PER_TILE)],
                  out_hbm.at[c, pl.ds(row0, ROWS_PER_TILE)])


def _make_deg_call():
  return pl.kernel(
      _deg_kernel,
      out_type=jax.ShapeDtypeStruct((NC, N_PAD, 16), jnp.float32),
      mesh=_sc_mesh(),
      compiler_params=pltpu.CompilerParams(use_tc_tiling_on_sc=False),
      scratch_types=[
          pltpu.VMEM((CH_C0, CHUNK), jnp.int32),
          pltpu.VMEM((CHUNK, 16), jnp.float32),
          pltpu.VMEM_SHARED((N_PAD, 16), jnp.float32),
          pltpu.SemaphoreType.DMA((GRP,)),
      ],
  )


def _edge_agg_kernel(edges_hbm, table_hbm, zeros_hbm,
                     out_hbm, src_v, dst_v, rows_v, acc_sh, table_sh,
                     gsem, ssem):
  c = lax.axis_index("c")
  s = lax.axis_index("s")
  row0 = s * ROWS_PER_TILE
  cbase = jnp.where(c == 0, s * CH_C0, NS * CH_C0 + s * CH_C1)
  ngrp = jnp.where(c == 0, CH_C0 // GRP, CH_C1 // GRP)

  pltpu.sync_copy(zeros_hbm.at[pl.ds(row0, ROWS_PER_TILE)],
                  acc_sh.at[pl.ds(row0, ROWS_PER_TILE)])
  pltpu.sync_copy(table_hbm.at[pl.ds(row0, ROWS_PER_TILE)],
                  table_sh.at[pl.ds(row0, ROWS_PER_TILE)])
  pltpu.sync_copy(edges_hbm.at[0, pl.ds(cbase, CH_C0)], src_v)
  pltpu.sync_copy(edges_hbm.at[1, pl.ds(cbase, CH_C0)], dst_v)
  plsc.subcore_barrier()

  def body(g, carry):
    jj = g * GRP
    ghs = [
        pltpu.async_copy(table_sh.at[src_v.at[jj + b]], rows_v.at[b],
                         gsem.at[b])
        for b in range(GRP)
    ]
    shs = []
    for b in range(GRP):
      ghs[b].wait()
      shs.append(
          pltpu.async_copy(rows_v.at[b], acc_sh.at[dst_v.at[jj + b]],
                           ssem.at[b], add=True))
    for h in shs:
      h.wait()
    return carry

  lax.fori_loop(0, ngrp, body, 0)
  plsc.subcore_barrier()
  pltpu.sync_copy(acc_sh.at[pl.ds(row0, ROWS_PER_TILE)],
                  out_hbm.at[c, pl.ds(row0, ROWS_PER_TILE)])


def _make_edge_agg_call(d):
  return pl.kernel(
      _edge_agg_kernel,
      out_type=jax.ShapeDtypeStruct((NC, N_PAD, d), jnp.float32),
      mesh=_sc_mesh(),
      compiler_params=pltpu.CompilerParams(use_tc_tiling_on_sc=False),
      scratch_types=[
          pltpu.VMEM((CH_C0, CHUNK), jnp.int32),
          pltpu.VMEM((CH_C0, CHUNK), jnp.int32),
          pltpu.VMEM((GRP, CHUNK, d), jnp.float32),
          pltpu.VMEM_SHARED((N_PAD, d), jnp.float32),
          pltpu.VMEM_SHARED((N_PAD, d), jnp.float32),
          pltpu.SemaphoreType.DMA((GRP,)),
          pltpu.SemaphoreType.DMA((GRP,)),
      ],
  )


PK16 = (N_PAD // 8, 128)
PKY = (N_PAD // 8, 256)


def _dinvp_from_degp(degp_ref):
  return lax.rsqrt(degp_ref[0] + degp_ref[1] + 1.0)


def _tc_b_kernel(x_ref, w1_ref, xw_ref):
  xw = jnp.dot(x_ref[...], w1_ref[...], preferred_element_type=jnp.float32)
  xw_ref[:N_NODES] = xw
  xw_ref[N_NODES:] = jnp.zeros((N_PAD - N_NODES, D_H1), jnp.float32)


def _tc_s_kernel(xw1raw_ref, degp_ref, xw_ref, dinvp_ref):
  dinvp = _dinvp_from_degp(degp_ref)
  dinvp_ref[...] = dinvp
  xw_ref[...] = dinvp * xw1raw_ref[...]


def _tc_d_kernel(acc_ref, xw1_ref, dinvp_ref, b1t_ref, w2b_ref, sy_ref,
                 xw2_ref):
  dinvp = dinvp_ref[...]
  pre = acc_ref[0] + acc_ref[1] + xw1_ref[...]
  h1 = jnp.maximum(dinvp * pre + b1t_ref[...], 0.0)
  xw2 = jnp.dot(h1, w2b_ref[...], preferred_element_type=jnp.float32)
  dinvy = jnp.dot(dinvp, sy_ref[...], preferred_element_type=jnp.float32)
  xw2_ref[...] = xw2 * dinvy


def _tc_f_kernel(acc_ref, xw2_ref, dinvp_ref, sy_ref, b2t_ref, wfcb_ref,
                 bfct_ref, out_ref):
  dinvy = jnp.dot(dinvp_ref[...], sy_ref[...],
                  preferred_element_type=jnp.float32)
  pre = acc_ref[0] + acc_ref[1] + xw2_ref[...]
  h2 = jnp.maximum(dinvy * pre + b2t_ref[...], 0.0)
  out_ref[...] = (
      jnp.dot(h2[: N_NODES // 8], wfcb_ref[...],
              preferred_element_type=jnp.float32)
      + bfct_ref[...]
  )


@jax.jit
def kernel(x, edge_index, W1, b1, W2, b2, Wfc, bfc):
  n_extra_rows = ROW_PAD - N_EDGES // CHUNK
  pad_rows = jnp.stack([
      jnp.full((n_extra_rows, CHUNK), PAD_SRC, jnp.int32),
      jnp.full((n_extra_rows, CHUNK), PAD_DST, jnp.int32),
  ])
  edges = jnp.concatenate(
      [edge_index.astype(jnp.int32).reshape(2, N_EDGES // CHUNK, CHUNK),
       pad_rows], axis=1)
  ones16 = jnp.ones((CHUNK, 16), jnp.float32)
  zeros16 = jnp.zeros((N_PAD, 16), jnp.float32)
  zeros32 = jnp.zeros((N_PAD, 32), jnp.float32)

  eye8 = jnp.eye(8, dtype=jnp.float32)
  w2b = jnp.kron(eye8, W2)
  wfcb = jnp.kron(eye8, Wfc)
  b1t = jnp.tile(b1, 8)
  b2t = jnp.tile(b2, 8)
  bfct = jnp.tile(bfc, 8)
  sy = jnp.kron(eye8, (lax.iota(jnp.float32, 16) == 0)[:, None]
                * jnp.ones((1, 32), jnp.float32))

  degp = _make_deg_call()(edges, ones16, zeros16)
  degp_pk = degp.reshape(NC, *PK16)

  xw1raw = pl.pallas_call(
      _tc_b_kernel,
      out_shape=jax.ShapeDtypeStruct((N_PAD, D_H1), jnp.float32),
  )(x, W1)

  xw1_pk, dinvp = pl.pallas_call(
      _tc_s_kernel,
      out_shape=(jax.ShapeDtypeStruct(PK16, jnp.float32),
                 jax.ShapeDtypeStruct(PK16, jnp.float32)),
  )(xw1raw.reshape(PK16), degp_pk)

  acc1 = _make_edge_agg_call(D_H1)(
      edges, xw1_pk.reshape(N_PAD, D_H1), zeros16)

  xw2_y = pl.pallas_call(
      _tc_d_kernel,
      out_shape=jax.ShapeDtypeStruct(PKY, jnp.float32),
  )(acc1.reshape(NC, *PK16), xw1_pk, dinvp, b1t, w2b, sy)

  acc2 = _make_edge_agg_call(D_H2)(
      edges, xw2_y.reshape(N_PAD, D_H2), zeros32)

  outp = pl.pallas_call(
      _tc_f_kernel,
      out_shape=jax.ShapeDtypeStruct((N_NODES // 8, 8 * D_OUT), jnp.float32),
  )(acc2.reshape(NC, *PKY), xw2_y, dinvp, sy, b2t, wfcb, bfct)

  return outp.reshape(N_NODES, D_OUT)

# --- scband reference (transcript-rebuilt; emitter-appended) ---
"""Pipeline reference for scband-gnn-5823975653592 (READ-ONLY COPY).

The authoritative reference and input builder live on the scoring server;
editing this copy changes nothing except your own understanding.
"""

import jax, jax.numpy as jnp
import numpy as np

N_NODES = 10000
N_EDGES = 160000
D_IN = 288
D_H1 = 16
D_H2 = 32
D_OUT = 7


def setup_inputs(seed: int = 0) -> dict:
    key = jax.random.key(seed)
    ks = jax.random.split(key, 8)
    x = jax.random.normal(ks[0], (N_NODES, D_IN), dtype=jnp.float32)
    edge_index = jax.random.randint(ks[1], (2, N_EDGES), 0, N_NODES, dtype=jnp.int64)
    # GCNConv weights (glorot-like) and zero biases, Linear weight + bias
    W1 = jax.random.normal(ks[2], (D_IN, D_H1), dtype=jnp.float32) / np.sqrt(D_IN)
    b1 = jnp.zeros((D_H1,), dtype=jnp.float32)
    W2 = jax.random.normal(ks[3], (D_H1, D_H2), dtype=jnp.float32) / np.sqrt(D_H1)
    b2 = jnp.zeros((D_H2,), dtype=jnp.float32)
    Wfc = jax.random.normal(ks[4], (D_H2, D_OUT), dtype=jnp.float32) / np.sqrt(D_H2)
    bfc = jax.random.normal(ks[5], (D_OUT,), dtype=jnp.float32) * 0.01
    return {"x": x, "edge_index": edge_index, "W1": W1, "b1": b1, "W2": W2, "b2": b2, "Wfc": Wfc, "bfc": bfc}


def _gcn_conv(x, src, dst, W, b, n_nodes):
    # symmetric normalization with self-loops, as in torch_geometric GCNConv
    deg = jnp.zeros((n_nodes,), dtype=x.dtype).at[dst].add(1.0)
    deg_inv_sqrt = jax.lax.rsqrt(jnp.maximum(deg, 1.0e-12))
    deg_inv_sqrt = jnp.where(deg > 0, deg_inv_sqrt, 0.0)
    norm = deg_inv_sqrt[src] * deg_inv_sqrt[dst]
    xw = x @ W
    msg = norm[:, None] * jnp.take(xw, src, axis=0)
    out = jnp.zeros((n_nodes, xw.shape[1]), dtype=x.dtype).at[dst].add(msg)
    return out + b


def reference(x, edge_index, W1, b1, W2, b2, Wfc, bfc):
    n_nodes = x.shape[0]
    loop = jnp.arange(n_nodes, dtype=edge_index.dtype)
    src = jnp.concatenate([edge_index[0], loop])
    dst = jnp.concatenate([edge_index[1], loop])
    h = _gcn_conv(x, src, dst, W1, b1, n_nodes)
    h = jax.nn.relu(h)
    h = _gcn_conv(h, src, dst, W2, b2, n_nodes)
    h = jax.nn.relu(h)
    out = h @ Wfc + bfc
    return out

if __name__ == "__main__":
    import jax
    _d = setup_inputs()
    print(jax.jit(kernel)(*tuple(_d.values())))

</pallas_src>

<mosaic_0001>
#map = affine_map<(d0, d1) -> (0, 0, 0)>
#map1 = affine_map<(d0, d1) -> (0, 0)>
module attributes {stable_mosaic.version = 14 : i64} {
  func.func @_deg_kernel(%arg0: i32, %arg1: i32, %arg2: memref<2x1296x128xi32, #tpu.memory_space<hbm>>, %arg3: memref<128x16xf32, #tpu.memory_space<hbm>>, %arg4: memref<10240x16xf32, #tpu.memory_space<hbm>>, %arg5: memref<2x10240x16xf32, #tpu.memory_space<hbm>>, %arg6: memref<44x128xi32, #tpu.memory_space<vmem>>, %arg7: memref<128x16xf32, #tpu.memory_space<vmem>>, %arg8: memref<10240x16xf32, #tpu.memory_space<vmem_shared>>, %arg9: memref<4x!tpu.dma_semaphore, #tpu.memory_space<semaphore_mem>>) attributes {dimension_semantics = [#tpu.dimension_semantics<core_parallel>, #tpu.dimension_semantics<subcore_parallel>], iteration_bounds = array<i64: 2, 16>, scalar_prefetch = 0 : i64, scratch_operands = 4 : i64, tpu.core_type = #tpu.core_type<sc_vector_subcore>, window_params = [{transform_indices = #map}, {transform_indices = #map1}, {transform_indices = #map1}, {transform_indices = #map}]} {
    %mul3A = arith.constant 640 : i32
    %mul3A_0 = arith.muli %arg1, %mul3A : i32
    %eq3A = arith.constant 0 : i32
    %eq3A_1 = arith.cmpi eq, %arg0, %eq3A : i32
    %mul3A_2 = arith.constant 44 : i32
    %mul3A_3 = arith.muli %arg1, %mul3A_2 : i32
    %mul3A_4 = arith.constant 36 : i32
    %mul3A_5 = arith.muli %arg1, %mul3A_4 : i32
    %add3A = arith.constant 704 : i32
    %add3A_6 = arith.addi %add3A, %mul3A_5 : i32
    %select_n3A = arith.select %eq3A_1, %mul3A_3, %add3A_6 : i32
    %eq3A_7 = arith.constant 0 : i32
    %eq3A_8 = arith.cmpi eq, %arg0, %eq3A_7 : i32
    %jit3A = arith.constant 11 : i32
    %jit3A_9 = arith.constant 9 : i32
    %select_n3A_10 = arith.select %eq3A_8, %jit3A, %jit3A_9 : i32
    "tpu.region"() ({
      %run_scoped3A_21 = tpu.sem_alloc : memref<!tpu.dma_semaphore, #tpu.memory_space<semaphore_mem>>
      %dma_start3A = arith.constant 0 : i32
      %dma_start3A_22 = tpu.memref_slice %arg8[%mul3A_0, %dma_start3A] : memref<10240x16xf32, #tpu.memory_space<vmem_shared>> -> memref<640x16xf32, #tpu.memory_space<vmem_shared>>
      %dma_start3A_23 = arith.constant 0 : i32
      %dma_start3A_24 = tpu.memref_slice %arg4[%mul3A_0, %dma_start3A_23] : memref<10240x16xf32, #tpu.memory_space<hbm>> -> memref<640x16xf32, #tpu.memory_space<hbm>>
      tpu.enqueue_dma source(%dma_start3A_24 : memref<640x16xf32, #tpu.memory_space<hbm>>) target(%dma_start3A_22 : memref<640x16xf32, #tpu.memory_space<vmem_shared>>) target_semaphore(%run_scoped3A_21 : memref<!tpu.dma_semaphore, #tpu.memory_space<semaphore_mem>>)
      %dma_wait3A = arith.constant 0 : i32
      %dma_wait3A_25 = tpu.memref_slice %arg8[%mul3A_0, %dma_wait3A] : memref<10240x16xf32, #tpu.memory_space<vmem_shared>> -> memref<640x16xf32, #tpu.memory_space<vmem_shared>>
      %dma_wait3A_26 = arith.constant 0 : i32
      %dma_wait3A_27 = tpu.memref_slice %arg4[%mul3A_0, %dma_wait3A_26] : memref<10240x16xf32, #tpu.memory_space<hbm>> -> memref<640x16xf32, #tpu.memory_space<hbm>>
      tpu.wait_dma2 semaphore(%run_scoped3A_21 : memref<!tpu.dma_semaphore, #tpu.memory_space<semaphore_mem>>) src(%dma_wait3A_27 : memref<640x16xf32, #tpu.memory_space<hbm>>) dst(%dma_wait3A_25 : memref<640x16xf32, #tpu.memory_space<vmem_shared>>)
      tpu.yield
    }) : () -> ()
    "tpu.region"() ({
      %run_scoped3A_21 = tpu.sem_alloc : memref<!tpu.dma_semaphore, #tpu.memory_space<semaphore_mem>>
      tpu.enqueue_dma source(%arg3 : memref<128x16xf32, #tpu.memory_space<hbm>>) target(%arg7 : memref<128x16xf32, #tpu.memory_space<vmem>>) target_semaphore(%run_scoped3A_21 : memref<!tpu.dma_semaphore, #tpu.memory_space<semaphore_mem>>)
      tpu.wait_dma2 semaphore(%run_scoped3A_21 : memref<!tpu.dma_semaphore, #tpu.memory_space<semaphore_mem>>) src(%arg3 : memref<128x16xf32, #tpu.memory_space<hbm>>) dst(%arg7 : memref<128x16xf32, #tpu.memory_space<vmem>>)
      tpu.yield
    }) : () -> ()
    %run_scoped3A = arith.constant 1 : i32
    "tpu.region"() ({
      %run_scoped3A_21 = tpu.sem_alloc : memref<!tpu.dma_semaphore, #tpu.memory_space<semaphore_mem>>
      %dma_start3A = arith.constant 0 : i32
      %dma_start3A_22 = tpu.memref_slice %arg2[%run_scoped3A, %select_n3A, %dma_start3A] : memref<2x1296x128xi32, #tpu.memory_space<hbm>> -> memref<1x44x128xi32, #tpu.memory_space<hbm>>
      %dma_start3A_23 = tpu.memref_squeeze %dma_start3A_22 : memref<1x44x128xi32, #tpu.memory_space<hbm>> -> memref<44x128xi32, #tpu.memory_space<hbm>>
      %dma_start3A_24 = arith.constant 0 : i32
      %dma_start3A_25 = tpu.memref_slice %arg2[%run_scoped3A, %select_n3A, %dma_start3A_24] : memref<2x1296x128xi32, #tpu.memory_space<hbm>> -> memref<1x44x128xi32, #tpu.memory_space<hbm>>
      %dma_start3A_26 = tpu.memref_squeeze %dma_start3A_25 : memref<1x44x128xi32, #tpu.memory_space<hbm>> -> memref<44x128xi32, #tpu.memory_space<hbm>>
      tpu.enqueue_dma source(%dma_start3A_26 : memref<44x128xi32, #tpu.memory_space<hbm>>) target(%arg6 : memref<44x128xi32, #tpu.memory_space<vmem>>) target_semaphore(%run_scoped3A_21 : memref<!tpu.dma_semaphore, #tpu.memory_space<semaphore_mem>>)
      %dma_wait3A = arith.constant 0 : i32
      %dma_wait3A_27 = tpu.memref_slice %arg2[%run_scoped3A, %select_n3A, %dma_wait3A] : memref<2x1296x128xi32, #tpu.memory_space<hbm>> -> memref<1x44x128xi32, #tpu.memory_space<hbm>>
      %dma_wait3A_28 = tpu.memref_squeeze %dma_wait3A_27 : memref<1x44x128xi32, #tpu.memory_space<hbm>> -> memref<44x128xi32, #tpu.memory_space<hbm>>
      %dma_wait3A_29 = arith.constant 0 : i32
      %dma_wait3A_30 = tpu.memref_slice %arg2[%run_scoped3A, %select_n3A, %dma_wait3A_29] : memref<2x1296x128xi32, #tpu.memory_space<hbm>> -> memref<1x44x128xi32, #tpu.memory_space<hbm>>
      %dma_wait3A_31 = tpu.memref_squeeze %dma_wait3A_30 : memref<1x44x128xi32, #tpu.memory_space<hbm>> -> memref<44x128xi32, #tpu.memory_space<hbm>>
      tpu.wait_dma2 semaphore(%run_scoped3A_21 : memref<!tpu.dma_semaphore, #tpu.memory_space<semaphore_mem>>) src(%dma_wait3A_31 : memref<44x128xi32, #tpu.memory_space<hbm>>) dst(%arg6 : memref<44x128xi32, #tpu.memory_space<vmem>>)
      tpu.yield
    }) : () -> ()
    %barrier3A = arith.constant 0 : index
    tpu.barrier barrier_id(%barrier3A)
    %while3A = arith.constant 0 : i32
    %while3A_11 = arith.constant 0 : i32
    %while3A_12 = arith.subi %select_n3A_10, %while3A_11 : i32
    %while3A_13 = arith.addi %while3A_11, %while3A_12 : i32
    %while3A_14 = arith.constant 1 : i32
    %while3A_15 = arith.divsi %while3A_12, %while3A_14 : i32
    %while3A_16 = arith.muli %while3A_15, %while3A_14 : i32
    %while3A_17 = arith.addi %while3A_11, %while3A_16 : i32
    %while3A_18 = arith.constant 1 : i32
    scf.for %while3A_21 = %while3A_11 to %while3A_17 step %while3A_18  : i32 {
      %mul3A_22 = arith.constant 4 : i32
      %mul3A_23 = arith.muli %while3A_21, %mul3A_22 : i32
      %add3A_24 = arith.constant 0 : i32
      %add3A_25 = arith.addi %mul3A_23, %add3A_24 : i32
      %dma_start3A = arith.constant 0 : i32
      %dma_start3A_26 = arith.constant 0 : i32
      %dma_start3A_27 = tpu.memref_slice %arg6[%add3A_25, %dma_start3A_26] : memref<44x128xi32, #tpu.memory_space<vmem>> -> memref<1x128xi32, #tpu.memory_space<vmem>>
      %dma_start3A_28 = tpu.memref_squeeze %dma_start3A_27 : memref<1x128xi32, #tpu.memory_space<vmem>> -> memref<128xi32, #tpu.memory_space<vmem>>
      %dma_start3A_29 = arith.constant 0 : i32
      %dma_start3A_30 = arith.constant 0 : i32
      %dma_start3A_31 = tpu.memref_slice %arg8[%dma_start3A_29, %dma_start3A_30] : memref<10240x16xf32, #tpu.memory_space<vmem_shared>> -> memref<10240x16xf32, #tpu.memory_space<vmem_shared>>
      %dma_start3A_32 = tpu.memref_slice %arg9[%dma_start3A] : memref<4x!tpu.dma_semaphore, #tpu.memory_space<semaphore_mem>> -> memref<1x!tpu.dma_semaphore, #tpu.memory_space<semaphore_mem>>
      %dma_start3A_33 = tpu.memref_squeeze %dma_start3A_32 : memref<1x!tpu.dma_semaphore, #tpu.memory_space<semaphore_mem>> -> memref<!tpu.dma_semaphore, #tpu.memory_space<semaphore_mem>>
      tpu.enqueue_indirect_dma source(%arg7 : memref<128x16xf32, #tpu.memory_space<vmem>>) target(%dma_start3A_31 : memref<10240x16xf32, #tpu.memory_space<vmem_shared>>) offsets(%dma_start3A_28 : memref<128xi32, #tpu.memory_space<vmem>>) semaphore(%dma_start3A_33 : memref<!tpu.dma_semaphore, #tpu.memory_space<semaphore_mem>>) {add = true}
      %add3A_34 = arith.constant 1 : i32
      %add3A_35 = arith.addi %mul3A_23, %add3A_34 : i32
      %dma_start3A_36 = arith.constant 1 : i32
      %dma_start3A_37 = arith.constant 0 : i32
      %dma_start3A_38 = tpu.memref_slice %arg6[%add3A_35, %dma_start3A_37] : memref<44x128xi32, #tpu.memory_space<vmem>> -> memref<1x128xi32, #tpu.memory_space<vmem>>
      %dma_start3A_39 = tpu.memref_squeeze %dma_start3A_38 : memref<1x128xi32, #tpu.memory_space<vmem>> -> memref<128xi32, #tpu.memory_space<vmem>>
      %dma_start3A_40 = arith.constant 0 : i32
      %dma_start3A_41 = arith.constant 0 : i32
      %dma_start3A_42 = tpu.memref_slice %arg8[%dma_start3A_40, %dma_start3A_41] : memref<10240x16xf32, #tpu.memory_space<vmem_shared>> -> memref<10240x16xf32, #tpu.memory_space<vmem_shared>>
      %dma_start3A_43 = tpu.memref_slice %arg9[%dma_start3A_36] : memref<4x!tpu.dma_semaphore, #tpu.memory_space<semaphore_mem>> -> memref<1x!tpu.dma_semaphore, #tpu.memory_space<semaphore_mem>>
      %dma_start3A_44 = tpu.memref_squeeze %dma_start3A_43 : memref<1x!tpu.dma_semaphore, #tpu.memory_space<semaphore_mem>> -> memref<!tpu.dma_semaphore, #tpu.memory_space<semaphore_mem>>
      tpu.enqueue_indirect_dma source(%arg7 : memref<128x16xf32, #tpu.memory_space<vmem>>) target(%dma_start3A_42 : memref<10240x16xf32, #tpu.memory_space<vmem_shared>>) offsets(%dma_start3A_39 : memref<128xi32, #tpu.memory_space<vmem>>) semaphore(%dma_start3A_44 : memref<!tpu.dma_semaphore, #tpu.memory_space<semaphore_mem>>) {add = true}
      %add3A_45 = arith.constant 2 : i32
      %add3A_46 = arith.addi %mul3A_23, %add3A_45 : i32
      %dma_start3A_47 = arith.constant 2 : i32
      %dma_start3A_48 = arith.constant 0 : i32
      %dma_start3A_49 = tpu.memref_slice %arg6[%add3A_46, %dma_start3A_48] : memref<44x128xi32, #tpu.memory_space<vmem>> -> memref<1x128xi32, #tpu.memory_space<vmem>>
      %dma_start3A_50 = tpu.memref_squeeze %dma_start3A_49 : memref<1x128xi32, #tpu.memory_space<vmem>> -> memref<128xi32, #tpu.memory_space<vmem>>
      %dma_start3A_51 = arith.constant 0 : i32
      %dma_start3A_52 = arith.constant 0 : i32
      %dma_start3A_53 = tpu.memref_slice %arg8[%dma_start3A_51, %dma_start3A_52] : memref<10240x16xf32, #tpu.memory_space<vmem_shared>> -> memref<10240x16xf32, #tpu.memory_space<vmem_shared>>
      %dma_start3A_54 = tpu.memref_slice %arg9[%dma_start3A_47] : memref<4x!tpu.dma_semaphore, #tpu.memory_space<semaphore_mem>> -> memref<1x!tpu.dma_semaphore, #tpu.memory_space<semaphore_mem>>
      %dma_start3A_55 = tpu.memref_squeeze %dma_start3A_54 : memref<1x!tpu.dma_semaphore, #tpu.memory_space<semaphore_mem>> -> memref<!tpu.dma_semaphore, #tpu.memory_space<semaphore_mem>>
      tpu.enqueue_indirect_dma source(%arg7 : memref<128x16xf32, #tpu.memory_space<vmem>>) target(%dma_start3A_53 : memref<10240x16xf32, #tpu.memory_space<vmem_shared>>) offsets(%dma_start3A_50 : memref<128xi32, #tpu.memory_space<vmem>>) semaphore(%dma_start3A_55 : memref<!tpu.dma_semaphore, #tpu.memory_space<semaphore_mem>>) {add = true}
      %add3A_56 = arith.constant 3 : i32
      %add3A_57 = arith.addi %mul3A_23, %add3A_56 : i32
      %dma_start3A_58 = arith.constant 3 : i32
      %dma_start3A_59 = arith.constant 0 : i32
      %dma_start3A_60 = tpu.memref_slice %arg6[%add3A_57, %dma_start3A_59] : memref<44x128xi32, #tpu.memory_space<vmem>> -> memref<1x128xi32, #tpu.memory_space<vmem>>
      %dma_start3A_61 = tpu.memref_squeeze %dma_start3A_60 : memref<1x128xi32, #tpu.memory_space<vmem>> -> memref<128xi32, #tpu.memory_space<vmem>>
      %dma_start3A_62 = arith.constant 0 : i32
      %dma_start3A_63 = arith.constant 0 : i32
      %dma_start3A_64 = tpu.memref_slice %arg8[%dma_start3A_62, %dma_start3A_63] : memref<10240x16xf32, #tpu.memory_space<vmem_shared>> -> memref<10240x16xf32, #tpu.memory_space<vmem_shared>>
      %dma_start3A_65 = tpu.memref_slice %arg9[%dma_start3A_58] : memref<4x!tpu.dma_semaphore, #tpu.memory_space<semaphore_mem>> -> memref<1x!tpu.dma_semaphore, #tpu.memory_space<semaphore_mem>>
      %dma_start3A_66 = tpu.memref_squeeze %dma_start3A_65 : memref<1x!tpu.dma_semaphore, #tpu.memory_space<semaphore_mem>> -> memref<!tpu.dma_semaphore, #tpu.memory_space<semaphore_mem>>
      tpu.enqueue_indirect_dma source(%arg7 : memref<128x16xf32, #tpu.memory_space<vmem>>) target(%dma_start3A_64 : memref<10240x16xf32, #tpu.memory_space<vmem_shared>>) offsets(%dma_start3A_61 : memref<128xi32, #tpu.memory_space<vmem>>) semaphore(%dma_start3A_66 : memref<!tpu.dma_semaphore, #tpu.memory_space<semaphore_mem>>) {add = true}
      %dma_wait3A = arith.constant 0 : i32
      %dma_wait3A_67 = arith.constant 0 : i32
      %dma_wait3A_68 = tpu.memref_slice %arg6[%add3A_25, %dma_wait3A_67] : memref<44x128xi32, #tpu.memory_space<vmem>> -> memref<1x128xi32, #tpu.memory_space<vmem>>
      %dma_wait3A_69 = tpu.memref_squeeze %dma_wait3A_68 : memref<1x128xi32, #tpu.memory_space<vmem>> -> memref<128xi32, #tpu.memory_space<vmem>>
      %dma_wait3A_70 = arith.constant 0 : i32
      %dma_wait3A_71 = arith.constant 0 : i32
      %dma_wait3A_72 = tpu.memref_slice %arg8[%dma_wait3A_70, %dma_wait3A_71] : memref<10240x16xf32, #tpu.memory_space<vmem_shared>> -> memref<10240x16xf32, #tpu.memory_space<vmem_shared>>
      %dma_wait3A_73 = tpu.memref_slice %arg9[%dma_wait3A] : memref<4x!tpu.dma_semaphore, #tpu.memory_space<semaphore_mem>> -> memref<1x!tpu.dma_semaphore, #tpu.memory_space<semaphore_mem>>
      %dma_wait3A_74 = tpu.memref_squeeze %dma_wait3A_73 : memref<1x!tpu.dma_semaphore, #tpu.memory_space<semaphore_mem>> -> memref<!tpu.dma_semaphore, #tpu.memory_space<semaphore_mem>>
      tpu.wait_indirect_dma semaphore(%dma_wait3A_74 : memref<!tpu.dma_semaphore, #tpu.memory_space<semaphore_mem>>) src(%arg7 : memref<128x16xf32, #tpu.memory_space<vmem>>) dst(%dma_wait3A_72 : memref<10240x16xf32, #tpu.memory_space<vmem_shared>>)
      %dma_wait3A_75 = arith.constant 1 : i32
      %dma_wait3A_76 = arith.constant 0 : i32
      %dma_wait3A_77 = tpu.memref_slice %arg6[%add3A_35, %dma_wait3A_76] : memref<44x128xi32, #tpu.memory_space<vmem>> -> memref<1x128xi32, #tpu.memory_space<vmem>>
      %dma_wait3A_78 = tpu.memref_squeeze %dma_wait3A_77 : memref<1x128xi32, #tpu.memory_space<vmem>> -> memref<128xi32, #tpu.memory_space<vmem>>
      %dma_wait3A_79 = arith.constant 0 : i32
      %dma_wait3A_80 = arith.constant 0 : i32
      %dma_wait3A_81 = tpu.memref_slice %arg8[%dma_wait3A_79, %dma_wait3A_80] : memref<10240x16xf32, #tpu.memory_space<vmem_shared>> -> memref<10240x16xf32, #tpu.memory_space<vmem_shared>>
      %dma_wait3A_82 = tpu.memref_slice %arg9[%dma_wait3A_75] : memref<4x!tpu.dma_semaphore, #tpu.memory_space<semaphore_mem>> -> memref<1x!tpu.dma_semaphore, #tpu.memory_space<semaphore_mem>>
      %dma_wait3A_83 = tpu.memref_squeeze %dma_wait3A_82 : memref<1x!tpu.dma_semaphore, #tpu.memory_space<semaphore_mem>> -> memref<!tpu.dma_semaphore, #tpu.memory_space<semaphore_mem>>
      tpu.wait_indirect_dma semaphore(%dma_wait3A_83 : memref<!tpu.dma_semaphore, #tpu.memory_space<semaphore_mem>>) src(%arg7 : memref<128x16xf32, #tpu.memory_space<vmem>>) dst(%dma_wait3A_81 : memref<10240x16xf32, #tpu.memory_space<vmem_shared>>)
      %dma_wait3A_84 = arith.constant 2 : i32
      %dma_wait3A_85 = arith.constant 0 : i32
      %dma_wait3A_86 = tpu.memref_slice %arg6[%add3A_46, %dma_wait3A_85] : memref<44x128xi32, #tpu.memory_space<vmem>> -> memref<1x128xi32, #tpu.memory_space<vmem>>
      %dma_wait3A_87 = tpu.memref_squeeze %dma_wait3A_86 : memref<1x128xi32, #tpu.memory_space<vmem>> -> memref<128xi32, #tpu.memory_space<vmem>>
      %dma_wait3A_88 = arith.constant 0 : i32
      %dma_wait3A_89 = arith.constant 0 : i32
      %dma_wait3A_90 = tpu.memref_slice %arg8[%dma_wait3A_88, %dma_wait3A_89] : memref<10240x16xf32, #tpu.memory_space<vmem_shared>> -> memref<10240x16xf32, #tpu.memory_space<vmem_shared>>
      %dma_wait3A_91 = tpu.memref_slice %arg9[%dma_wait3A_84] : memref<4x!tpu.dma_semaphore, #tpu.memory_space<semaphore_mem>> -> memref<1x!tpu.dma_semaphore, #tpu.memory_space<semaphore_mem>>
      %dma_wait3A_92 = tpu.memref_squeeze %dma_wait3A_91 : memref<1x!tpu.dma_semaphore, #tpu.memory_space<semaphore_mem>> -> memref<!tpu.dma_semaphore, #tpu.memory_space<semaphore_mem>>
      tpu.wait_indirect_dma semaphore(%dma_wait3A_92 : memref<!tpu.dma_semaphore, #tpu.memory_space<semaphore_mem>>) src(%arg7 : memref<128x16xf32, #tpu.memory_space<vmem>>) dst(%dma_wait3A_90 : memref<10240x16xf32, #tpu.memory_space<vmem_shared>>)
      %dma_wait3A_93 = arith.constant 3 : i32
      %dma_wait3A_94 = arith.constant 0 : i32
      %dma_wait3A_95 = tpu.memref_slice %arg6[%add3A_57, %dma_wait3A_94] : memref<44x128xi32, #tpu.memory_space<vmem>> -> memref<1x128xi32, #tpu.memory_space<vmem>>
      %dma_wait3A_96 = tpu.memref_squeeze %dma_wait3A_95 : memref<1x128xi32, #tpu.memory_space<vmem>> -> memref<128xi32, #tpu.memory_space<vmem>>
      %dma_wait3A_97 = arith.constant 0 : i32
      %dma_wait3A_98 = arith.constant 0 : i32
      %dma_wait3A_99 = tpu.memref_slice %arg8[%dma_wait3A_97, %dma_wait3A_98] : memref<10240x16xf32, #tpu.memory_space<vmem_shared>> -> memref<10240x16xf32, #tpu.memory_space<vmem_shared>>
      %dma_wait3A_100 = tpu.memref_slice %arg9[%dma_wait3A_93] : memref<4x!tpu.dma_semaphore, #tpu.memory_space<semaphore_mem>> -> memref<1x!tpu.dma_semaphore, #tpu.memory_space<semaphore_mem>>
      %dma_wait3A_101 = tpu.memref_squeeze %dma_wait3A_100 : memref<1x!tpu.dma_semaphore, #tpu.memory_space<semaphore_mem>> -> memref<!tpu.dma_semaphore, #tpu.memory_space<semaphore_mem>>
      tpu.wait_indirect_dma semaphore(%dma_wait3A_101 : memref<!tpu.dma_semaphore, #tpu.memory_space<semaphore_mem>>) src(%arg7 : memref<128x16xf32, #tpu.memory_space<vmem>>) dst(%dma_wait3A_99 : memref<10240x16xf32, #tpu.memory_space<vmem_shared>>)
    }
    %while3A_19 = arith.constant 1 : i32
    scf.for %while3A_21 = %while3A_17 to %while3A_13 step %while3A_19  : i32 {
      %mul3A_22 = arith.constant 4 : i32
      %mul3A_23 = arith.muli %while3A_21, %mul3A_22 : i32
      %add3A_24 = arith.constant 0 : i32
      %add3A_25 = arith.addi %mul3A_23, %add3A_24 : i32
      %dma_start3A = arith.constant 0 : i32
      %dma_start3A_26 = arith.constant 0 : i32
      %dma_start3A_27 = tpu.memref_slice %arg6[%add3A_25, %dma_start3A_26] : memref<44x128xi32, #tpu.memory_space<vmem>> -> memref<1x128xi32, #tpu.memory_space<vmem>>
      %dma_start3A_28 = tpu.memref_squeeze %dma_start3A_27 : memref<1x128xi32, #tpu.memory_space<vmem>> -> memref<128xi32, #tpu.memory_space<vmem>>
      %dma_start3A_29 = arith.constant 0 : i32
      %dma_start3A_30 = arith.constant 0 : i32
      %dma_start3A_31 = tpu.memref_slice %arg8[%dma_start3A_29, %dma_start3A_30] : memref<10240x16xf32, #tpu.memory_space<vmem_shared>> -> memref<10240x16xf32, #tpu.memory_space<vmem_shared>>
      %dma_start3A_32 = tpu.memref_slice %arg9[%dma_start3A] : memref<4x!tpu.dma_semaphore, #tpu.memory_space<semaphore_mem>> -> memref<1x!tpu.dma_semaphore, #tpu.memory_space<semaphore_mem>>
      %dma_start3A_33 = tpu.memref_squeeze %dma_start3A_32 : memref<1x!tpu.dma_semaphore, #tpu.memory_space<semaphore_mem>> -> memref<!tpu.dma_semaphore, #tpu.memory_space<semaphore_mem>>
      tpu.enqueue_indirect_dma source(%arg7 : memref<128x16xf32, #tpu.memory_space<vmem>>) target(%dma_start3A_31 : memref<10240x16xf32, #tpu.memory_space<vmem_shared>>) offsets(%dma_start3A_28 : memref<128xi32, #tpu.memory_space<vmem>>) semaphore(%dma_start3A_33 : memref<!tpu.dma_semaphore, #tpu.memory_space<semaphore_mem>>) {add = true}
      %add3A_34 = arith.constant 1 : i32
      %add3A_35 = arith.addi %mul3A_23, %add3A_34 : i32
      %dma_start3A_36 = arith.constant 1 : i32
      %dma_start3A_37 = arith.constant 0 : i32
      %dma_start3A_38 = tpu.memref_slice %arg6[%add3A_35, %dma_start3A_37] : memref<44x128xi32, #tpu.memory_space<vmem>> -> memref<1x128xi32, #tpu.memory_space<vmem>>
      %dma_start3A_39 = tpu.memref_squeeze %dma_start3A_38 : memref<1x128xi32, #tpu.memory_space<vmem>> -> memref<128xi32, #tpu.memory_space<vmem>>
      %dma_start3A_40 = arith.constant 0 : i32
      %dma_start3A_41 = arith.constant 0 : i32
      %dma_start3A_42 = tpu.memref_slice %arg8[%dma_start3A_40, %dma_start3A_41] : memref<10240x16xf32, #tpu.memory_space<vmem_shared>> -> memref<10240x16xf32, #tpu.memory_space<vmem_shared>>
      %dma_start3A_43 = tpu.memref_slice %arg9[%dma_start3A_36] : memref<4x!tpu.dma_semaphore, #tpu.memory_space<semaphore_mem>> -> memref<1x!tpu.dma_semaphore, #tpu.memory_space<semaphore_mem>>
      %dma_start3A_44 = tpu.memref_squeeze %dma_start3A_43 : memref<1x!tpu.dma_semaphore, #tpu.memory_space<semaphore_mem>> -> memref<!tpu.dma_semaphore, #tpu.memory_space<semaphore_mem>>
      tpu.enqueue_indirect_dma source(%arg7 : memref<128x16xf32, #tpu.memory_space<vmem>>) target(%dma_start3A_42 : memref<10240x16xf32, #tpu.memory_space<vmem_shared>>) offsets(%dma_start3A_39 : memref<128xi32, #tpu.memory_space<vmem>>) semaphore(%dma_start3A_44 : memref<!tpu.dma_semaphore, #tpu.memory_space<semaphore_mem>>) {add = true}
      %add3A_45 = arith.constant 2 : i32
      %add3A_46 = arith.addi %mul3A_23, %add3A_45 : i32
      %dma_start3A_47 = arith.constant 2 : i32
      %dma_start3A_48 = arith.constant 0 : i32
      %dma_start3A_49 = tpu.memref_slice %arg6[%add3A_46, %dma_start3A_48] : memref<44x128xi32, #tpu.memory_space<vmem>> -> memref<1x128xi32, #tpu.memory_space<vmem>>
      %dma_start3A_50 = tpu.memref_squeeze %dma_start3A_49 : memref<1x128xi32, #tpu.memory_space<vmem>> -> memref<128xi32, #tpu.memory_space<vmem>>
      %dma_start3A_51 = arith.constant 0 : i32
      %dma_start3A_52 = arith.constant 0 : i32
      %dma_start3A_53 = tpu.memref_slice %arg8[%dma_start3A_51, %dma_start3A_52] : memref<10240x16xf32, #tpu.memory_space<vmem_shared>> -> memref<10240x16xf32, #tpu.memory_space<vmem_shared>>
      %dma_start3A_54 = tpu.memref_slice %arg9[%dma_start3A_47] : memref<4x!tpu.dma_semaphore, #tpu.memory_space<semaphore_mem>> -> memref<1x!tpu.dma_semaphore, #tpu.memory_space<semaphore_mem>>
      %dma_start3A_55 = tpu.memref_squeeze %dma_start3A_54 : memref<1x!tpu.dma_semaphore, #tpu.memory_space<semaphore_mem>> -> memref<!tpu.dma_semaphore, #tpu.memory_space<semaphore_mem>>
      tpu.enqueue_indirect_dma source(%arg7 : memref<128x16xf32, #tpu.memory_space<vmem>>) target(%dma_start3A_53 : memref<10240x16xf32, #tpu.memory_space<vmem_shared>>) offsets(%dma_start3A_50 : memref<128xi32, #tpu.memory_space<vmem>>) semaphore(%dma_start3A_55 : memref<!tpu.dma_semaphore, #tpu.memory_space<semaphore_mem>>) {add = true}
      %add3A_56 = arith.constant 3 : i32
      %add3A_57 = arith.addi %mul3A_23, %add3A_56 : i32
      %dma_start3A_58 = arith.constant 3 : i32
      %dma_start3A_59 = arith.constant 0 : i32
      %dma_start3A_60 = tpu.memref_slice %arg6[%add3A_57, %dma_start3A_59] : memref<44x128xi32, #tpu.memory_space<vmem>> -> memref<1x128xi32, #tpu.memory_space<vmem>>
      %dma_start3A_61 = tpu.memref_squeeze %dma_start3A_60 : memref<1x128xi32, #tpu.memory_space<vmem>> -> memref<128xi32, #tpu.memory_space<vmem>>
      %dma_start3A_62 = arith.constant 0 : i32
      %dma_start3A_63 = arith.constant 0 : i32
      %dma_start3A_64 = tpu.memref_slice %arg8[%dma_start3A_62, %dma_start3A_63] : memref<10240x16xf32, #tpu.memory_space<vmem_shared>> -> memref<10240x16xf32, #tpu.memory_space<vmem_shared>>
      %dma_start3A_65 = tpu.memref_slice %arg9[%dma_start3A_58] : memref<4x!tpu.dma_semaphore, #tpu.memory_space<semaphore_mem>> -> memref<1x!tpu.dma_semaphore, #tpu.memory_space<semaphore_mem>>
      %dma_start3A_66 = tpu.memref_squeeze %dma_start3A_65 : memref<1x!tpu.dma_semaphore, #tpu.memory_space<semaphore_mem>> -> memref<!tpu.dma_semaphore, #tpu.memory_space<semaphore_mem>>
      tpu.enqueue_indirect_dma source(%arg7 : memref<128x16xf32, #tpu.memory_space<vmem>>) target(%dma_start3A_64 : memref<10240x16xf32, #tpu.memory_space<vmem_shared>>) offsets(%dma_start3A_61 : memref<128xi32, #tpu.memory_space<vmem>>) semaphore(%dma_start3A_66 : memref<!tpu.dma_semaphore, #tpu.memory_space<semaphore_mem>>) {add = true}
      %dma_wait3A = arith.constant 0 : i32
      %dma_wait3A_67 = arith.constant 0 : i32
      %dma_wait3A_68 = tpu.memref_slice %arg6[%add3A_25, %dma_wait3A_67] : memref<44x128xi32, #tpu.memory_space<vmem>> -> memref<1x128xi32, #tpu.memory_space<vmem>>
      %dma_wait3A_69 = tpu.memref_squeeze %dma_wait3A_68 : memref<1x128xi32, #tpu.memory_space<vmem>> -> memref<128xi32, #tpu.memory_space<vmem>>
      %dma_wait3A_70 = arith.constant 0 : i32
      %dma_wait3A_71 = arith.constant 0 : i32
      %dma_wait3A_72 = tpu.memref_slice %arg8[%dma_wait3A_70, %dma_wait3A_71] : memref<10240x16xf32, #tpu.memory_space<vmem_shared>> -> memref<10240x16xf32, #tpu.memory_space<vmem_shared>>
      %dma_wait3A_73 = tpu.memref_slice %arg9[%dma_wait3A] : memref<4x!tpu.dma_semaphore, #tpu.memory_space<semaphore_mem>> -> memref<1x!tpu.dma_semaphore, #tpu.memory_space<semaphore_mem>>
      %dma_wait3A_74 = tpu.memref_squeeze %dma_wait3A_73 : memref<1x!tpu.dma_semaphore, #tpu.memory_space<semaphore_mem>> -> memref<!tpu.dma_semaphore, #tpu.memory_space<semaphore_mem>>
      tpu.wait_indirect_dma semaphore(%dma_wait3A_74 : memref<!tpu.dma_semaphore, #tpu.memory_space<semaphore_mem>>) src(%arg7 : memref<128x16xf32, #tpu.memory_space<vmem>>) dst(%dma_wait3A_72 : memref<10240x16xf32, #tpu.memory_space<vmem_shared>>)
      %dma_wait3A_75 = arith.constant 1 : i32
      %dma_wait3A_76 = arith.constant 0 : i32
      %dma_wait3A_77 = tpu.memref_slice %arg6[%add3A_35, %dma_wait3A_76] : memref<44x128xi32, #tpu.memory_space<vmem>> -> memref<1x128xi32, #tpu.memory_space<vmem>>
      %dma_wait3A_78 = tpu.memref_squeeze %dma_wait3A_77 : memref<1x128xi32, #tpu.memory_space<vmem>> -> memref<128xi32, #tpu.memory_space<vmem>>
      %dma_wait3A_79 = arith.constant 0 : i32
      %dma_wait3A_80 = arith.constant 0 : i32
      %dma_wait3A_81 = tpu.memref_slice %arg8[%dma_wait3A_79, %dma_wait3A_80] : memref<10240x16xf32, #tpu.memory_space<vmem_shared>> -> memref<10240x16xf32, #tpu.memory_space<vmem_shared>>
      %dma_wait3A_82 = tpu.memref_slice %arg9[%dma_wait3A_75] : memref<4x!tpu.dma_semaphore, #tpu.memory_space<semaphore_mem>> -> memref<1x!tpu.dma_semaphore, #tpu.memory_space<semaphore_mem>>
      %dma_wait3A_83 = tpu.memref_squeeze %dma_wait3A_82 : memref<1x!tpu.dma_semaphore, #tpu.memory_space<semaphore_mem>> -> memref<!tpu.dma_semaphore, #tpu.memory_space<semaphore_mem>>
      tpu.wait_indirect_dma semaphore(%dma_wait3A_83 : memref<!tpu.dma_semaphore, #tpu.memory_space<semaphore_mem>>) src(%arg7 : memref<128x16xf32, #tpu.memory_space<vmem>>) dst(%dma_wait3A_81 : memref<10240x16xf32, #tpu.memory_space<vmem_shared>>)
      %dma_wait3A_84 = arith.constant 2 : i32
      %dma_wait3A_85 = arith.constant 0 : i32
      %dma_wait3A_86 = tpu.memref_slice %arg6[%add3A_46, %dma_wait3A_85] : memref<44x128xi32, #tpu.memory_space<vmem>> -> memref<1x128xi32, #tpu.memory_space<vmem>>
      %dma_wait3A_87 = tpu.memref_squeeze %dma_wait3A_86 : memref<1x128xi32, #tpu.memory_space<vmem>> -> memref<128xi32, #tpu.memory_space<vmem>>
      %dma_wait3A_88 = arith.constant 0 : i32
      %dma_wait3A_89 = arith.constant 0 : i32
      %dma_wait3A_90 = tpu.memref_slice %arg8[%dma_wait3A_88, %dma_wait3A_89] : memref<10240x16xf32, #tpu.memory_space<vmem_shared>> -> memref<10240x16xf32, #tpu.memory_space<vmem_shared>>
      %dma_wait3A_91 = tpu.memref_slice %arg9[%dma_wait3A_84] : memref<4x!tpu.dma_semaphore, #tpu.memory_space<semaphore_mem>> -> memref<1x!tpu.dma_semaphore, #tpu.memory_space<semaphore_mem>>
      %dma_wait3A_92 = tpu.memref_squeeze %dma_wait3A_91 : memref<1x!tpu.dma_semaphore, #tpu.memory_space<semaphore_mem>> -> memref<!tpu.dma_semaphore, #tpu.memory_space<semaphore_mem>>
      tpu.wait_indirect_dma semaphore(%dma_wait3A_92 : memref<!tpu.dma_semaphore, #tpu.memory_space<semaphore_mem>>) src(%arg7 : memref<128x16xf32, #tpu.memory_space<vmem>>) dst(%dma_wait3A_90 : memref<10240x16xf32, #tpu.memory_space<vmem_shared>>)
      %dma_wait3A_93 = arith.constant 3 : i32
      %dma_wait3A_94 = arith.constant 0 : i32
      %dma_wait3A_95 = tpu.memref_slice %arg6[%add3A_57, %dma_wait3A_94] : memref<44x128xi32, #tpu.memory_space<vmem>> -> memref<1x128xi32, #tpu.memory_space<vmem>>
      %dma_wait3A_96 = tpu.memref_squeeze %dma_wait3A_95 : memref<1x128xi32, #tpu.memory_space<vmem>> -> memref<128xi32, #tpu.memory_space<vmem>>
      %dma_wait3A_97 = arith.constant 0 : i32
      %dma_wait3A_98 = arith.constant 0 : i32
      %dma_wait3A_99 = tpu.memref_slice %arg8[%dma_wait3A_97, %dma_wait3A_98] : memref<10240x16xf32, #tpu.memory_space<vmem_shared>> -> memref<10240x16xf32, #tpu.memory_space<vmem_shared>>
      %dma_wait3A_100 = tpu.memref_slice %arg9[%dma_wait3A_93] : memref<4x!tpu.dma_semaphore, #tpu.memory_space<semaphore_mem>> -> memref<1x!tpu.dma_semaphore, #tpu.memory_space<semaphore_mem>>
      %dma_wait3A_101 = tpu.memref_squeeze %dma_wait3A_100 : memref<1x!tpu.dma_semaphore, #tpu.memory_space<semaphore_mem>> -> memref<!tpu.dma_semaphore, #tpu.memory_space<semaphore_mem>>
      tpu.wait_indirect_dma semaphore(%dma_wait3A_101 : memref<!tpu.dma_semaphore, #tpu.memory_space<semaphore_mem>>) src(%arg7 : memref<128x16xf32, #tpu.memory_space<vmem>>) dst(%dma_wait3A_99 : memref<10240x16xf32, #tpu.memory_space<vmem_shared>>)
    }
    %barrier3A_20 = arith.constant 0 : index
    tpu.barrier barrier_id(%barrier3A_20)
    "tpu.region"() ({
      %run_scoped3A_21 = tpu.sem_alloc : memref<!tpu.dma_semaphore, #tpu.memory_space<semaphore_mem>>
      %dma_start3A = arith.constant 0 : i32
      %dma_start3A_22 = tpu.memref_slice %arg5[%arg0, %mul3A_0, %dma_start3A] : memref<2x10240x16xf32, #tpu.memory_space<hbm>> -> memref<1x640x16xf32, #tpu.memory_space<hbm>>
      %dma_start3A_23 = tpu.memref_squeeze %dma_start3A_22 : memref<1x640x16xf32, #tpu.memory_space<hbm>> -> memref<640x16xf32, #tpu.memory_space<hbm>>
      %dma_start3A_24 = arith.constant 0 : i32
      %dma_start3A_25 = tpu.memref_slice %arg8[%mul3A_0, %dma_start3A_24] : memref<10240x16xf32, #tpu.memory_space<vmem_shared>> -> memref<640x16xf32, #tpu.memory_space<vmem_shared>>
      tpu.enqueue_dma source(%dma_start3A_25 : memref<640x16xf32, #tpu.memory_space<vmem_shared>>) target(%dma_start3A_23 : memref<640x16xf32, #tpu.memory_space<hbm>>) target_semaphore(%run_scoped3A_21 : memref<!tpu.dma_semaphore, #tpu.memory_space<semaphore_mem>>)
      %dma_wait3A = arith.constant 0 : i32
      %dma_wait3A_26 = tpu.memref_slice %arg5[%arg0, %mul3A_0, %dma_wait3A] : memref<2x10240x16xf32, #tpu.memory_space<hbm>> -> memref<1x640x16xf32, #tpu.memory_space<hbm>>
      %dma_wait3A_27 = tpu.memref_squeeze %dma_wait3A_26 : memref<1x640x16xf32, #tpu.memory_space<hbm>> -> memref<640x16xf32, #tpu.memory_space<hbm>>
      %dma_wait3A_28 = arith.constant 0 : i32
      %dma_wait3A_29 = tpu.memref_slice %arg8[%mul3A_0, %dma_wait3A_28] : memref<10240x16xf32, #tpu.memory_space<vmem_shared>> -> memref<640x16xf32, #tpu.memory_space<vmem_shared>>
      tpu.wait_dma2 semaphore(%run_scoped3A_21 : memref<!tpu.dma_semaphore, #tpu.memory_space<semaphore_mem>>) src(%dma_wait3A_29 : memref<640x16xf32, #tpu.memory_space<vmem_shared>>) dst(%dma_wait3A_27 : memref<640x16xf32, #tpu.memory_space<hbm>>)
      tpu.yield
    }) : () -> ()
    return
  }
}

#map = affine_map<(d0, d1) -> (0, 0, 0)>
#map1 = affine_map<(d0, d1) -> (0, 0)>
module attributes {stable_mosaic.version = 14 : i64} {
  func.func @_edge_agg_kernel(%arg0: i32, %arg1: i32, %arg2: memref<2x1296x128xi32, #tpu.memory_space<hbm>>, %arg3: memref<10240x16xf32, #tpu.memory_space<hbm>>, %arg4: memref<10240x16xf32, #tpu.memory_space<hbm>>, %arg5: memref<2x10240x16xf32, #tpu.memory_space<hbm>>, %arg6: memref<44x128xi32, #tpu.memory_space<vmem>>, %arg7: memref<44x128xi32, #tpu.memory_space<vmem>>, %arg8: memref<4x128x16xf32, #tpu.memory_space<vmem>>, %arg9: memref<10240x16xf32, #tpu.memory_space<vmem_shared>>, %arg10: memref<10240x16xf32, #tpu.memory_space<vmem_shared>>, %arg11: memref<4x!tpu.dma_semaphore, #tpu.memory_space<semaphore_mem>>, %arg12: memref<4x!tpu.dma_semaphore, #tpu.memory_space<semaphore_mem>>) attributes {dimension_semantics = [#tpu.dimension_semantics<core_parallel>, #tpu.dimension_semantics<subcore_parallel>], iteration_bounds = array<i64: 2, 16>, scalar_prefetch = 0 : i64, scratch_operands = 7 : i64, tpu.core_type = #tpu.core_type<sc_vector_subcore>, window_params = [{transform_indices = #map}, {transform_indices = #map1}, {transform_indices = #map1}, {transform_indices = #map}]} {
    %mul3A = arith.constant 640 : i32
    %mul3A_0 = arith.muli %arg1, %mul3A : i32
    %eq3A = arith.constant 0 : i32
    %eq3A_1 = arith.cmpi eq, %arg0, %eq3A : i32
    %mul3A_2 = arith.constant 44 : i32
    %mul3A_3 = arith.muli %arg1, %mul3A_2 : i32
    %mul3A_4 = arith.constant 36 : i32
    %mul3A_5 = arith.muli %arg1, %mul3A_4 : i32
    %add3A = arith.constant 704 : i32
    %add3A_6 = arith.addi %add3A, %mul3A_5 : i32
    %select_n3A = arith.select %eq3A_1, %mul3A_3, %add3A_6 : i32
    %eq3A_7 = arith.constant 0 : i32
    %eq3A_8 = arith.cmpi eq, %arg0, %eq3A_7 : i32
    %jit3A = arith.constant 11 : i32
    %jit3A_9 = arith.constant 9 : i32
    %select_n3A_10 = arith.select %eq3A_8, %jit3A, %jit3A_9 : i32
    "tpu.region"() ({
      %run_scoped3A_22 = tpu.sem_alloc : memref<!tpu.dma_semaphore, #tpu.memory_space<semaphore_mem>>
      %dma_start3A = arith.constant 0 : i32
      %dma_start3A_23 = tpu.memref_slice %arg9[%mul3A_0, %dma_start3A] : memref<10240x16xf32, #tpu.memory_space<vmem_shared>> -> memref<640x16xf32, #tpu.memory_space<vmem_shared>>
      %dma_start3A_24 = arith.constant 0 : i32
      %dma_start3A_25 = tpu.memref_slice %arg4[%mul3A_0, %dma_start3A_24] : memref<10240x16xf32, #tpu.memory_space<hbm>> -> memref<640x16xf32, #tpu.memory_space<hbm>>
      tpu.enqueue_dma source(%dma_start3A_25 : memref<640x16xf32, #tpu.memory_space<hbm>>) target(%dma_start3A_23 : memref<640x16xf32, #tpu.memory_space<vmem_shared>>) target_semaphore(%run_scoped3A_22 : memref<!tpu.dma_semaphore, #tpu.memory_space<semaphore_mem>>)
      %dma_wait3A = arith.constant 0 : i32
      %dma_wait3A_26 = tpu.memref_slice %arg9[%mul3A_0, %dma_wait3A] : memref<10240x16xf32, #tpu.memory_space<vmem_shared>> -> memref<640x16xf32, #tpu.memory_space<vmem_shared>>
      %dma_wait3A_27 = arith.constant 0 : i32
      %dma_wait3A_28 = tpu.memref_slice %arg4[%mul3A_0, %dma_wait3A_27] : memref<10240x16xf32, #tpu.memory_space<hbm>> -> memref<640x16xf32, #tpu.memory_space<hbm>>
      tpu.wait_dma2 semaphore(%run_scoped3A_22 : memref<!tpu.dma_semaphore, #tpu.memory_space<semaphore_mem>>) src(%dma_wait3A_28 : memref<640x16xf32, #tpu.memory_space<hbm>>) dst(%dma_wait3A_26 : memref<640x16xf32, #tpu.memory_space<vmem_shared>>)
      tpu.yield
    }) : () -> ()
    "tpu.region"() ({
      %run_scoped3A_22 = tpu.sem_alloc : memref<!tpu.dma_semaphore, #tpu.memory_space<semaphore_mem>>
      %dma_start3A = arith.constant 0 : i32
      %dma_start3A_23 = tpu.memref_slice %arg10[%mul3A_0, %dma_start3A] : memref<10240x16xf32, #tpu.memory_space<vmem_shared>> -> memref<640x16xf32, #tpu.memory_space<vmem_shared>>
      %dma_start3A_24 = arith.constant 0 : i32
      %dma_start3A_25 = tpu.memref_slice %arg3[%mul3A_0, %dma_start3A_24] : memref<10240x16xf32, #tpu.memory_space<hbm>> -> memref<640x16xf32, #tpu.memory_space<hbm>>
      tpu.enqueue_dma source(%dma_start3A_25 : memref<640x16xf32, #tpu.memory_space<hbm>>) target(%dma_start3A_23 : memref<640x16xf32, #tpu.memory_space<vmem_shared>>) target_semaphore(%run_scoped3A_22 : memref<!tpu.dma_semaphore, #tpu.memory_space<semaphore_mem>>)
      %dma_wait3A = arith.constant 0 : i32
      %dma_wait3A_26 = tpu.memref_slice %arg10[%mul3A_0, %dma_wait3A] : memref<10240x16xf32, #tpu.memory_space<vmem_shared>> -> memref<640x16xf32, #tpu.memory_space<vmem_shared>>
      %dma_wait3A_27 = arith.constant 0 : i32
      %dma_wait3A_28 = tpu.memref_slice %arg3[%mul3A_0, %dma_wait3A_27] : memref<10240x16xf32, #tpu.memory_space<hbm>> -> memref<640x16xf32, #tpu.memory_space<hbm>>
      tpu.wait_dma2 semaphore(%run_scoped3A_22 : memref<!tpu.dma_semaphore, #tpu.memory_space<semaphore_mem>>) src(%dma_wait3A_28 : memref<640x16xf32, #tpu.memory_space<hbm>>) dst(%dma_wait3A_26 : memref<640x16xf32, #tpu.memory_space<vmem_shared>>)
      tpu.yield
    }) : () -> ()
    %run_scoped3A = arith.constant 0 : i32
    "tpu.region"() ({
      %run_scoped3A_22 = tpu.sem_alloc : memref<!tpu.dma_semaphore, #tpu.memory_space<semaphore_mem>>
      %dma_start3A = arith.constant 0 : i32
      %dma_start3A_23 = tpu.memref_slice %arg2[%run_scoped3A, %select_n3A, %dma_start3A] : memref<2x1296x128xi32, #tpu.memory_space<hbm>> -> memref<1x44x128xi32, #tpu.memory_space<hbm>>
      %dma_start3A_24 = tpu.memref_squeeze %dma_start3A_23 : memref<1x44x128xi32, #tpu.memory_space<hbm>> -> memref<44x128xi32, #tpu.memory_space<hbm>>
      %dma_start3A_25 = arith.constant 0 : i32
      %dma_start3A_26 = tpu.memref_slice %arg2[%run_scoped3A, %select_n3A, %dma_start3A_25] : memref<2x1296x128xi32, #tpu.memory_space<hbm>> -> memref<1x44x128xi32, #tpu.memory_space<hbm>>
      %dma_start3A_27 = tpu.memref_squeeze %dma_start3A_26 : memref<1x44x128xi32, #tpu.memory_space<hbm>> -> memref<44x128xi32, #tpu.memory_space<hbm>>
      tpu.enqueue_dma source(%dma_start3A_27 : memref<44x128xi32, #tpu.memory_space<hbm>>) target(%arg6 : memref<44x128xi32, #tpu.memory_space<vmem>>) target_semaphore(%run_scoped3A_22 : memref<!tpu.dma_semaphore, #tpu.memory_space<semaphore_mem>>)
      %dma_wait3A = arith.constant 0 : i32
      %dma_wait3A_28 = tpu.memref_slice %arg2[%run_scoped3A, %select_n3A, %dma_wait3A] : memref<2x1296x128xi32, #tpu.memory_space<hbm>> -> memref<1x44x128xi32, #tpu.memory_space<hbm>>
      %dma_wait3A_29 = tpu.memref_squeeze %dma_wait3A_28 : memref<1x44x128xi32, #tpu.memory_space<hbm>> -> memref<44x128xi32, #tpu.memory_space<hbm>>
      %dma_wait3A_30 = arith.constant 0 : i32
      %dma_wait3A_31 = tpu.memref_slice %arg2[%run_scoped3A, %select_n3A, %dma_wait3A_30] : memref<2x1296x128xi32, #tpu.memory_space<hbm>> -> memref<1x44x128xi32, #tpu.memory_space<hbm>>
      %dma_wait3A_32 = tpu.memref_squeeze %dma_wait3A_31 : memref<1x44x128xi32, #tpu.memory_space<hbm>> -> memref<44x128xi32, #tpu.memory_space<hbm>>
      tpu.wait_dma2 semaphore(%run_scoped3A_22 : memref<!tpu.dma_semaphore, #tpu.memory_space<semaphore_mem>>) src(%dma_wait3A_32 : memref<44x128xi32, #tpu.memory_space<hbm>>) dst(%arg6 : memref<44x128xi32, #tpu.memory_space<vmem>>)
      tpu.yield
    }) : () -> ()
    %run_scoped3A_11 = arith.constant 1 : i32
    "tpu.region"() ({
      %run_scoped3A_22 = tpu.sem_alloc : memref<!tpu.dma_semaphore, #tpu.memory_space<semaphore_mem>>
      %dma_start3A = arith.constant 0 : i32
      %dma_start3A_23 = tpu.memref_slice %arg2[%run_scoped3A_11, %select_n3A, %dma_start3A] : memref<2x1296x128xi32, #tpu.memory_space<hbm>> -> memref<1x44x128xi32, #tpu.memory_space<hbm>>
      %dma_start3A_24 = tpu.memref_squeeze %dma_start3A_23 : memref<1x44x128xi32, #tpu.memory_space<hbm>> -> memref<44x128xi32, #tpu.memory_space<hbm>>
      %dma_start3A_25 = arith.constant 0 : i32
      %dma_start3A_26 = tpu.memref_slice %arg2[%run_scoped3A_11, %select_n3A, %dma_start3A_25] : memref<2x1296x128xi32, #tpu.memory_space<hbm>> -> memref<1x44x128xi32, #tpu.memory_space<hbm>>
      %dma_start3A_27 = tpu.memref_squeeze %dma_start3A_26 : memref<1x44x128xi32, #tpu.memory_space<hbm>> -> memref<44x128xi32, #tpu.memory_space<hbm>>
      tpu.enqueue_dma source(%dma_start3A_27 : memref<44x128xi32, #tpu.memory_space<hbm>>) target(%arg7 : memref<44x128xi32, #tpu.memory_space<vmem>>) target_semaphore(%run_scoped3A_22 : memref<!tpu.dma_semaphore, #tpu.memory_space<semaphore_mem>>)
      %dma_wait3A = arith.constant 0 : i32
      %dma_wait3A_28 = tpu.memref_slice %arg2[%run_scoped3A_11, %select_n3A, %dma_wait3A] : memref<2x1296x128xi32, #tpu.memory_space<hbm>> -> memref<1x44x128xi32, #tpu.memory_space<hbm>>
      %dma_wait3A_29 = tpu.memref_squeeze %dma_wait3A_28 : memref<1x44x128xi32, #tpu.memory_space<hbm>> -> memref<44x128xi32, #tpu.memory_space<hbm>>
      %dma_wait3A_30 = arith.constant 0 : i32
      %dma_wait3A_31 = tpu.memref_slice %arg2[%run_scoped3A_11, %select_n3A, %dma_wait3A_30] : memref<2x1296x128xi32, #tpu.memory_space<hbm>> -> memref<1x44x128xi32, #tpu.memory_space<hbm>>
      %dma_wait3A_32 = tpu.memref_squeeze %dma_wait3A_31 : memref<1x44x128xi32, #tpu.memory_space<hbm>> -> memref<44x128xi32, #tpu.memory_space<hbm>>
      tpu.wait_dma2 semaphore(%run_scoped3A_22 : memref<!tpu.dma_semaphore, #tpu.memory_space<semaphore_mem>>) src(%dma_wait3A_32 : memref<44x128xi32, #tpu.memory_space<hbm>>) dst(%arg7 : memref<44x128xi32, #tpu.memory_space<vmem>>)
      tpu.yield
    }) : () -> ()
    %barrier3A = arith.constant 0 : index
    tpu.barrier barrier_id(%barrier3A)
    %while3A = arith.constant 0 : i32
    %while3A_12 = arith.constant 0 : i32
    %while3A_13 = arith.subi %select_n3A_10, %while3A_12 : i32
    %while3A_14 = arith.addi %while3A_12, %while3A_13 : i32
    %while3A_15 = arith.constant 1 : i32
    %while3A_16 = arith.divsi %while3A_13, %while3A_15 : i32
    %while3A_17 = arith.muli %while3A_16, %while3A_15 : i32
    %while3A_18 = arith.addi %while3A_12, %while3A_17 : i32
    %while3A_19 = arith.constant 1 : i32
    scf.for %while3A_22 = %while3A_12 to %while3A_18 step %while3A_19  : i32 {
      %mul3A_23 = arith.constant 4 : i32
      %mul3A_24 = arith.muli %while3A_22, %mul3A_23 : i32
      %add3A_25 = arith.constant 0 : i32
      %add3A_26 = arith.addi %mul3A_24, %add3A_25 : i32
      %dma_start3A = arith.constant 0 : i32
      %dma_start3A_27 = arith.constant 0 : i32
      %dma_start3A_28 = arith.constant 0 : i32
      %dma_start3A_29 = arith.constant 0 : i32
      %dma_start3A_30 = tpu.memref_slice %arg8[%dma_start3A, %dma_start3A_28, %dma_start3A_29] : memref<4x128x16xf32, #tpu.memory_space<vmem>> -> memref<1x128x16xf32, #tpu.memory_space<vmem>>
      %dma_start3A_31 = tpu.memref_squeeze %dma_start3A_30 : memref<1x128x16xf32, #tpu.memory_space<vmem>> -> memref<128x16xf32, #tpu.memory_space<vmem>>
      %dma_start3A_32 = arith.constant 0 : i32
      %dma_start3A_33 = tpu.memref_slice %arg6[%add3A_26, %dma_start3A_32] : memref<44x128xi32, #tpu.memory_space<vmem>> -> memref<1x128xi32, #tpu.memory_space<vmem>>
      %dma_start3A_34 = tpu.memref_squeeze %dma_start3A_33 : memref<1x128xi32, #tpu.memory_space<vmem>> -> memref<128xi32, #tpu.memory_space<vmem>>
      %dma_start3A_35 = arith.constant 0 : i32
      %dma_start3A_36 = arith.constant 0 : i32
      %dma_start3A_37 = tpu.memref_slice %arg10[%dma_start3A_35, %dma_start3A_36] : memref<10240x16xf32, #tpu.memory_space<vmem_shared>> -> memref<10240x16xf32, #tpu.memory_space<vmem_shared>>
      %dma_start3A_38 = tpu.memref_slice %arg11[%dma_start3A_27] : memref<4x!tpu.dma_semaphore, #tpu.memory_space<semaphore_mem>> -> memref<1x!tpu.dma_semaphore, #tpu.memory_space<semaphore_mem>>
      %dma_start3A_39 = tpu.memref_squeeze %dma_start3A_38 : memref<1x!tpu.dma_semaphore, #tpu.memory_space<semaphore_mem>> -> memref<!tpu.dma_semaphore, #tpu.memory_space<semaphore_mem>>
      tpu.enqueue_indirect_dma source(%dma_start3A_37 : memref<10240x16xf32, #tpu.memory_space<vmem_shared>>) target(%dma_start3A_31 : memref<128x16xf32, #tpu.memory_space<vmem>>) offsets(%dma_start3A_34 : memref<128xi32, #tpu.memory_space<vmem>>) semaphore(%dma_start3A_39 : memref<!tpu.dma_semaphore, #tpu.memory_space<semaphore_mem>>)
      %add3A_40 = arith.constant 1 : i32
      %add3A_41 = arith.addi %mul3A_24, %add3A_40 : i32
      %dma_start3A_42 = arith.constant 1 : i32
      %dma_start3A_43 = arith.constant 1 : i32
      %dma_start3A_44 = arith.constant 0 : i32
      %dma_start3A_45 = arith.constant 0 : i32
      %dma_start3A_46 = tpu.memref_slice %arg8[%dma_start3A_42, %dma_start3A_44, %dma_start3A_45] : memref<4x128x16xf32, #tpu.memory_space<vmem>> -> memref<1x128x16xf32, #tpu.memory_space<vmem>>
      %dma_start3A_47 = tpu.memref_squeeze %dma_start3A_46 : memref<1x128x16xf32, #tpu.memory_space<vmem>> -> memref<128x16xf32, #tpu.memory_space<vmem>>
      %dma_start3A_48 = arith.constant 0 : i32
      %dma_start3A_49 = tpu.memref_slice %arg6[%add3A_41, %dma_start3A_48] : memref<44x128xi32, #tpu.memory_space<vmem>> -> memref<1x128xi32, #tpu.memory_space<vmem>>
      %dma_start3A_50 = tpu.memref_squeeze %dma_start3A_49 : memref<1x128xi32, #tpu.memory_space<vmem>> -> memref<128xi32, #tpu.memory_space<vmem>>
      %dma_start3A_51 = arith.constant 0 : i32
      %dma_start3A_52 = arith.constant 0 : i32
      %dma_start3A_53 = tpu.memref_slice %arg10[%dma_start3A_51, %dma_start3A_52] : memref<10240x16xf32, #tpu.memory_space<vmem_shared>> -> memref<10240x16xf32, #tpu.memory_space<vmem_shared>>
      %dma_start3A_54 = tpu.memref_slice %arg11[%dma_start3A_43] : memref<4x!tpu.dma_semaphore, #tpu.memory_space<semaphore_mem>> -> memref<1x!tpu.dma_semaphore, #tpu.memory_space<semaphore_mem>>
      %dma_start3A_55 = tpu.memref_squeeze %dma_start3A_54 : memref<1x!tpu.dma_semaphore, #tpu.memory_space<semaphore_mem>> -> memref<!tpu.dma_semaphore, #tpu.memory_space<semaphore_mem>>
      tpu.enqueue_indirect_dma source(%dma_start3A_53 : memref<10240x16xf32, #tpu.memory_space<vmem_shared>>) target(%dma_start3A_47 : memref<128x16xf32, #tpu.memory_space<vmem>>) offsets(%dma_start3A_50 : memref<128xi32, #tpu.memory_space<vmem>>) semaphore(%dma_start3A_55 : memref<!tpu.dma_semaphore, #tpu.memory_space<semaphore_mem>>)
      %add3A_56 = arith.constant 2 : i32
      %add3A_57 = arith.addi %mul3A_24, %add3A_56 : i32
      %dma_start3A_58 = arith.constant 2 : i32
      %dma_start3A_59 = arith.constant 2 : i32
      %dma_start3A_60 = arith.constant 0 : i32
      %dma_start3A_61 = arith.constant 0 : i32
      %dma_start3A_62 = tpu.memref_slice %arg8[%dma_start3A_58, %dma_start3A_60, %dma_start3A_61] : memref<4x128x16xf32, #tpu.memory_space<vmem>> -> memref<1x128x16xf32, #tpu.memory_space<vmem>>
      %dma_start3A_63 = tpu.memref_squeeze %dma_start3A_62 : memref<1x128x16xf32, #tpu.memory_space<vmem>> -> memref<128x16xf32, #tpu.memory_space<vmem>>
      %dma_start3A_64 = arith.constant 0 : i32
      %dma_start3A_65 = tpu.memref_slice %arg6[%add3A_57, %dma_start3A_64] : memref<44x128xi32, #tpu.memory_space<vmem>> -> memref<1x128xi32, #tpu.memory_space<vmem>>
      %dma_start3A_66 = tpu.memref_squeeze %dma_start3A_65 : memref<1x128xi32, #tpu.memory_space<vmem>> -> memref<128xi32, #tpu.memory_space<vmem>>
      %dma_start3A_67 = arith.constant 0 : i32
      %dma_start3A_68 = arith.constant 0 : i32
      %dma_start3A_69 = tpu.memref_slice %arg10[%dma_start3A_67, %dma_start3A_68] : memref<10240x16xf32, #tpu.memory_space<vmem_shared>> -> memref<10240x16xf32, #tpu.memory_space<vmem_shared>>
      %dma_start3A_70 = tpu.memref_slice %arg11[%dma_start3A_59] : memref<4x!tpu.dma_semaphore, #tpu.memory_space<semaphore_mem>> -> memref<1x!tpu.dma_semaphore, #tpu.memory_space<semaphore_mem>>
      %dma_start3A_71 = tpu.memref_squeeze %dma_start3A_70 : memref<1x!tpu.dma_semaphore, #tpu.memory_space<semaphore_mem>> -> memref<!tpu.dma_semaphore, #tpu.memory_space<semaphore_mem>>
      tpu.enqueue_indirect_dma source(%dma_start3A_69 : memref<10240x16xf32, #tpu.memory_space<vmem_shared>>) target(%dma_start3A_63 : memref<128x16xf32, #tpu.memory_space<vmem>>) offsets(%dma_start3A_66 : memref<128xi32, #tpu.memory_space<vmem>>) semaphore(%dma_start3A_71 : memref<!tpu.dma_semaphore, #tpu.memory_space<semaphore_mem>>)
      %add3A_72 = arith.constant 3 : i32
      %add3A_73 = arith.addi %mul3A_24, %add3A_72 : i32
      %dma_start3A_74 = arith.constant 3 : i32
      %dma_start3A_75 = arith.constant 3 : i32
      %dma_start3A_76 = arith.constant 0 : i32
      %dma_start3A_77 = arith.constant 0 : i32
      %dma_start3A_78 = tpu.memref_slice %arg8[%dma_start3A_74, %dma_start3A_76, %dma_start3A_77] : memref<4x128x16xf32, #tpu.memory_space<vmem>> -> memref<1x128x16xf32, #tpu.memory_space<vmem>>
      %dma_start3A_79 = tpu.memref_squeeze %dma_start3A_78 : memref<1x128x16xf32, #tpu.memory_space<vmem>> -> memref<128x16xf32, #tpu.memory_space<vmem>>
      %dma_start3A_80 = arith.constant 0 : i32
      %dma_start3A_81 = tpu.memref_slice %arg6[%add3A_73, %dma_start3A_80] : memref<44x128xi32, #tpu.memory_space<vmem>> -> memref<1x128xi32, #tpu.memory_space<vmem>>
      %dma_start3A_82 = tpu.memref_squeeze %dma_start3A_81 : memref<1x128xi32, #tpu.memory_space<vmem>> -> memref<128xi32, #tpu.memory_space<vmem>>
      %dma_start3A_83 = arith.constant 0 : i32
      %dma_start3A_84 = arith.constant 0 : i32
      %dma_start3A_85 = tpu.memref_slice %arg10[%dma_start3A_83, %dma_start3A_84] : memref<10240x16xf32, #tpu.memory_space<vmem_shared>> -> memref<10240x16xf32, #tpu.memory_space<vmem_shared>>
      %dma_start3A_86 = tpu.memref_slice %arg11[%dma_start3A_75] : memref<4x!tpu.dma_semaphore, #tpu.memory_space<semaphore_mem>> -> memref<1x!tpu.dma_semaphore, #tpu.memory_space<semaphore_mem>>
      %dma_start3A_87 = tpu.memref_squeeze %dma_start3A_86 : memref<1x!tpu.dma_semaphore, #tpu.memory_space<semaphore_mem>> -> memref<!tpu.dma_semaphore, #tpu.memory_space<semaphore_mem>>
      tpu.enqueue_indirect_dma source(%dma_start3A_85 : memref<10240x16xf32, #tpu.memory_space<vmem_shared>>) target(%dma_start3A_79 : memref<128x16xf32, #tpu.memory_space<vmem>>) offsets(%dma_start3A_82 : memref<128xi32, #tpu.memory_space<vmem>>) semaphore(%dma_start3A_87 : memref<!tpu.dma_semaphore, #tpu.memory_space<semaphore_mem>>)
      %dma_wait3A = arith.constant 0 : i32
      %dma_wait3A_88 = arith.constant 0 : i32
      %dma_wait3A_89 = arith.constant 0 : i32
      %dma_wait3A_90 = arith.constant 0 : i32
      %dma_wait3A_91 = tpu.memref_slice %arg8[%dma_wait3A, %dma_wait3A_89, %dma_wait3A_90] : memref<4x128x16xf32, #tpu.memory_space<vmem>> -> memref<1x128x16xf32, #tpu.memory_space<vmem>>
      %dma_wait3A_92 = tpu.memref_squeeze %dma_wait3A_91 : memref<1x128x16xf32, #tpu.memory_space<vmem>> -> memref<128x16xf32, #tpu.memory_space<vmem>>
      %dma_wait3A_93 = arith.constant 0 : i32
      %dma_wait3A_94 = tpu.memref_slice %arg6[%add3A_26, %dma_wait3A_93] : memref<44x128xi32, #tpu.memory_space<vmem>> -> memref<1x128xi32, #tpu.memory_space<vmem>>
      %dma_wait3A_95 = tpu.memref_squeeze %dma_wait3A_94 : memref<1x128xi32, #tpu.memory_space<vmem>> -> memref<128xi32, #tpu.memory_space<vmem>>
      %dma_wait3A_96 = arith.constant 0 : i32
      %dma_wait3A_97 = arith.constant 0 : i32
      %dma_wait3A_98 = tpu.memref_slice %arg10[%dma_wait3A_96, %dma_wait3A_97] : memref<10240x16xf32, #tpu.memory_space<vmem_shared>> -> memref<10240x16xf32, #tpu.memory_space<vmem_shared>>
      %dma_wait3A_99 = tpu.memref_slice %arg11[%dma_wait3A_88] : memref<4x!tpu.dma_semaphore, #tpu.memory_space<semaphore_mem>> -> memref<1x!tpu.dma_semaphore, #tpu.memory_space<semaphore_mem>>
      %dma_wait3A_100 = tpu.memref_squeeze %dma_wait3A_99 : memref<1x!tpu.dma_semaphore, #tpu.memory_space<semaphore_mem>> -> memref<!tpu.dma_semaphore, #tpu.memory_space<semaphore_mem>>
      tpu.wait_indirect_dma semaphore(%dma_wait3A_100 : memref<!tpu.dma_semaphore, #tpu.memory_space<semaphore_mem>>) src(%dma_wait3A_98 : memref<10240x16xf32, #tpu.memory_space<vmem_shared>>) dst(%dma_wait3A_92 : memref<128x16xf32, #tpu.memory_space<vmem>>)
      %add3A_101 = arith.constant 0 : i32
      %add3A_102 = arith.addi %mul3A_24, %add3A_101 : i32
      %dma_start3A_103 = arith.constant 0 : i32
      %dma_start3A_104 = arith.constant 0 : i32
      %dma_start3A_105 = arith.constant 0 : i32
      %dma_start3A_106 = arith.constant 0 : i32
      %dma_start3A_107 = tpu.memref_slice %arg8[%dma_start3A_103, %dma_start3A_105, %dma_start3A_106] : memref<4x128x16xf32, #tpu.memory_space<vmem>> -> memref<1x128x16xf32, #tpu.memory_space<vmem>>
      %dma_start3A_108 = tpu.memref_squeeze %dma_start3A_107 : memref<1x128x16xf32, #tpu.memory_space<vmem>> -> memref<128x16xf32, #tpu.memory_space<vmem>>
      %dma_start3A_109 = arith.constant 0 : i32
      %dma_start3A_110 = tpu.memref_slice %arg7[%add3A_102, %dma_start3A_109] : memref<44x128xi32, #tpu.memory_space<vmem>> -> memref<1x128xi32, #tpu.memory_space<vmem>>
      %dma_start3A_111 = tpu.memref_squeeze %dma_start3A_110 : memref<1x128xi32, #tpu.memory_space<vmem>> -> memref<128xi32, #tpu.memory_space<vmem>>
      %dma_start3A_112 = arith.constant 0 : i32
      %dma_start3A_113 = arith.constant 0 : i32
      %dma_start3A_114 = tpu.memref_slice %arg9[%dma_start3A_112, %dma_start3A_113] : memref<10240x16xf32, #tpu.memory_space<vmem_shared>> -> memref<10240x16xf32, #tpu.memory_space<vmem_shared>>
      %dma_start3A_115 = tpu.memref_slice %arg12[%dma_start3A_104] : memref<4x!tpu.dma_semaphore, #tpu.memory_space<semaphore_mem>> -> memref<1x!tpu.dma_semaphore, #tpu.memory_space<semaphore_mem>>
      %dma_start3A_116 = tpu.memref_squeeze %dma_start3A_115 : memref<1x!tpu.dma_semaphore, #tpu.memory_space<semaphore_mem>> -> memref<!tpu.dma_semaphore, #tpu.memory_space<semaphore_mem>>
      tpu.enqueue_indirect_dma source(%dma_start3A_108 : memref<128x16xf32, #tpu.memory_space<vmem>>) target(%dma_start3A_114 : memref<10240x16xf32, #tpu.memory_space<vmem_shared>>) offsets(%dma_start3A_111 : memref<128xi32, #tpu.memory_space<vmem>>) semaphore(%dma_start3A_116 : memref<!tpu.dma_semaphore, #tpu.memory_space<semaphore_mem>>) {add = true}
      %dma_wait3A_117 = arith.constant 1 : i32
      %dma_wait3A_118 = arith.constant 1 : i32
      %dma_wait3A_119 = arith.constant 0 : i32
      %dma_wait3A_120 = arith.constant 0 : i32
      %dma_wait3A_121 = tpu.memref_slice %arg8[%dma_wait3A_117, %dma_wait3A_119, %dma_wait3A_120] : memref<4x128x16xf32, #tpu.memory_space<vmem>> -> memref<1x128x16xf32, #tpu.memory_space<vmem>>
      %dma_wait3A_122 = tpu.memref_squeeze %dma_wait3A_121 : memref<1x128x16xf32, #tpu.memory_space<vmem>> -> memref<128x16xf32, #tpu.memory_space<vmem>>
      %dma_wait3A_123 = arith.constant 0 : i32
      %dma_wait3A_124 = tpu.memref_slice %arg6[%add3A_41, %dma_wait3A_123] : memref<44x128xi32, #tpu.memory_space<vmem>> -> memref<1x128xi32, #tpu.memory_space<vmem>>
      %dma_wait3A_125 = tpu.memref_squeeze %dma_wait3A_124 : memref<1x128xi32, #tpu.memory_space<vmem>> -> memref<128xi32, #tpu.memory_space<vmem>>
      %dma_wait3A_126 = arith.constant 0 : i32
      %dma_wait3A_127 = arith.constant 0 : i32
      %dma_wait3A_128 = tpu.memref_slice %arg10[%dma_wait3A_126, %dma_wait3A_127] : memref<10240x16xf32, #tpu.memory_space<vmem_shared>> -> memref<10240x16xf32, #tpu.memory_space<vmem_shared>>
      %dma_wait3A_129 = tpu.memref_slice %arg11[%dma_wait3A_118] : memref<4x!tpu.dma_semaphore, #tpu.memory_space<semaphore_mem>> -> memref<1x!tpu.dma_semaphore, #tpu.memory_space<semaphore_mem>>
      %dma_wait3A_130 = tpu.memref_squeeze %dma_wait3A_129 : memref<1x!tpu.dma_semaphore, #tpu.memory_space<semaphore_mem>> -> memref<!tpu.dma_semaphore, #tpu.memory_space<semaphore_mem>>
      tpu.wait_indirect_dma semaphore(%dma_wait3A_130 : memref<!tpu.dma_semaphore, #tpu.memory_space<semaphore_mem>>) src(%dma_wait3A_128 : memref<10240x16xf32, #tpu.memory_space<vmem_shared>>) dst(%dma_wait3A_122 : memref<128x16xf32, #tpu.memory_space<vmem>>)
      %add3A_131 = arith.constant 1 : i32
      %add3A_132 = arith.addi %mul3A_24, %add3A_131 : i32
      %dma_start3A_133 = arith.constant 1 : i32
      %dma_start3A_134 = arith.constant 1 : i32
      %dma_start3A_135 = arith.constant 0 : i32
      %dma_start3A_136 = arith.constant 0 : i32
      %dma_start3A_137 = tpu.memref_slice %arg8[%dma_start3A_133, %dma_start3A_135, %dma_start3A_136] : memref<4x128x16xf32, #tpu.memory_space<vmem>> -> memref<1x128x16xf32, #tpu.memory_space<vmem>>
      %dma_start3A_138 = tpu.memref_squeeze %dma_start3A_137 : memref<1x128x16xf32, #tpu.memory_space<vmem>> -> memref<128x16xf32, #tpu.memory_space<vmem>>
      %dma_start3A_139 = arith.constant 0 : i32
      %dma_start3A_140 = tpu.memref_slice %arg7[%add3A_132, %dma_start3A_139] : memref<44x128xi32, #tpu.memory_space<vmem>> -> memref<1x128xi32, #tpu.memory_space<vmem>>
      %dma_start3A_141 = tpu.memref_squeeze %dma_start3A_140 : memref<1x128xi32, #tpu.memory_space<vmem>> -> memref<128xi32, #tpu.memory_space<vmem>>
      %dma_start3A_142 = arith.constant 0 : i32
      %dma_start3A_143 = arith.constant 0 : i32
      %dma_start3A_144 = tpu.memref_slice %arg9[%dma_start3A_142, %dma_start3A_143] : memref<10240x16xf32, #tpu.memory_space<vmem_shared>> -> memref<10240x16xf32, #tpu.memory_space<vmem_shared>>
      %dma_start3A_145 = tpu.memref_slice %arg12[%dma_start3A_134] : memref<4x!tpu.dma_semaphore, #tpu.memory_space<semaphore_mem>> -> memref<1x!tpu.dma_semaphore, #tpu.memory_space<semaphore_mem>>
      %dma_start3A_146 = tpu.memref_squeeze %dma_start3A_145 : memref<1x!tpu.dma_semaphore, #tpu.memory_space<semaphore_mem>> -> memref<!tpu.dma_semaphore, #tpu.memory_space<semaphore_mem>>
      tpu.enqueue_indirect_dma source(%dma_start3A_138 : memref<128x16xf32, #tpu.memory_space<vmem>>) target(%dma_start3A_144 : memref<10240x16xf32, #tpu.memory_space<vmem_shared>>) offsets(%dma_start3A_141 : memref<128xi32, #tpu.memory_space<vmem>>) semaphore(%dma_start3A_146 : memref<!tpu.dma_semaphore, #tpu.memory_space<semaphore_mem>>) {add = true}
      %dma_wait3A_147 = arith.constant 2 : i32
      %dma_wait3A_148 = arith.constant 2 : i32
      %dma_wait3A_149 = arith.constant 0 : i32
      %dma_wait3A_150 = arith.constant 0 : i32
      %dma_wait3A_151 = tpu.memref_slice %arg8[%dma_wait3A_147, %dma_wait3A_149, %dma_wait3A_150] : memref<4x128x16xf32, #tpu.memory_space<vmem>> -> memref<1x128x16xf32, #tpu.memory_space<vmem>>
      %dma_wait3A_152 = tpu.memref_squeeze %dma_wait3A_151 : memref<1x128x16xf32, #tpu.memory_space<vmem>> -> memref<128x16xf32, #tpu.memory_space<vmem>>
      %dma_wait3A_153 = arith.constant 0 : i32
      %dma_wait3A_154 = tpu.memref_slice %arg6[%add3A_57, %dma_wait3A_153] : memref<44x128xi32, #tpu.memory_space<vmem>> -> memref<1x128xi32, #tpu.memory_space<vmem>>
      %dma_wait3A_155 = tpu.memref_squeeze %dma_wait3A_154 : memref<1x128xi32, #tpu.memory_space<vmem>> -> memref<128xi32, #tpu.memory_space<vmem>>
      %dma_wait3A_156 = arith.constant 0 : i32
      %dma_wait3A_157 = arith.constant 0 : i32
      %dma_wait3A_158 = tpu.memref_slice %arg10[%dma_wait3A_156, %dma_wait3A_157] : memref<10240x16xf32, #tpu.memory_space<vmem_shared>> -> memref<10240x16xf32, #tpu.memory_space<vmem_shared>>
      %dma_wait3A_159 = tpu.memref_slice %arg11[%dma_wait3A_148] : memref<4x!tpu.dma_semaphore, #tpu.memory_space<semaphore_mem>> -> memref<1x!tpu.dma_semaphore, #tpu.memory_space<semaphore_mem>>
      %dma_wait3A_160 = tpu.memref_squeeze %dma_wait3A_159 : memref<1x!tpu.dma_semaphore, #tpu.memory_space<semaphore_mem>> -> memref<!tpu.dma_semaphore, #tpu.memory_space<semaphore_mem>>
      tpu.wait_indirect_dma semaphore(%dma_wait3A_160 : memref<!tpu.dma_semaphore, #tpu.memory_space<semaphore_mem>>) src(%dma_wait3A_158 : memref<10240x16xf32, #tpu.memory_space<vmem_shared>>) dst(%dma_wait3A_152 : memref<128x16xf32, #tpu.memory_space<vmem>>)
      %add3A_161 = arith.constant 2 : i32
      %add3A_162 = arith.addi %mul3A_24, %add3A_161 : i32
      %dma_start3A_163 = arith.constant 2 : i32
      %dma_start3A_164 = arith.constant 2 : i32
      %dma_start3A_165 = arith.constant 0 : i32
      %dma_start3A_166 = arith.constant 0 : i32
      %dma_start3A_167 = tpu.memref_slice %arg8[%dma_start3A_163, %dma_start3A_165, %dma_start3A_166] : memref<4x128x16xf32, #tpu.memory_space<vmem>> -> memref<1x128x16xf32, #tpu.memory_space<vmem>>
      %dma_start3A_168 = tpu.memref_squeeze %dma_start3A_167 : memref<1x128x16xf32, #tpu.memory_space<vmem>> -> memref<128x16xf32, #tpu.memory_space<vmem>>
      %dma_start3A_169 = arith.constant 0 : i32
      %dma_start3A_170 = tpu.memref_slice %arg7[%add3A_162, %dma_start3A_169] : memref<44x128xi32, #tpu.memory_space<vmem>> -> memref<1x128xi32, #tpu.memory_space<vmem>>
      %dma_start3A_171 = tpu.memref_squeeze %dma_start3A_170 : memref<1x128xi32, #tpu.memory_space<vmem>> -> memref<128xi32, #tpu.memory_space<vmem>>
      %dma_start3A_172 = arith.constant 0 : i32
      %dma_start3A_173 = arith.constant 0 : i32
      %dma_start3A_174 = tpu.memref_slice %arg9[%dma_start3A_172, %dma_start3A_173] : memref<10240x16xf32, #tpu.memory_space<vmem_shared>> -> memref<10240x16xf32, #tpu.memory_space<vmem_shared>>
      %dma_start3A_175 = tpu.memref_slice %arg12[%dma_start3A_164] : memref<4x!tpu.dma_semaphore, #tpu.memory_space<semaphore_mem>> -> memref<1x!tpu.dma_semaphore, #tpu.memory_space<semaphore_mem>>
      %dma_start3A_176 = tpu.memref_squeeze %dma_start3A_175 : memref<1x!tpu.dma_semaphore, #tpu.memory_space<semaphore_mem>> -> memref<!tpu.dma_semaphore, #tpu.memory_space<semaphore_mem>>
      tpu.enqueue_indirect_dma source(%dma_start3A_168 : memref<128x16xf32, #tpu.memory_space<vmem>>) target(%dma_start3A_174 : memref<10240x16xf32, #tpu.memory_space<vmem_shared>>) offsets(%dma_start3A_171 : memref<128xi32, #tpu.memory_space<vmem>>) semaphore(%dma_start3A_176 : memref<!tpu.dma_semaphore, #tpu.memory_space<semaphore_mem>>) {add = true}
      %dma_wait3A_177 = arith.constant 3 : i32
      %dma_wait3A_178 = arith.constant 3 : i32
      %dma_wait3A_179 = arith.constant 0 : i32
      %dma_wait3A_180 = arith.constant 0 : i32
      %dma_wait3A_181 = tpu.memref_slice %arg8[%dma_wait3A_177, %dma_wait3A_179, %dma_wait3A_180] : memref<4x128x16xf32, #tpu.memory_space<vmem>> -> memref<1x128x16xf32, #tpu.memory_space<vmem>>
      %dma_wait3A_182 = tpu.memref_squeeze %dma_wait3A_181 : memref<1x128x16xf32, #tpu.memory_space<vmem>> -> memref<128x16xf32, #tpu.memory_space<vmem>>
      %dma_wait3A_183 = arith.constant 0 : i32
      %dma_wait3A_184 = tpu.memref_slice %arg6[%add3A_73, %dma_wait3A_183] : memref<44x128xi32, #tpu.memory_space<vmem>> -> memref<1x128xi32, #tpu.memory_space<vmem>>
      %dma_wait3A_185 = tpu.memref_squeeze %dma_wait3A_184 : memref<1x128xi32, #tpu.memory_space<vmem>> -> memref<128xi32, #tpu.memory_space<vmem>>
      %dma_wait3A_186 = arith.constant 0 : i32
      %dma_wait3A_187 = arith.constant 0 : i32
      %dma_wait3A_188 = tpu.memref_slice %arg10[%dma_wait3A_186, %dma_wait3A_187] : memref<10240x16xf32, #tpu.memory_space<vmem_shared>> -> memref<10240x16xf32, #tpu.memory_space<vmem_shared>>
      %dma_wait3A_189 = tpu.memref_slice %arg11[%dma_wait3A_178] : memref<4x!tpu.dma_semaphore, #tpu.memory_space<semaphore_mem>> -> memref<1x!tpu.dma_semaphore, #tpu.memory_space<semaphore_mem>>
      %dma_wait3A_190 = tpu.memref_squeeze %dma_wait3A_189 : memref<1x!tpu.dma_semaphore, #tpu.memory_space<semaphore_mem>> -> memref<!tpu.dma_semaphore, #tpu.memory_space<semaphore_mem>>
      tpu.wait_indirect_dma semaphore(%dma_wait3A_190 : memref<!tpu.dma_semaphore, #tpu.memory_space<semaphore_mem>>) src(%dma_wait3A_188 : memref<10240x16xf32, #tpu.memory_space<vmem_shared>>) dst(%dma_wait3A_182 : memref<128x16xf32, #tpu.memory_space<vmem>>)
      %add3A_191 = arith.constant 3 : i32
      %add3A_192 = arith.addi %mul3A_24, %add3A_191 : i32
      %dma_start3A_193 = arith.constant 3 : i32
      %dma_start3A_194 = arith.constant 3 : i32
      %dma_start3A_195 = arith.constant 0 : i32
      %dma_start3A_196 = arith.constant 0 : i32
      %dma_start3A_197 = tpu.memref_slice %arg8[%dma_start3A_193, %dma_start3A_195, %dma_start3A_196] : memref<4x128x16xf32, #tpu.memory_space<vmem>> -> memref<1x128x16xf32, #tpu.memory_space<vmem>>
      %dma_start3A_198 = tpu.memref_squeeze %dma_start3A_197 : memref<1x128x16xf32, #tpu.memory_space<vmem>> -> memref<128x16xf32, #tpu.memory_space<vmem>>
      %dma_start3A_199 = arith.constant 0 : i32
      %dma_start3A_200 = tpu.memref_slice %arg7[%add3A_192, %dma_start3A_199] : memref<44x128xi32, #tpu.memory_space<vmem>> -> memref<1x128xi32, #tpu.memory_space<vmem>>
      %dma_start3A_201 = tpu.memref_squeeze %dma_start3A_200 : memref<1x128xi32, #tpu.memory_space<vmem>> -> memref<128xi32, #tpu.memory_space<vmem>>
      %dma_start3A_202 = arith.constant 0 : i32
      %dma_start3A_203 = arith.constant 0 : i32
      %dma_start3A_204 = tpu.memref_slice %arg9[%dma_start3A_202, %dma_start3A_203] : memref<10240x16xf32, #tpu.memory_space<vmem_shared>> -> memref<10240x16xf32, #tpu.memory_space<vmem_shared>>
      %dma_start3A_205 = tpu.memref_slice %arg12[%dma_start3A_194] : memref<4x!tpu.dma_semaphore, #tpu.memory_space<semaphore_mem>> -> memref<1x!tpu.dma_semaphore, #tpu.memory_space<semaphore_mem>>
      %dma_start3A_206 = tpu.memref_squeeze %dma_start3A_205 : memref<1x!tpu.dma_semaphore, #tpu.memory_space<semaphore_mem>> -> memref<!tpu.dma_semaphore, #tpu.memory_space<semaphore_mem>>
      tpu.enqueue_indirect_dma source(%dma_start3A_198 : memref<128x16xf32, #tpu.memory_space<vmem>>) target(%dma_start3A_204 : memref<10240x16xf32, #tpu.memory_space<vmem_shared>>) offsets(%dma_start3A_201 : memref<128xi32, #tpu.memory_space<vmem>>) semaphore(%dma_start3A_206 : memref<!tpu.dma_semaphore, #tpu.memory_space<semaphore_mem>>) {add = true}
      %dma_wait3A_207 = arith.constant 0 : i32
      %dma_wait3A_208 = arith.constant 0 : i32
      %dma_wait3A_209 = arith.constant 0 : i32
      %dma_wait3A_210 = arith.constant 0 : i32
      %dma_wait3A_211 = tpu.memref_slice %arg8[%dma_wait3A_207, %dma_wait3A_209, %dma_wait3A_210] : memref<4x128x16xf32, #tpu.memory_space<vmem>> -> memref<1x128x16xf32, #tpu.memory_space<vmem>>
      %dma_wait3A_212 = tpu.memref_squeeze %dma_wait3A_211 : memref<1x128x16xf32, #tpu.memory_space<vmem>> -> memref<128x16xf32, #tpu.memory_space<vmem>>
      %dma_wait3A_213 = arith.constant 0 : i32
      %dma_wait3A_214 = tpu.memref_slice %arg7[%add3A_102, %dma_wait3A_213] : memref<44x128xi32, #tpu.memory_space<vmem>> -> memref<1x128xi32, #tpu.memory_space<vmem>>
      %dma_wait3A_215 = tpu.memref_squeeze %dma_wait3A_214 : memref<1x128xi32, #tpu.memory_space<vmem>> -> memref<128xi32, #tpu.memory_space<vmem>>
      %dma_wait3A_216 = arith.constant 0 : i32
      %dma_wait3A_217 = arith.constant 0 : i32
      %dma_wait3A_218 = tpu.memref_slice %arg9[%dma_wait3A_216, %dma_wait3A_217] : memref<10240x16xf32, #tpu.memory_space<vmem_shared>> -> memref<10240x16xf32, #tpu.memory_space<vmem_shared>>
      %dma_wait3A_219 = tpu.memref_slice %arg12[%dma_wait3A_208] : memref<4x!tpu.dma_semaphore, #tpu.memory_space<semaphore_mem>> -> memref<1x!tpu.dma_semaphore, #tpu.memory_space<semaphore_mem>>
      %dma_wait3A_220 = tpu.memref_squeeze %dma_wait3A_219 : memref<1x!tpu.dma_semaphore, #tpu.memory_space<semaphore_mem>> -> memref<!tpu.dma_semaphore, #tpu.memory_space<semaphore_mem>>
      tpu.wait_indirect_dma semaphore(%dma_wait3A_220 : memref<!tpu.dma_semaphore, #tpu.memory_space<semaphore_mem>>) src(%dma_wait3A_212 : memref<128x16xf32, #tpu.memory_space<vmem>>) dst(%dma_wait3A_218 : memref<10240x16xf32, #tpu.memory_space<vmem_shared>>)
      %dma_wait3A_221 = arith.constant 1 : i32
      %dma_wait3A_222 = arith.constant 1 : i32
      %dma_wait3A_223 = arith.constant 0 : i32
      %dma_wait3A_224 = arith.constant 0 : i32
      %dma_wait3A_225 = tpu.memref_slice %arg8[%dma_wait3A_221, %dma_wait3A_223, %dma_wait3A_224] : memref<4x128x16xf32, #tpu.memory_space<vmem>> -> memref<1x128x16xf32, #tpu.memory_space<vmem>>
      %dma_wait3A_226 = tpu.memref_squeeze %dma_wait3A_225 : memref<1x128x16xf32, #tpu.memory_space<vmem>> -> memref<128x16xf32, #tpu.memory_space<vmem>>
      %dma_wait3A_227 = arith.constant 0 : i32
      %dma_wait3A_228 = tpu.memref_slice %arg7[%add3A_132, %dma_wait3A_227] : memref<44x128xi32, #tpu.memory_space<vmem>> -> memref<1x128xi32, #tpu.memory_space<vmem>>
      %dma_wait3A_229 = tpu.memref_squeeze %dma_wait3A_228 : memref<1x128xi32, #tpu.memory_space<vmem>> -> memref<128xi32, #tpu.memory_space<vmem>>
      %dma_wait3A_230 = arith.constant 0 : i32
      %dma_wait3A_231 = arith.constant 0 : i32
      %dma_wait3A_232 = tpu.memref_slice %arg9[%dma_wait3A_230, %dma_wait3A_231] : memref<10240x16xf32, #tpu.memory_space<vmem_shared>> -> memref<10240x16xf32, #tpu.memory_space<vmem_shared>>
      %dma_wait3A_233 = tpu.memref_slice %arg12[%dma_wait3A_222] : memref<4x!tpu.dma_semaphore, #tpu.memory_space<semaphore_mem>> -> memref<1x!tpu.dma_semaphore, #tpu.memory_space<semaphore_mem>>
      %dma_wait3A_234 = tpu.memref_squeeze %dma_wait3A_233 : memref<1x!tpu.dma_semaphore, #tpu.memory_space<semaphore_mem>> -> memref<!tpu.dma_semaphore, #tpu.memory_space<semaphore_mem>>
      tpu.wait_indirect_dma semaphore(%dma_wait3A_234 : memref<!tpu.dma_semaphore, #tpu.memory_space<semaphore_mem>>) src(%dma_wait3A_226 : memref<128x16xf32, #tpu.memory_space<vmem>>) dst(%dma_wait3A_232 : memref<10240x16xf32, #tpu.memory_space<vmem_shared>>)
      %dma_wait3A_235 = arith.constant 2 : i32
      %dma_wait3A_236 = arith.constant 2 : i32
      %dma_wait3A_237 = arith.constant 0 : i32
      %dma_wait3A_238 = arith.constant 0 : i32
      %dma_wait3A_239 = tpu.memref_slice %arg8[%dma_wait3A_235, %dma_wait3A_237, %dma_wait3A_238] : memref<4x128x16xf32, #tpu.memory_space<vmem>> -> memref<1x128x16xf32, #tpu.memory_space<vmem>>
      %dma_wait3A_240 = tpu.memref_squeeze %dma_wait3A_239 : memref<1x128x16xf32, #tpu.memory_space<vmem>> -> memref<128x16xf32, #tpu.memory_space<vmem>>
      %dma_wait3A_241 = arith.constant 0 : i32
      %dma_wait3A_242 = tpu.memref_slice %arg7[%add3A_162, %dma_wait3A_241] : memref<44x128xi32, #tpu.memory_space<vmem>> -> memref<1x128xi32, #tpu.memory_space<vmem>>
      %dma_wait3A_243 = tpu.memref_squeeze %dma_wait3A_242 : memref<1x128xi32, #tpu.memory_space<vmem>> -> memref<128xi32, #tpu.memory_space<vmem>>
      %dma_wait3A_244 = arith.constant 0 : i32
      %dma_wait3A_245 = arith.constant 0 : i32
      %dma_wait3A_246 = tpu.memref_slice %arg9[%dma_wait3A_244, %dma_wait3A_245] : memref<10240x16xf32, #tpu.memory_space<vmem_shared>> -> memref<10240x16xf32, #tpu.memory_space<vmem_shared>>
      %dma_wait3A_247 = tpu.memref_slice %arg12[%dma_wait3A_236] : memref<4x!tpu.dma_semaphore, #tpu.memory_space<semaphore_mem>> -> memref<1x!tpu.dma_semaphore, #tpu.memory_space<semaphore_mem>>
      %dma_wait3A_248 = tpu.memref_squeeze %dma_wait3A_247 : memref<1x!tpu.dma_semaphore, #tpu.memory_space<semaphore_mem>> -> memref<!tpu.dma_semaphore, #tpu.memory_space<semaphore_mem>>
      tpu.wait_indirect_dma semaphore(%dma_wait3A_248 : memref<!tpu.dma_semaphore, #tpu.memory_space<semaphore_mem>>) src(%dma_wait3A_240 : memref<128x16xf32, #tpu.memory_space<vmem>>) dst(%dma_wait3A_246 : memref<10240x16xf32, #tpu.memory_space<vmem_shared>>)
      %dma_wait3A_249 = arith.constant 3 : i32
      %dma_wait3A_250 = arith.constant 3 : i32
      %dma_wait3A_251 = arith.constant 0 : i32
      %dma_wait3A_252 = arith.constant 0 : i32
      %dma_wait3A_253 = tpu.memref_slice %arg8[%dma_wait3A_249, %dma_wait3A_251, %dma_wait3A_252] : memref<4x128x16xf32, #tpu.memory_space<vmem>> -> memref<1x128x16xf32, #tpu.memory_space<vmem>>
      %dma_wait3A_254 = tpu.memref_squeeze %dma_wait3A_253 : memref<1x128x16xf32, #tpu.memory_space<vmem>> -> memref<128x16xf32, #tpu.memory_space<vmem>>
      %dma_wait3A_255 = arith.constant 0 : i32
      %dma_wait3A_256 = tpu.memref_slice %arg7[%add3A_192, %dma_wait3A_255] : memref<44x128xi32, #tpu.memory_space<vmem>> -> memref<1x128xi32, #tpu.memory_space<vmem>>
      %dma_wait3A_257 = tpu.memref_squeeze %dma_wait3A_256 : memref<1x128xi32, #tpu.memory_space<vmem>> -> memref<128xi32, #tpu.memory_space<vmem>>
      %dma_wait3A_258 = arith.constant 0 : i32
      %dma_wait3A_259 = arith.constant 0 : i32
      %dma_wait3A_260 = tpu.memref_slice %arg9[%dma_wait3A_258, %dma_wait3A_259] : memref<10240x16xf32, #tpu.memory_space<vmem_shared>> -> memref<10240x16xf32, #tpu.memory_space<vmem_shared>>
      %dma_wait3A_261 = tpu.memref_slice %arg12[%dma_wait3A_250] : memref<4x!tpu.dma_semaphore, #tpu.memory_space<semaphore_mem>> -> memref<1x!tpu.dma_semaphore, #tpu.memory_space<semaphore_mem>>
      %dma_wait3A_262 = tpu.memref_squeeze %dma_wait3A_261 : memref<1x!tpu.dma_semaphore, #tpu.memory_space<semaphore_mem>> -> memref<!tpu.dma_semaphore, #tpu.memory_space<semaphore_mem>>
      tpu.wait_indirect_dma semaphore(%dma_wait3A_262 : memref<!tpu.dma_semaphore, #tpu.memory_space<semaphore_mem>>) src(%dma_wait3A_254 : memref<128x16xf32, #tpu.memory_space<vmem>>) dst(%dma_wait3A_260 : memref<10240x16xf32, #tpu.memory_space<vmem_shared>>)
    }
    %while3A_20 = arith.constant 1 : i32
    scf.for %while3A_22 = %while3A_18 to %while3A_14 step %while3A_20  : i32 {
      %mul3A_23 = arith.constant 4 : i32
      %mul3A_24 = arith.muli %while3A_22, %mul3A_23 : i32
      %add3A_25 = arith.constant 0 : i32
      %add3A_26 = arith.addi %mul3A_24, %add3A_25 : i32
      %dma_start3A = arith.constant 0 : i32
      %dma_start3A_27 = arith.constant 0 : i32
      %dma_start3A_28 = arith.constant 0 : i32
      %dma_start3A_29 = arith.constant 0 : i32
      %dma_start3A_30 = tpu.memref_slice %arg8[%dma_start3A, %dma_start3A_28, %dma_start3A_29] : memref<4x128x16xf32, #tpu.memory_space<vmem>> -> memref<1x128x16xf32, #tpu.memory_space<vmem>>
      %dma_start3A_31 = tpu.memref_squeeze %dma_start3A_30 : memref<1x128x16xf32, #tpu.memory_space<vmem>> -> memref<128x16xf32, #tpu.memory_space<vmem>>
      %dma_start3A_32 = arith.constant 0 : i32
      %dma_start3A_33 = tpu.memref_slice %arg6[%add3A_26, %dma_start3A_32] : memref<44x128xi32, #tpu.memory_space<vmem>> -> memref<1x128xi32, #tpu.memory_space<vmem>>
      %dma_start3A_34 = tpu.memref_squeeze %dma_start3A_33 : memref<1x128xi32, #tpu.memory_space<vmem>> -> memref<128xi32, #tpu.memory_space<vmem>>
      %dma_start3A_35 = arith.constant 0 : i32
      %dma_start3A_36 = arith.constant 0 : i32
      %dma_start3A_37 = tpu.memref_slice %arg10[%dma_start3A_35, %dma_start3A_36] : memref<10240x16xf32, #tpu.memory_space<vmem_shared>> -> memref<10240x16xf32, #tpu.memory_space<vmem_shared>>
      %dma_start3A_38 = tpu.memref_slice %arg11[%dma_start3A_27] : memref<4x!tpu.dma_semaphore, #tpu.memory_space<semaphore_mem>> -> memref<1x!tpu.dma_semaphore, #tpu.memory_space<semaphore_mem>>
      %dma_start3A_39 = tpu.memref_squeeze %dma_start3A_38 : memref<1x!tpu.dma_semaphore, #tpu.memory_space<semaphore_mem>> -> memref<!tpu.dma_semaphore, #tpu.memory_space<semaphore_mem>>
      tpu.enqueue_indirect_dma source(%dma_start3A_37 : memref<10240x16xf32, #tpu.memory_space<vmem_shared>>) target(%dma_start3A_31 : memref<128x16xf32, #tpu.memory_space<vmem>>) offsets(%dma_start3A_34 : memref<128xi32, #tpu.memory_space<vmem>>) semaphore(%dma_start3A_39 : memref<!tpu.dma_semaphore, #tpu.memory_space<semaphore_mem>>)
      %add3A_40 = arith.constant 1 : i32
      %add3A_41 = arith.addi %mul3A_24, %add3A_40 : i32
      %dma_start3A_42 = arith.constant 1 : i32
      %dma_start3A_43 = arith.constant 1 : i32
      %dma_start3A_44 = arith.constant 0 : i32
      %dma_start3A_45 = arith.constant 0 : i32
      %dma_start3A_46 = tpu.memref_slice %arg8[%dma_start3A_42, %dma_start3A_44, %dma_start3A_45] : memref<4x128x16xf32, #tpu.memory_space<vmem>> -> memref<1x128x16xf32, #tpu.memory_space<vmem>>
      %dma_start3A_47 = tpu.memref_squeeze %dma_start3A_46 : memref<1x128x16xf32, #tpu.memory_space<vmem>> -> memref<128x16xf32, #tpu.memory_space<vmem>>
      %dma_start3A_48 = arith.constant 0 : i32
      %dma_start3A_49 = tpu.memref_slice %arg6[%add3A_41, %dma_start3A_48] : memref<44x128xi32, #tpu.memory_space<vmem>> -> memref<1x128xi32, #tpu.memory_space<vmem>>
      %dma_start3A_50 = tpu.memref_squeeze %dma_start3A_49 : memref<1x128xi32, #tpu.memory_space<vmem>> -> memref<128xi32, #tpu.memory_space<vmem>>
      %dma_start3A_51 = arith.constant 0 : i32
      %dma_start3A_52 = arith.constant 0 : i32
      %dma_start3A_53 = tpu.memref_slice %arg10[%dma_start3A_51, %dma_start3A_52] : memref<10240x16xf32, #tpu.memory_space<vmem_shared>> -> memref<10240x16xf32, #tpu.memory_space<vmem_shared>>
      %dma_start3A_54 = tpu.memref_slice %arg11[%dma_start3A_43] : memref<4x!tpu.dma_semaphore, #tpu.memory_space<semaphore_mem>> -> memref<1x!tpu.dma_semaphore, #tpu.memory_space<semaphore_mem>>
      %dma_start3A_55 = tpu.memref_squeeze %dma_start3A_54 : memref<1x!tpu.dma_semaphore, #tpu.memory_space<semaphore_mem>> -> memref<!tpu.dma_semaphore, #tpu.memory_space<semaphore_mem>>
      tpu.enqueue_indirect_dma source(%dma_start3A_53 : memref<10240x16xf32, #tpu.memory_space<vmem_shared>>) target(%dma_start3A_47 : memref<128x16xf32, #tpu.memory_space<vmem>>) offsets(%dma_start3A_50 : memref<128xi32, #tpu.memory_space<vmem>>) semaphore(%dma_start3A_55 : memref<!tpu.dma_semaphore, #tpu.memory_space<semaphore_mem>>)
      %add3A_56 = arith.constant 2 : i32
      %add3A_57 = arith.addi %mul3A_24, %add3A_56 : i32
      %dma_start3A_58 = arith.constant 2 : i32
      %dma_start3A_59 = arith.constant 2 : i32
      %dma_start3A_60 = arith.constant 0 : i32
      %dma_start3A_61 = arith.constant 0 : i32
      %dma_start3A_62 = tpu.memref_slice %arg8[%dma_start3A_58, %dma_start3A_60, %dma_start3A_61] : memref<4x128x16xf32, #tpu.memory_space<vmem>> -> memref<1x128x16xf32, #tpu.memory_space<vmem>>
      %dma_start3A_63 = tpu.memref_squeeze %dma_start3A_62 : memref<1x128x16xf32, #tpu.memory_space<vmem>> -> memref<128x16xf32, #tpu.memory_space<vmem>>
      %dma_start3A_64 = arith.constant 0 : i32
      %dma_start3A_65 = tpu.memref_slice %arg6[%add3A_57, %dma_start3A_64] : memref<44x128xi32, #tpu.memory_space<vmem>> -> memref<1x128xi32, #tpu.memory_space<vmem>>
      %dma_start3A_66 = tpu.memref_squeeze %dma_start3A_65 : memref<1x128xi32, #tpu.memory_space<vmem>> -> memref<128xi32, #tpu.memory_space<vmem>>
      %dma_start3A_67 = arith.constant 0 : i32
      %dma_start3A_68 = arith.constant 0 : i32
      %dma_start3A_69 = tpu.memref_slice %arg10[%dma_start3A_67, %dma_start3A_68] : memref<10240x16xf32, #tpu.memory_space<vmem_shared>> -> memref<10240x16xf32, #tpu.memory_space<vmem_shared>>
      %dma_start3A_70 = tpu.memref_slice %arg11[%dma_start3A_59] : memref<4x!tpu.dma_semaphore, #tpu.memory_space<semaphore_mem>> -> memref<1x!tpu.dma_semaphore, #tpu.memory_space<semaphore_mem>>
      %dma_start3A_71 = tpu.memref_squeeze %dma_start3A_70 : memref<1x!tpu.dma_semaphore, #tpu.memory_space<semaphore_mem>> -> memref<!tpu.dma_semaphore, #tpu.memory_space<semaphore_mem>>
      tpu.enqueue_indirect_dma source(%dma_start3A_69 : memref<10240x16xf32, #tpu.memory_space<vmem_shared>>) target(%dma_start3A_63 : memref<128x16xf32, #tpu.memory_space<vmem>>) offsets(%dma_start3A_66 : memref<128xi32, #tpu.memory_space<vmem>>) semaphore(%dma_start3A_71 : memref<!tpu.dma_semaphore, #tpu.memory_space<semaphore_mem>>)
      %add3A_72 = arith.constant 3 : i32
      %add3A_73 = arith.addi %mul3A_24, %add3A_72 : i32
      %dma_start3A_74 = arith.constant 3 : i32
      %dma_start3A_75 = arith.constant 3 : i32
      %dma_start3A_76 = arith.constant 0 : i32
      %dma_start3A_77 = arith.constant 0 : i32
      %dma_start3A_78 = tpu.memref_slice %arg8[%dma_start3A_74, %dma_start3A_76, %dma_start3A_77] : memref<4x128x16xf32, #tpu.memory_space<vmem>> -> memref<1x128x16xf32, #tpu.memory_space<vmem>>
      %dma_start3A_79 = tpu.memref_squeeze %dma_start3A_78 : memref<1x128x16xf32, #tpu.memory_space<vmem>> -> memref<128x16xf32, #tpu.memory_space<vmem>>
      %dma_start3A_80 = arith.constant 0 : i32
      %dma_start3A_81 = tpu.memref_slice %arg6[%add3A_73, %dma_start3A_80] : memref<44x128xi32, #tpu.memory_space<vmem>> -> memref<1x128xi32, #tpu.memory_space<vmem>>
      %dma_start3A_82 = tpu.memref_squeeze %dma_start3A_81 : memref<1x128xi32, #tpu.memory_space<vmem>> -> memref<128xi32, #tpu.memory_space<vmem>>
      %dma_start3A_83 = arith.constant 0 : i32
      %dma_start3A_84 = arith.constant 0 : i32
      %dma_start3A_85 = tpu.memref_slice %arg10[%dma_start3A_83, %dma_start3A_84] : memref<10240x16xf32, #tpu.memory_space<vmem_shared>> -> memref<10240x16xf32, #tpu.memory_space<vmem_shared>>
      %dma_start3A_86 = tpu.memref_slice %arg11[%dma_start3A_75] : memref<4x!tpu.dma_semaphore, #tpu.memory_space<semaphore_mem>> -> memref<1x!tpu.dma_semaphore, #tpu.memory_space<semaphore_mem>>
      %dma_start3A_87 = tpu.memref_squeeze %dma_start3A_86 : memref<1x!tpu.dma_semaphore, #tpu.memory_space<semaphore_mem>> -> memref<!tpu.dma_semaphore, #tpu.memory_space<semaphore_mem>>
      tpu.enqueue_indirect_dma source(%dma_start3A_85 : memref<10240x16xf32, #tpu.memory_space<vmem_shared>>) target(%dma_start3A_79 : memref<128x16xf32, #tpu.memory_space<vmem>>) offsets(%dma_start3A_82 : memref<128xi32, #tpu.memory_space<vmem>>) semaphore(%dma_start3A_87 : memref<!tpu.dma_semaphore, #tpu.memory_space<semaphore_mem>>)
      %dma_wait3A = arith.constant 0 : i32
      %dma_wait3A_88 = arith.constant 0 : i32
      %dma_wait3A_89 = arith.constant 0 : i32
      %dma_wait3A_90 = arith.constant 0 : i32
      %dma_wait3A_91 = tpu.memref_slice %arg8[%dma_wait3A, %dma_wait3A_89, %dma_wait3A_90] : memref<4x128x16xf32, #tpu.memory_space<vmem>> -> memref<1x128x16xf32, #tpu.memory_space<vmem>>
      %dma_wait3A_92 = tpu.memref_squeeze %dma_wait3A_91 : memref<1x128x16xf32, #tpu.memory_space<vmem>> -> memref<128x16xf32, #tpu.memory_space<vmem>>
      %dma_wait3A_93 = arith.constant 0 : i32
      %dma_wait3A_94 = tpu.memref_slice %arg6[%add3A_26, %dma_wait3A_93] : memref<44x128xi32, #tpu.memory_space<vmem>> -> memref<1x128xi32, #tpu.memory_space<vmem>>
      %dma_wait3A_95 = tpu.memref_squeeze %dma_wait3A_94 : memref<1x128xi32, #tpu.memory_space<vmem>> -> memref<128xi32, #tpu.memory_space<vmem>>
      %dma_wait3A_96 = arith.constant 0 : i32
      %dma_wait3A_97 = arith.constant 0 : i32
      %dma_wait3A_98 = tpu.memref_slice %arg10[%dma_wait3A_96, %dma_wait3A_97] : memref<10240x16xf32, #tpu.memory_space<vmem_shared>> -> memref<10240x16xf32, #tpu.memory_space<vmem_shared>>
      %dma_wait3A_99 = tpu.memref_slice %arg11[%dma_wait3A_88] : memref<4x!tpu.dma_semaphore, #tpu.memory_space<semaphore_mem>> -> memref<1x!tpu.dma_semaphore, #tpu.memory_space<semaphore_mem>>
      %dma_wait3A_100 = tpu.memref_squeeze %dma_wait3A_99 : memref<1x!tpu.dma_semaphore, #tpu.memory_space<semaphore_mem>> -> memref<!tpu.dma_semaphore, #tpu.memory_space<semaphore_mem>>
      tpu.wait_indirect_dma semaphore(%dma_wait3A_100 : memref<!tpu.dma_semaphore, #tpu.memory_space<semaphore_mem>>) src(%dma_wait3A_98 : memref<10240x16xf32, #tpu.memory_space<vmem_shared>>) dst(%dma_wait3A_92 : memref<128x16xf32, #tpu.memory_space<vmem>>)
      %add3A_101 = arith.constant 0 : i32
      %add3A_102 = arith.addi %mul3A_24, %add3A_101 : i32
      %dma_start3A_103 = arith.constant 0 : i32
      %dma_start3A_104 = arith.constant 0 : i32
      %dma_start3A_105 = arith.constant 0 : i32
      %dma_start3A_106 = arith.constant 0 : i32
      %dma_start3A_107 = tpu.memref_slice %arg8[%dma_start3A_103, %dma_start3A_105, %dma_start3A_106] : memref<4x128x16xf32, #tpu.memory_space<vmem>> -> memref<1x128x16xf32, #tpu.memory_space<vmem>>
      %dma_start3A_108 = tpu.memref_squeeze %dma_start3A_107 : memref<1x128x16xf32, #tpu.memory_space<vmem>> -> memref<128x16xf32, #tpu.memory_space<vmem>>
      %dma_start3A_109 = arith.constant 0 : i32
      %dma_start3A_110 = tpu.memref_slice %arg7[%add3A_102, %dma_start3A_109] : memref<44x128xi32, #tpu.memory_space<vmem>> -> memref<1x128xi32, #tpu.memory_space<vmem>>
      %dma_start3A_111 = tpu.memref_squeeze %dma_start3A_110 : memref<1x128xi32, #tpu.memory_space<vmem>> -> memref<128xi32, #tpu.memory_space<vmem>>
      %dma_start3A_112 = arith.constant 0 : i32
      %dma_start3A_113 = arith.constant 0 : i32
      %dma_start3A_114 = tpu.memref_slice %arg9[%dma_start3A_112, %dma_start3A_113] : memref<10240x16xf32, #tpu.memory_space<vmem_shared>> -> memref<10240x16xf32, #tpu.memory_space<vmem_shared>>
      %dma_start3A_115 = tpu.memref_slice %arg12[%dma_start3A_104] : memref<4x!tpu.dma_semaphore, #tpu.memory_space<semaphore_mem>> -> memref<1x!tpu.dma_semaphore, #tpu.memory_space<semaphore_mem>>
      %dma_start3A_116 = tpu.memref_squeeze %dma_start3A_115 : memref<1x!tpu.dma_semaphore, #tpu.memory_space<semaphore_mem>> -> memref<!tpu.dma_semaphore, #tpu.memory_space<semaphore_mem>>
      tpu.enqueue_indirect_dma source(%dma_start3A_108 : memref<128x16xf32, #tpu.memory_space<vmem>>) target(%dma_start3A_114 : memref<10240x16xf32, #tpu.memory_space<vmem_shared>>) offsets(%dma_start3A_111 : memref<128xi32, #tpu.memory_space<vmem>>) semaphore(%dma_start3A_116 : memref<!tpu.dma_semaphore, #tpu.memory_space<semaphore_mem>>) {add = true}
      %dma_wait3A_117 = arith.constant 1 : i32
      %dma_wait3A_118 = arith.constant 1 : i32
      %dma_wait3A_119 = arith.constant 0 : i32
      %dma_wait3A_120 = arith.constant 0 : i32
      %dma_wait3A_121 = tpu.memref_slice %arg8[%dma_wait3A_117, %dma_wait3A_119, %dma_wait3A_120] : memref<4x128x16xf32, #tpu.memory_space<vmem>> -> memref<1x128x16xf32, #tpu.memory_space<vmem>>
      %dma_wait3A_122 = tpu.memref_squeeze %dma_wait3A_121 : memref<1x128x16xf32, #tpu.memory_space<vmem>> -> memref<128x16xf32, #tpu.memory_space<vmem>>
      %dma_wait3A_123 = arith.constant 0 : i32
      %dma_wait3A_124 = tpu.memref_slice %arg6[%add3A_41, %dma_wait3A_123] : memref<44x128xi32, #tpu.memory_space<vmem>> -> memref<1x128xi32, #tpu.memory_space<vmem>>
      %dma_wait3A_125 = tpu.memref_squeeze %dma_wait3A_124 : memref<1x128xi32, #tpu.memory_space<vmem>> -> memref<128xi32, #tpu.memory_space<vmem>>
      %dma_wait3A_126 = arith.constant 0 : i32
      %dma_wait3A_127 = arith.constant 0 : i32
      %dma_wait3A_128 = tpu.memref_slice %arg10[%dma_wait3A_126, %dma_wait3A_127] : memref<10240x16xf32, #tpu.memory_space<vmem_shared>> -> memref<10240x16xf32, #tpu.memory_space<vmem_shared>>
      %dma_wait3A_129 = tpu.memref_slice %arg11[%dma_wait3A_118] : memref<4x!tpu.dma_semaphore, #tpu.memory_space<semaphore_mem>> -> memref<1x!tpu.dma_semaphore, #tpu.memory_space<semaphore_mem>>
      %dma_wait3A_130 = tpu.memref_squeeze %dma_wait3A_129 : memref<1x!tpu.dma_semaphore, #tpu.memory_space<semaphore_mem>> -> memref<!tpu.dma_semaphore, #tpu.memory_space<semaphore_mem>>
      tpu.wait_indirect_dma semaphore(%dma_wait3A_130 : memref<!tpu.dma_semaphore, #tpu.memory_space<semaphore_mem>>) src(%dma_wait3A_128 : memref<10240x16xf32, #tpu.memory_space<vmem_shared>>) dst(%dma_wait3A_122 : memref<128x16xf32, #tpu.memory_space<vmem>>)
      %add3A_131 = arith.constant 1 : i32
      %add3A_132 = arith.addi %mul3A_24, %add3A_131 : i32
      %dma_start3A_133 = arith.constant 1 : i32
      %dma_start3A_134 = arith.constant 1 : i32
      %dma_start3A_135 = arith.constant 0 : i32
      %dma_start3A_136 = arith.constant 0 : i32
      %dma_start3A_137 = tpu.memref_slice %arg8[%dma_start3A_133, %dma_start3A_135, %dma_start3A_136] : memref<4x128x16xf32, #tpu.memory_space<vmem>> -> memref<1x128x16xf32, #tpu.memory_space<vmem>>
      %dma_start3A_138 = tpu.memref_squeeze %dma_start3A_137 : memref<1x128x16xf32, #tpu.memory_space<vmem>> -> memref<128x16xf32, #tpu.memory_space<vmem>>
      %dma_start3A_139 = arith.constant 0 : i32
      %dma_start3A_140 = tpu.memref_slice %arg7[%add3A_132, %dma_start3A_139] : memref<44x128xi32, #tpu.memory_space<vmem>> -> memref<1x128xi32, #tpu.memory_space<vmem>>
      %dma_start3A_141 = tpu.memref_squeeze %dma_start3A_140 : memref<1x128xi32, #tpu.memory_space<vmem>> -> memref<128xi32, #tpu.memory_space<vmem>>
      %dma_start3A_142 = arith.constant 0 : i32
      %dma_start3A_143 = arith.constant 0 : i32
      %dma_start3A_144 = tpu.memref_slice %arg9[%dma_start3A_142, %dma_start3A_143] : memref<10240x16xf32, #tpu.memory_space<vmem_shared>> -> memref<10240x16xf32, #tpu.memory_space<vmem_shared>>
      %dma_start3A_145 = tpu.memref_slice %arg12[%dma_start3A_134] : memref<4x!tpu.dma_semaphore, #tpu.memory_space<semaphore_mem>> -> memref<1x!tpu.dma_semaphore, #tpu.memory_space<semaphore_mem>>
      %dma_start3A_146 = tpu.memref_squeeze %dma_start3A_145 : memref<1x!tpu.dma_semaphore, #tpu.memory_space<semaphore_mem>> -> memref<!tpu.dma_semaphore, #tpu.memory_space<semaphore_mem>>
      tpu.enqueue_indirect_dma source(%dma_start3A_138 : memref<128x16xf32, #tpu.memory_space<vmem>>) target(%dma_start3A_144 : memref<10240x16xf32, #tpu.memory_space<vmem_shared>>) offsets(%dma_start3A_141 : memref<128xi32, #tpu.memory_space<vmem>>) semaphore(%dma_start3A_146 : memref<!tpu.dma_semaphore, #tpu.memory_space<semaphore_mem>>) {add = true}
      %dma_wait3A_147 = arith.constant 2 : i32
      %dma_wait3A_148 = arith.constant 2 : i32
      %dma_wait3A_149 = arith.constant 0 : i32
      %dma_wait3A_150 = arith.constant 0 : i32
      %dma_wait3A_151 = tpu.memref_slice %arg8[%dma_wait3A_147, %dma_wait3A_149, %dma_wait3A_150] : memref<4x128x16xf32, #tpu.memory_space<vmem>> -> memref<1x128x16xf32, #tpu.memory_space<vmem>>
      %dma_wait3A_152 = tpu.memref_squeeze %dma_wait3A_151 : memref<1x128x16xf32, #tpu.memory_space<vmem>> -> memref<128x16xf32, #tpu.memory_space<vmem>>
      %dma_wait3A_153 = arith.constant 0 : i32
      %dma_wait3A_154 = tpu.memref_slice %arg6[%add3A_57, %dma_wait3A_153] : memref<44x128xi32, #tpu.memory_space<vmem>> -> memref<1x128xi32, #tpu.memory_space<vmem>>
      %dma_wait3A_155 = tpu.memref_squeeze %dma_wait3A_154 : memref<1x128xi32, #tpu.memory_space<vmem>> -> memref<128xi32, #tpu.memory_space<vmem>>
      %dma_wait3A_156 = arith.constant 0 : i32
      %dma_wait3A_157 = arith.constant 0 : i32
      %dma_wait3A_158 = tpu.memref_slice %arg10[%dma_wait3A_156, %dma_wait3A_157] : memref<10240x16xf32, #tpu.memory_space<vmem_shared>> -> memref<10240x16xf32, #tpu.memory_space<vmem_shared>>
      %dma_wait3A_159 = tpu.memref_slice %arg11[%dma_wait3A_148] : memref<4x!tpu.dma_semaphore, #tpu.memory_space<semaphore_mem>> -> memref<1x!tpu.dma_semaphore, #tpu.memory_space<semaphore_mem>>
      %dma_wait3A_160 = tpu.memref_squeeze %dma_wait3A_159 : memref<1x!tpu.dma_semaphore, #tpu.memory_space<semaphore_mem>> -> memref<!tpu.dma_semaphore, #tpu.memory_space<semaphore_mem>>
      tpu.wait_indirect_dma semaphore(%dma_wait3A_160 : memref<!tpu.dma_semaphore, #tpu.memory_space<semaphore_mem>>) src(%dma_wait3A_158 : memref<10240x16xf32, #tpu.memory_space<vmem_shared>>) dst(%dma_wait3A_152 : memref<128x16xf32, #tpu.memory_space<vmem>>)
      %add3A_161 = arith.constant 2 : i32
      %add3A_162 = arith.addi %mul3A_24, %add3A_161 : i32
      %dma_start3A_163 = arith.constant 2 : i32
      %dma_start3A_164 = arith.constant 2 : i32
      %dma_start3A_165 = arith.constant 0 : i32
      %dma_start3A_166 = arith.constant 0 : i32
      %dma_start3A_167 = tpu.memref_slice %arg8[%dma_start3A_163, %dma_start3A_165, %dma_start3A_166] : memref<4x128x16xf32, #tpu.memory_space<vmem>> -> memref<1x128x16xf32, #tpu.memory_space<vmem>>
      %dma_start3A_168 = tpu.memref_squeeze %dma_start3A_167 : memref<1x128x16xf32, #tpu.memory_space<vmem>> -> memref<128x16xf32, #tpu.memory_space<vmem>>
      %dma_start3A_169 = arith.constant 0 : i32
      %dma_start3A_170 = tpu.memref_slice %arg7[%add3A_162, %dma_start3A_169] : memref<44x128xi32, #tpu.memory_space<vmem>> -> memref<1x128xi32, #tpu.memory_space<vmem>>
      %dma_start3A_171 = tpu.memref_squeeze %dma_start3A_170 : memref<1x128xi32, #tpu.memory_space<vmem>> -> memref<128xi32, #tpu.memory_space<vmem>>
      %dma_start3A_172 = arith.constant 0 : i32
      %dma_start3A_173 = arith.constant 0 : i32
      %dma_start3A_174 = tpu.memref_slice %arg9[%dma_start3A_172, %dma_start3A_173] : memref<10240x16xf32, #tpu.memory_space<vmem_shared>> -> memref<10240x16xf32, #tpu.memory_space<vmem_shared>>
      %dma_start3A_175 = tpu.memref_slice %arg12[%dma_start3A_164] : memref<4x!tpu.dma_semaphore, #tpu.memory_space<semaphore_mem>> -> memref<1x!tpu.dma_semaphore, #tpu.memory_space<semaphore_mem>>
      %dma_start3A_176 = tpu.memref_squeeze %dma_start3A_175 : memref<1x!tpu.dma_semaphore, #tpu.memory_space<semaphore_mem>> -> memref<!tpu.dma_semaphore, #tpu.memory_space<semaphore_mem>>
      tpu.enqueue_indirect_dma source(%dma_start3A_168 : memref<128x16xf32, #tpu.memory_space<vmem>>) target(%dma_start3A_174 : memref<10240x16xf32, #tpu.memory_space<vmem_shared>>) offsets(%dma_start3A_171 : memref<128xi32, #tpu.memory_space<vmem>>) semaphore(%dma_start3A_176 : memref<!tpu.dma_semaphore, #tpu.memory_space<semaphore_mem>>) {add = true}
      %dma_wait3A_177 = arith.constant 3 : i32
      %dma_wait3A_178 = arith.constant 3 : i32
      %dma_wait3A_179 = arith.constant 0 : i32
      %dma_wait3A_180 = arith.constant 0 : i32
      %dma_wait3A_181 = tpu.memref_slice %arg8[%dma_wait3A_177, %dma_wait3A_179, %dma_wait3A_180] : memref<4x128x16xf32, #tpu.memory_space<vmem>> -> memref<1x128x16xf32, #tpu.memory_space<vmem>>
      %dma_wait3A_182 = tpu.memref_squeeze %dma_wait3A_181 : memref<1x128x16xf32, #tpu.memory_space<vmem>> -> memref<128x16xf32, #tpu.memory_space<vmem>>
      %dma_wait3A_183 = arith.constant 0 : i32
      %dma_wait3A_184 = tpu.memref_slice %arg6[%add3A_73, %dma_wait3A_183] : memref<44x128xi32, #tpu.memory_space<vmem>> -> memref<1x128xi32, #tpu.memory_space<vmem>>
      %dma_wait3A_185 = tpu.memref_squeeze %dma_wait3A_184 : memref<1x128xi32, #tpu.memory_space<vmem>> -> memref<128xi32, #tpu.memory_space<vmem>>
      %dma_wait3A_186 = arith.constant 0 : i32
      %dma_wait3A_187 = arith.constant 0 : i32
      %dma_wait3A_188 = tpu.memref_slice %arg10[%dma_wait3A_186, %dma_wait3A_187] : memref<10240x16xf32, #tpu.memory_space<vmem_shared>> -> memref<10240x16xf32, #tpu.memory_space<vmem_shared>>
      %dma_wait3A_189 = tpu.memref_slice %arg11[%dma_wait3A_178] : memref<4x!tpu.dma_semaphore, #tpu.memory_space<semaphore_mem>> -> memref<1x!tpu.dma_semaphore, #tpu.memory_space<semaphore_mem>>
      %dma_wait3A_190 = tpu.memref_squeeze %dma_wait3A_189 : memref<1x!tpu.dma_semaphore, #tpu.memory_space<semaphore_mem>> -> memref<!tpu.dma_semaphore, #tpu.memory_space<semaphore_mem>>
      tpu.wait_indirect_dma semaphore(%dma_wait3A_190 : memref<!tpu.dma_semaphore, #tpu.memory_space<semaphore_mem>>) src(%dma_wait3A_188 : memref<10240x16xf32, #tpu.memory_space<vmem_shared>>) dst(%dma_wait3A_182 : memref<128x16xf32, #tpu.memory_space<vmem>>)
      %add3A_191 = arith.constant 3 : i32
      %add3A_192 = arith.addi %mul3A_24, %add3A_191 : i32
      %dma_start3A_193 = arith.constant 3 : i32
      %dma_start3A_194 = arith.constant 3 : i32
      %dma_start3A_195 = arith.constant 0 : i32
      %dma_start3A_196 = arith.constant 0 : i32
      %dma_start3A_197 = tpu.memref_slice %arg8[%dma_start3A_193, %dma_start3A_195, %dma_start3A_196] : memref<4x128x16xf32, #tpu.memory_space<vmem>> -> memref<1x128x16xf32, #tpu.memory_space<vmem>>
      %dma_start3A_198 = tpu.memref_squeeze %dma_start3A_197 : memref<1x128x16xf32, #tpu.memory_space<vmem>> -> memref<128x16xf32, #tpu.memory_space<vmem>>
      %dma_start3A_199 = arith.constant 0 : i32
      %dma_start3A_200 = tpu.memref_slice %arg7[%add3A_192, %dma_start3A_199] : memref<44x128xi32, #tpu.memory_space<vmem>> -> memref<1x128xi32, #tpu.memory_space<vmem>>
      %dma_start3A_201 = tpu.memref_squeeze %dma_start3A_200 : memref<1x128xi32, #tpu.memory_space<vmem>> -> memref<128xi32, #tpu.memory_space<vmem>>
      %dma_start3A_202 = arith.constant 0 : i32
      %dma_start3A_203 = arith.constant 0 : i32
      %dma_start3A_204 = tpu.memref_slice %arg9[%dma_start3A_202, %dma_start3A_203] : memref<10240x16xf32, #tpu.memory_space<vmem_shared>> -> memref<10240x16xf32, #tpu.memory_space<vmem_shared>>
      %dma_start3A_205 = tpu.memref_slice %arg12[%dma_start3A_194] : memref<4x!tpu.dma_semaphore, #tpu.memory_space<semaphore_mem>> -> memref<1x!tpu.dma_semaphore, #tpu.memory_space<semaphore_mem>>
      %dma_start3A_206 = tpu.memref_squeeze %dma_start3A_205 : memref<1x!tpu.dma_semaphore, #tpu.memory_space<semaphore_mem>> -> memref<!tpu.dma_semaphore, #tpu.memory_space<semaphore_mem>>
      tpu.enqueue_indirect_dma source(%dma_start3A_198 : memref<128x16xf32, #tpu.memory_space<vmem>>) target(%dma_start3A_204 : memref<10240x16xf32, #tpu.memory_space<vmem_shared>>) offsets(%dma_start3A_201 : memref<128xi32, #tpu.memory_space<vmem>>) semaphore(%dma_start3A_206 : memref<!tpu.dma_semaphore, #tpu.memory_space<semaphore_mem>>) {add = true}
      %dma_wait3A_207 = arith.constant 0 : i32
      %dma_wait3A_208 = arith.constant 0 : i32
      %dma_wait3A_209 = arith.constant 0 : i32
      %dma_wait3A_210 = arith.constant 0 : i32
      %dma_wait3A_211 = tpu.memref_slice %arg8[%dma_wait3A_207, %dma_wait3A_209, %dma_wait3A_210] : memref<4x128x16xf32, #tpu.memory_space<vmem>> -> memref<1x128x16xf32, #tpu.memory_space<vmem>>
      %dma_wait3A_212 = tpu.memref_squeeze %dma_wait3A_211 : memref<1x128x16xf32, #tpu.memory_space<vmem>> -> memref<128x16xf32, #tpu.memory_space<vmem>>
      %dma_wait3A_213 = arith.constant 0 : i32
      %dma_wait3A_214 = tpu.memref_slice %arg7[%add3A_102, %dma_wait3A_213] : memref<44x128xi32, #tpu.memory_space<vmem>> -> memref<1x128xi32, #tpu.memory_space<vmem>>
      %dma_wait3A_215 = tpu.memref_squeeze %dma_wait3A_214 : memref<1x128xi32, #tpu.memory_space<vmem>> -> memref<128xi32, #tpu.memory_space<vmem>>
      %dma_wait3A_216 = arith.constant 0 : i32
      %dma_wait3A_217 = arith.constant 0 : i32
      %dma_wait3A_218 = tpu.memref_slice %arg9[%dma_wait3A_216, %dma_wait3A_217] : memref<10240x16xf32, #tpu.memory_space<vmem_shared>> -> memref<10240x16xf32, #tpu.memory_space<vmem_shared>>
      %dma_wait3A_219 = tpu.memref_slice %arg12[%dma_wait3A_208] : memref<4x!tpu.dma_semaphore, #tpu.memory_space<semaphore_mem>> -> memref<1x!tpu.dma_semaphore, #tpu.memory_space<semaphore_mem>>
      %dma_wait3A_220 = tpu.memref_squeeze %dma_wait3A_219 : memref<1x!tpu.dma_semaphore, #tpu.memory_space<semaphore_mem>> -> memref<!tpu.dma_semaphore, #tpu.memory_space<semaphore_mem>>
      tpu.wait_indirect_dma semaphore(%dma_wait3A_220 : memref<!tpu.dma_semaphore, #tpu.memory_space<semaphore_mem>>) src(%dma_wait3A_212 : memref<128x16xf32, #tpu.memory_space<vmem>>) dst(%dma_wait3A_218 : memref<10240x16xf32, #tpu.memory_space<vmem_shared>>)
      %dma_wait3A_221 = arith.constant 1 : i32
      %dma_wait3A_222 = arith.constant 1 : i32
      %dma_wait3A_223 = arith.constant 0 : i32
      %dma_wait3A_224 = arith.constant 0 : i32
      %dma_wait3A_225 = tpu.memref_slice %arg8[%dma_wait3A_221, %dma_wait3A_223, %dma_wait3A_224] : memref<4x128x16xf32, #tpu.memory_space<vmem>> -> memref<1x128x16xf32, #tpu.memory_space<vmem>>
      %dma_wait3A_226 = tpu.memref_squeeze %dma_wait3A_225 : memref<1x128x16xf32, #tpu.memory_space<vmem>> -> memref<128x16xf32, #tpu.memory_space<vmem>>
      %dma_wait3A_227 = arith.constant 0 : i32
      %dma_wait3A_228 = tpu.memref_slice %arg7[%add3A_132, %dma_wait3A_227] : memref<44x128xi32, #tpu.memory_space<vmem>> -> memref<1x128xi32, #tpu.memory_space<vmem>>
      %dma_wait3A_229 = tpu.memref_squeeze %dma_wait3A_228 : memref<1x128xi32, #tpu.memory_space<vmem>> -> memref<128xi32, #tpu.memory_space<vmem>>
      %dma_wait3A_230 = arith.constant 0 : i32
      %dma_wait3A_231 = arith.constant 0 : i32
      %dma_wait3A_232 = tpu.memref_slice %arg9[%dma_wait3A_230, %dma_wait3A_231] : memref<10240x16xf32, #tpu.memory_space<vmem_shared>> -> memref<10240x16xf32, #tpu.memory_space<vmem_shared>>
      %dma_wait3A_233 = tpu.memref_slice %arg12[%dma_wait3A_222] : memref<4x!tpu.dma_semaphore, #tpu.memory_space<semaphore_mem>> -> memref<1x!tpu.dma_semaphore, #tpu.memory_space<semaphore_mem>>
      %dma_wait3A_234 = tpu.memref_squeeze %dma_wait3A_233 : memref<1x!tpu.dma_semaphore, #tpu.memory_space<semaphore_mem>> -> memref<!tpu.dma_semaphore, #tpu.memory_space<semaphore_mem>>
      tpu.wait_indirect_dma semaphore(%dma_wait3A_234 : memref<!tpu.dma_semaphore, #tpu.memory_space<semaphore_mem>>) src(%dma_wait3A_226 : memref<128x16xf32, #tpu.memory_space<vmem>>) dst(%dma_wait3A_232 : memref<10240x16xf32, #tpu.memory_space<vmem_shared>>)
      %dma_wait3A_235 = arith.constant 2 : i32
      %dma_wait3A_236 = arith.constant 2 : i32
      %dma_wait3A_237 = arith.constant 0 : i32
      %dma_wait3A_238 = arith.constant 0 : i32
      %dma_wait3A_239 = tpu.memref_slice %arg8[%dma_wait3A_235, %dma_wait3A_237, %dma_wait3A_238] : memref<4x128x16xf32, #tpu.memory_space<vmem>> -> memref<1x128x16xf32, #tpu.memory_space<vmem>>
      %dma_wait3A_240 = tpu.memref_squeeze %dma_wait3A_239 : memref<1x128x16xf32, #tpu.memory_space<vmem>> -> memref<128x16xf32, #tpu.memory_space<vmem>>
      %dma_wait3A_241 = arith.constant 0 : i32
      %dma_wait3A_242 = tpu.memref_slice %arg7[%add3A_162, %dma_wait3A_241] : memref<44x128xi32, #tpu.memory_space<vmem>> -> memref<1x128xi32, #tpu.memory_space<vmem>>
      %dma_wait3A_243 = tpu.memref_squeeze %dma_wait3A_242 : memref<1x128xi32, #tpu.memory_space<vmem>> -> memref<128xi32, #tpu.memory_space<vmem>>
      %dma_wait3A_244 = arith.constant 0 : i32
      %dma_wait3A_245 = arith.constant 0 : i32
      %dma_wait3A_246 = tpu.memref_slice %arg9[%dma_wait3A_244, %dma_wait3A_245] : memref<10240x16xf32, #tpu.memory_space<vmem_shared>> -> memref<10240x16xf32, #tpu.memory_space<vmem_shared>>
      %dma_wait3A_247 = tpu.memref_slice %arg12[%dma_wait3A_236] : memref<4x!tpu.dma_semaphore, #tpu.memory_space<semaphore_mem>> -> memref<1x!tpu.dma_semaphore, #tpu.memory_space<semaphore_mem>>
      %dma_wait3A_248 = tpu.memref_squeeze %dma_wait3A_247 : memref<1x!tpu.dma_semaphore, #tpu.memory_space<semaphore_mem>> -> memref<!tpu.dma_semaphore, #tpu.memory_space<semaphore_mem>>
      tpu.wait_indirect_dma semaphore(%dma_wait3A_248 : memref<!tpu.dma_semaphore, #tpu.memory_space<semaphore_mem>>) src(%dma_wait3A_240 : memref<128x16xf32, #tpu.memory_space<vmem>>) dst(%dma_wait3A_246 : memref<10240x16xf32, #tpu.memory_space<vmem_shared>>)
      %dma_wait3A_249 = arith.constant 3 : i32
      %dma_wait3A_250 = arith.constant 3 : i32
      %dma_wait3A_251 = arith.constant 0 : i32
      %dma_wait3A_252 = arith.constant 0 : i32
      %dma_wait3A_253 = tpu.memref_slice %arg8[%dma_wait3A_249, %dma_wait3A_251, %dma_wait3A_252] : memref<4x128x16xf32, #tpu.memory_space<vmem>> -> memref<1x128x16xf32, #tpu.memory_space<vmem>>
      %dma_wait3A_254 = tpu.memref_squeeze %dma_wait3A_253 : memref<1x128x16xf32, #tpu.memory_space<vmem>> -> memref<128x16xf32, #tpu.memory_space<vmem>>
      %dma_wait3A_255 = arith.constant 0 : i32
      %dma_wait3A_256 = tpu.memref_slice %arg7[%add3A_192, %dma_wait3A_255] : memref<44x128xi32, #tpu.memory_space<vmem>> -> memref<1x128xi32, #tpu.memory_space<vmem>>
      %dma_wait3A_257 = tpu.memref_squeeze %dma_wait3A_256 : memref<1x128xi32, #tpu.memory_space<vmem>> -> memref<128xi32, #tpu.memory_space<vmem>>
      %dma_wait3A_258 = arith.constant 0 : i32
      %dma_wait3A_259 = arith.constant 0 : i32
      %dma_wait3A_260 = tpu.memref_slice %arg9[%dma_wait3A_258, %dma_wait3A_259] : memref<10240x16xf32, #tpu.memory_space<vmem_shared>> -> memref<10240x16xf32, #tpu.memory_space<vmem_shared>>
      %dma_wait3A_261 = tpu.memref_slice %arg12[%dma_wait3A_250] : memref<4x!tpu.dma_semaphore, #tpu.memory_space<semaphore_mem>> -> memref<1x!tpu.dma_semaphore, #tpu.memory_space<semaphore_mem>>
      %dma_wait3A_262 = tpu.memref_squeeze %dma_wait3A_261 : memref<1x!tpu.dma_semaphore, #tpu.memory_space<semaphore_mem>> -> memref<!tpu.dma_semaphore, #tpu.memory_space<semaphore_mem>>
      tpu.wait_indirect_dma semaphore(%dma_wait3A_262 : memref<!tpu.dma_semaphore, #tpu.memory_space<semaphore_mem>>) src(%dma_wait3A_254 : memref<128x16xf32, #tpu.memory_space<vmem>>) dst(%dma_wait3A_260 : memref<10240x16xf32, #tpu.memory_space<vmem_shared>>)
    }
    %barrier3A_21 = arith.constant 0 : index
    tpu.barrier barrier_id(%barrier3A_21)
    "tpu.region"() ({
      %run_scoped3A_22 = tpu.sem_alloc : memref<!tpu.dma_semaphore, #tpu.memory_space<semaphore_mem>>
      %dma_start3A = arith.constant 0 : i32
      %dma_start3A_23 = tpu.memref_slice %arg5[%arg0, %mul3A_0, %dma_start3A] : memref<2x10240x16xf32, #tpu.memory_space<hbm>> -> memref<1x640x16xf32, #tpu.memory_space<hbm>>
      %dma_start3A_24 = tpu.memref_squeeze %dma_start3A_23 : memref<1x640x16xf32, #tpu.memory_space<hbm>> -> memref<640x16xf32, #tpu.memory_space<hbm>>
      %dma_start3A_25 = arith.constant 0 : i32
      %dma_start3A_26 = tpu.memref_slice %arg9[%mul3A_0, %dma_start3A_25] : memref<10240x16xf32, #tpu.memory_space<vmem_shared>> -> memref<640x16xf32, #tpu.memory_space<vmem_shared>>
      tpu.enqueue_dma source(%dma_start3A_26 : memref<640x16xf32, #tpu.memory_space<vmem_shared>>) target(%dma_start3A_24 : memref<640x16xf32, #tpu.memory_space<hbm>>) target_semaphore(%run_scoped3A_22 : memref<!tpu.dma_semaphore, #tpu.memory_space<semaphore_mem>>)
      %dma_wait3A = arith.constant 0 : i32
      %dma_wait3A_27 = tpu.memref_slice %arg5[%arg0, %mul3A_0, %dma_wait3A] : memref<2x10240x16xf32, #tpu.memory_space<hbm>> -> memref<1x640x16xf32, #tpu.memory_space<hbm>>
      %dma_wait3A_28 = tpu.memref_squeeze %dma_wait3A_27 : memref<1x640x16xf32, #tpu.memory_space<hbm>> -> memref<640x16xf32, #tpu.memory_space<hbm>>
      %dma_wait3A_29 = arith.constant 0 : i32
      %dma_wait3A_30 = tpu.memref_slice %arg9[%mul3A_0, %dma_wait3A_29] : memref<10240x16xf32, #tpu.memory_space<vmem_shared>> -> memref<640x16xf32, #tpu.memory_space<vmem_shared>>
      tpu.wait_dma2 semaphore(%run_scoped3A_22 : memref<!tpu.dma_semaphore, #tpu.memory_space<semaphore_mem>>) src(%dma_wait3A_30 : memref<640x16xf32, #tpu.memory_space<vmem_shared>>) dst(%dma_wait3A_28 : memref<640x16xf32, #tpu.memory_space<hbm>>)
      tpu.yield
    }) : () -> ()
    return
  }
}

#map = affine_map<(d0, d1) -> (0, 0, 0)>
#map1 = affine_map<(d0, d1) -> (0, 0)>
module attributes {stable_mosaic.version = 14 : i64} {
  func.func @_edge_agg_kernel(%arg0: i32, %arg1: i32, %arg2: memref<2x1296x128xi32, #tpu.memory_space<hbm>>, %arg3: memref<10240x32xf32, #tpu.memory_space<hbm>>, %arg4: memref<10240x32xf32, #tpu.memory_space<hbm>>, %arg5: memref<2x10240x32xf32, #tpu.memory_space<hbm>>, %arg6: memref<44x128xi32, #tpu.memory_space<vmem>>, %arg7: memref<44x128xi32, #tpu.memory_space<vmem>>, %arg8: memref<4x128x32xf32, #tpu.memory_space<vmem>>, %arg9: memref<10240x32xf32, #tpu.memory_space<vmem_shared>>, %arg10: memref<10240x32xf32, #tpu.memory_space<vmem_shared>>, %arg11: memref<4x!tpu.dma_semaphore, #tpu.memory_space<semaphore_mem>>, %arg12: memref<4x!tpu.dma_semaphore, #tpu.memory_space<semaphore_mem>>) attributes {dimension_semantics = [#tpu.dimension_semantics<core_parallel>, #tpu.dimension_semantics<subcore_parallel>], iteration_bounds = array<i64: 2, 16>, scalar_prefetch = 0 : i64, scratch_operands = 7 : i64, tpu.core_type = #tpu.core_type<sc_vector_subcore>, window_params = [{transform_indices = #map}, {transform_indices = #map1}, {transform_indices = #map1}, {transform_indices = #map}]} {
    %mul3A = arith.constant 640 : i32
    %mul3A_0 = arith.muli %arg1, %mul3A : i32
    %eq3A = arith.constant 0 : i32
    %eq3A_1 = arith.cmpi eq, %arg0, %eq3A : i32
    %mul3A_2 = arith.constant 44 : i32
    %mul3A_3 = arith.muli %arg1, %mul3A_2 : i32
    %mul3A_4 = arith.constant 36 : i32
    %mul3A_5 = arith.muli %arg1, %mul3A_4 : i32
    %add3A = arith.constant 704 : i32
    %add3A_6 = arith.addi %add3A, %mul3A_5 : i32
    %select_n3A = arith.select %eq3A_1, %mul3A_3, %add3A_6 : i32
    %eq3A_7 = arith.constant 0 : i32
    %eq3A_8 = arith.cmpi eq, %arg0, %eq3A_7 : i32
    %jit3A = arith.constant 11 : i32
    %jit3A_9 = arith.constant 9 : i32
    %select_n3A_10 = arith.select %eq3A_8, %jit3A, %jit3A_9 : i32
    "tpu.region"() ({
      %run_scoped3A_22 = tpu.sem_alloc : memref<!tpu.dma_semaphore, #tpu.memory_space<semaphore_mem>>
      %dma_start3A = arith.constant 0 : i32
      %dma_start3A_23 = tpu.memref_slice %arg9[%mul3A_0, %dma_start3A] : memref<10240x32xf32, #tpu.memory_space<vmem_shared>> -> memref<640x32xf32, #tpu.memory_space<vmem_shared>>
      %dma_start3A_24 = arith.constant 0 : i32
      %dma_start3A_25 = tpu.memref_slice %arg4[%mul3A_0, %dma_start3A_24] : memref<10240x32xf32, #tpu.memory_space<hbm>> -> memref<640x32xf32, #tpu.memory_space<hbm>>
      tpu.enqueue_dma source(%dma_start3A_25 : memref<640x32xf32, #tpu.memory_space<hbm>>) target(%dma_start3A_23 : memref<640x32xf32, #tpu.memory_space<vmem_shared>>) target_semaphore(%run_scoped3A_22 : memref<!tpu.dma_semaphore, #tpu.memory_space<semaphore_mem>>)
      %dma_wait3A = arith.constant 0 : i32
      %dma_wait3A_26 = tpu.memref_slice %arg9[%mul3A_0, %dma_wait3A] : memref<10240x32xf32, #tpu.memory_space<vmem_shared>> -> memref<640x32xf32, #tpu.memory_space<vmem_shared>>
      %dma_wait3A_27 = arith.constant 0 : i32
      %dma_wait3A_28 = tpu.memref_slice %arg4[%mul3A_0, %dma_wait3A_27] : memref<10240x32xf32, #tpu.memory_space<hbm>> -> memref<640x32xf32, #tpu.memory_space<hbm>>
      tpu.wait_dma2 semaphore(%run_scoped3A_22 : memref<!tpu.dma_semaphore, #tpu.memory_space<semaphore_mem>>) src(%dma_wait3A_28 : memref<640x32xf32, #tpu.memory_space<hbm>>) dst(%dma_wait3A_26 : memref<640x32xf32, #tpu.memory_space<vmem_shared>>)
      tpu.yield
    }) : () -> ()
    "tpu.region"() ({
      %run_scoped3A_22 = tpu.sem_alloc : memref<!tpu.dma_semaphore, #tpu.memory_space<semaphore_mem>>
      %dma_start3A = arith.constant 0 : i32
      %dma_start3A_23 = tpu.memref_slice %arg10[%mul3A_0, %dma_start3A] : memref<10240x32xf32, #tpu.memory_space<vmem_shared>> -> memref<640x32xf32, #tpu.memory_space<vmem_shared>>
      %dma_start3A_24 = arith.constant 0 : i32
      %dma_start3A_25 = tpu.memref_slice %arg3[%mul3A_0, %dma_start3A_24] : memref<10240x32xf32, #tpu.memory_space<hbm>> -> memref<640x32xf32, #tpu.memory_space<hbm>>
      tpu.enqueue_dma source(%dma_start3A_25 : memref<640x32xf32, #tpu.memory_space<hbm>>) target(%dma_start3A_23 : memref<640x32xf32, #tpu.memory_space<vmem_shared>>) target_semaphore(%run_scoped3A_22 : memref<!tpu.dma_semaphore, #tpu.memory_space<semaphore_mem>>)
      %dma_wait3A = arith.constant 0 : i32
      %dma_wait3A_26 = tpu.memref_slice %arg10[%mul3A_0, %dma_wait3A] : memref<10240x32xf32, #tpu.memory_space<vmem_shared>> -> memref<640x32xf32, #tpu.memory_space<vmem_shared>>
      %dma_wait3A_27 = arith.constant 0 : i32
      %dma_wait3A_28 = tpu.memref_slice %arg3[%mul3A_0, %dma_wait3A_27] : memref<10240x32xf32, #tpu.memory_space<hbm>> -> memref<640x32xf32, #tpu.memory_space<hbm>>
      tpu.wait_dma2 semaphore(%run_scoped3A_22 : memref<!tpu.dma_semaphore, #tpu.memory_space<semaphore_mem>>) src(%dma_wait3A_28 : memref<640x32xf32, #tpu.memory_space<hbm>>) dst(%dma_wait3A_26 : memref<640x32xf32, #tpu.memory_space<vmem_shared>>)
      tpu.yield
    }) : () -> ()
    %run_scoped3A = arith.constant 0 : i32
    "tpu.region"() ({
      %run_scoped3A_22 = tpu.sem_alloc : memref<!tpu.dma_semaphore, #tpu.memory_space<semaphore_mem>>
      %dma_start3A = arith.constant 0 : i32
      %dma_start3A_23 = tpu.memref_slice %arg2[%run_scoped3A, %select_n3A, %dma_start3A] : memref<2x1296x128xi32, #tpu.memory_space<hbm>> -> memref<1x44x128xi32, #tpu.memory_space<hbm>>
      %dma_start3A_24 = tpu.memref_squeeze %dma_start3A_23 : memref<1x44x128xi32, #tpu.memory_space<hbm>> -> memref<44x128xi32, #tpu.memory_space<hbm>>
      %dma_start3A_25 = arith.constant 0 : i32
      %dma_start3A_26 = tpu.memref_slice %arg2[%run_scoped3A, %select_n3A, %dma_start3A_25] : memref<2x1296x128xi32, #tpu.memory_space<hbm>> -> memref<1x44x128xi32, #tpu.memory_space<hbm>>
      %dma_start3A_27 = tpu.memref_squeeze %dma_start3A_26 : memref<1x44x128xi32, #tpu.memory_space<hbm>> -> memref<44x128xi32, #tpu.memory_space<hbm>>
      tpu.enqueue_dma source(%dma_start3A_27 : memref<44x128xi32, #tpu.memory_space<hbm>>) target(%arg6 : memref<44x128xi32, #tpu.memory_space<vmem>>) target_semaphore(%run_scoped3A_22 : memref<!tpu.dma_semaphore, #tpu.memory_space<semaphore_mem>>)
      %dma_wait3A = arith.constant 0 : i32
      %dma_wait3A_28 = tpu.memref_slice %arg2[%run_scoped3A, %select_n3A, %dma_wait3A] : memref<2x1296x128xi32, #tpu.memory_space<hbm>> -> memref<1x44x128xi32, #tpu.memory_space<hbm>>
      %dma_wait3A_29 = tpu.memref_squeeze %dma_wait3A_28 : memref<1x44x128xi32, #tpu.memory_space<hbm>> -> memref<44x128xi32, #tpu.memory_space<hbm>>
      %dma_wait3A_30 = arith.constant 0 : i32
      %dma_wait3A_31 = tpu.memref_slice %arg2[%run_scoped3A, %select_n3A, %dma_wait3A_30] : memref<2x1296x128xi32, #tpu.memory_space<hbm>> -> memref<1x44x128xi32, #tpu.memory_space<hbm>>
      %dma_wait3A_32 = tpu.memref_squeeze %dma_wait3A_31 : memref<1x44x128xi32, #tpu.memory_space<hbm>> -> memref<44x128xi32, #tpu.memory_space<hbm>>
      tpu.wait_dma2 semaphore(%run_scoped3A_22 : memref<!tpu.dma_semaphore, #tpu.memory_space<semaphore_mem>>) src(%dma_wait3A_32 : memref<44x128xi32, #tpu.memory_space<hbm>>) dst(%arg6 : memref<44x128xi32, #tpu.memory_space<vmem>>)
      tpu.yield
    }) : () -> ()
    %run_scoped3A_11 = arith.constant 1 : i32
    "tpu.region"() ({
      %run_scoped3A_22 = tpu.sem_alloc : memref<!tpu.dma_semaphore, #tpu.memory_space<semaphore_mem>>
      %dma_start3A = arith.constant 0 : i32
      %dma_start3A_23 = tpu.memref_slice %arg2[%run_scoped3A_11, %select_n3A, %dma_start3A] : memref<2x1296x128xi32, #tpu.memory_space<hbm>> -> memref<1x44x128xi32, #tpu.memory_space<hbm>>
      %dma_start3A_24 = tpu.memref_squeeze %dma_start3A_23 : memref<1x44x128xi32, #tpu.memory_space<hbm>> -> memref<44x128xi32, #tpu.memory_space<hbm>>
      %dma_start3A_25 = arith.constant 0 : i32
      %dma_start3A_26 = tpu.memref_slice %arg2[%run_scoped3A_11, %select_n3A, %dma_start3A_25] : memref<2x1296x128xi32, #tpu.memory_space<hbm>> -> memref<1x44x128xi32, #tpu.memory_space<hbm>>
      %dma_start3A_27 = tpu.memref_squeeze %dma_start3A_26 : memref<1x44x128xi32, #tpu.memory_space<hbm>> -> memref<44x128xi32, #tpu.memory_space<hbm>>
      tpu.enqueue_dma source(%dma_start3A_27 : memref<44x128xi32, #tpu.memory_space<hbm>>) target(%arg7 : memref<44x128xi32, #tpu.memory_space<vmem>>) target_semaphore(%run_scoped3A_22 : memref<!tpu.dma_semaphore, #tpu.memory_space<semaphore_mem>>)
      %dma_wait3A = arith.constant 0 : i32
      %dma_wait3A_28 = tpu.memref_slice %arg2[%run_scoped3A_11, %select_n3A, %dma_wait3A] : memref<2x1296x128xi32, #tpu.memory_space<hbm>> -> memref<1x44x128xi32, #tpu.memory_space<hbm>>
      %dma_wait3A_29 = tpu.memref_squeeze %dma_wait3A_28 : memref<1x44x128xi32, #tpu.memory_space<hbm>> -> memref<44x128xi32, #tpu.memory_space<hbm>>
      %dma_wait3A_30 = arith.constant 0 : i32
      %dma_wait3A_31 = tpu.memref_slice %arg2[%run_scoped3A_11, %select_n3A, %dma_wait3A_30] : memref<2x1296x128xi32, #tpu.memory_space<hbm>> -> memref<1x44x128xi32, #tpu.memory_space<hbm>>
      %dma_wait3A_32 = tpu.memref_squeeze %dma_wait3A_31 : memref<1x44x128xi32, #tpu.memory_space<hbm>> -> memref<44x128xi32, #tpu.memory_space<hbm>>
      tpu.wait_dma2 semaphore(%run_scoped3A_22 : memref<!tpu.dma_semaphore, #tpu.memory_space<semaphore_mem>>) src(%dma_wait3A_32 : memref<44x128xi32, #tpu.memory_space<hbm>>) dst(%arg7 : memref<44x128xi32, #tpu.memory_space<vmem>>)
      tpu.yield
    }) : () -> ()
    %barrier3A = arith.constant 0 : index
    tpu.barrier barrier_id(%barrier3A)
    %while3A = arith.constant 0 : i32
    %while3A_12 = arith.constant 0 : i32
    %while3A_13 = arith.subi %select_n3A_10, %while3A_12 : i32
    %while3A_14 = arith.addi %while3A_12, %while3A_13 : i32
    %while3A_15 = arith.constant 1 : i32
    %while3A_16 = arith.divsi %while3A_13, %while3A_15 : i32
    %while3A_17 = arith.muli %while3A_16, %while3A_15 : i32
    %while3A_18 = arith.addi %while3A_12, %while3A_17 : i32
    %while3A_19 = arith.constant 1 : i32
    scf.for %while3A_22 = %while3A_12 to %while3A_18 step %while3A_19  : i32 {
      %mul3A_23 = arith.constant 4 : i32
      %mul3A_24 = arith.muli %while3A_22, %mul3A_23 : i32
      %add3A_25 = arith.constant 0 : i32
      %add3A_26 = arith.addi %mul3A_24, %add3A_25 : i32
      %dma_start3A = arith.constant 0 : i32
      %dma_start3A_27 = arith.constant 0 : i32
      %dma_start3A_28 = arith.constant 0 : i32
      %dma_start3A_29 = arith.constant 0 : i32
      %dma_start3A_30 = tpu.memref_slice %arg8[%dma_start3A, %dma_start3A_28, %dma_start3A_29] : memref<4x128x32xf32, #tpu.memory_space<vmem>> -> memref<1x128x32xf32, #tpu.memory_space<vmem>>
      %dma_start3A_31 = tpu.memref_squeeze %dma_start3A_30 : memref<1x128x32xf32, #tpu.memory_space<vmem>> -> memref<128x32xf32, #tpu.memory_space<vmem>>
      %dma_start3A_32 = arith.constant 0 : i32
      %dma_start3A_33 = tpu.memref_slice %arg6[%add3A_26, %dma_start3A_32] : memref<44x128xi32, #tpu.memory_space<vmem>> -> memref<1x128xi32, #tpu.memory_space<vmem>>
      %dma_start3A_34 = tpu.memref_squeeze %dma_start3A_33 : memref<1x128xi32, #tpu.memory_space<vmem>> -> memref<128xi32, #tpu.memory_space<vmem>>
      %dma_start3A_35 = arith.constant 0 : i32
      %dma_start3A_36 = arith.constant 0 : i32
      %dma_start3A_37 = tpu.memref_slice %arg10[%dma_start3A_35, %dma_start3A_36] : memref<10240x32xf32, #tpu.memory_space<vmem_shared>> -> memref<10240x32xf32, #tpu.memory_space<vmem_shared>>
      %dma_start3A_38 = tpu.memref_slice %arg11[%dma_start3A_27] : memref<4x!tpu.dma_semaphore, #tpu.memory_space<semaphore_mem>> -> memref<1x!tpu.dma_semaphore, #tpu.memory_space<semaphore_mem>>
      %dma_start3A_39 = tpu.memref_squeeze %dma_start3A_38 : memref<1x!tpu.dma_semaphore, #tpu.memory_space<semaphore_mem>> -> memref<!tpu.dma_semaphore, #tpu.memory_space<semaphore_mem>>
      tpu.enqueue_indirect_dma source(%dma_start3A_37 : memref<10240x32xf32, #tpu.memory_space<vmem_shared>>) target(%dma_start3A_31 : memref<128x32xf32, #tpu.memory_space<vmem>>) offsets(%dma_start3A_34 : memref<128xi32, #tpu.memory_space<vmem>>) semaphore(%dma_start3A_39 : memref<!tpu.dma_semaphore, #tpu.memory_space<semaphore_mem>>)
      %add3A_40 = arith.constant 1 : i32
      %add3A_41 = arith.addi %mul3A_24, %add3A_40 : i32
      %dma_start3A_42 = arith.constant 1 : i32
      %dma_start3A_43 = arith.constant 1 : i32
      %dma_start3A_44 = arith.constant 0 : i32
      %dma_start3A_45 = arith.constant 0 : i32
      %dma_start3A_46 = tpu.memref_slice %arg8[%dma_start3A_42, %dma_start3A_44, %dma_start3A_45] : memref<4x128x32xf32, #tpu.memory_space<vmem>> -> memref<1x128x32xf32, #tpu.memory_space<vmem>>
      %dma_start3A_47 = tpu.memref_squeeze %dma_start3A_46 : memref<1x128x32xf32, #tpu.memory_space<vmem>> -> memref<128x32xf32, #tpu.memory_space<vmem>>
      %dma_start3A_48 = arith.constant 0 : i32
      %dma_start3A_49 = tpu.memref_slice %arg6[%add3A_41, %dma_start3A_48] : memref<44x128xi32, #tpu.memory_space<vmem>> -> memref<1x128xi32, #tpu.memory_space<vmem>>
      %dma_start3A_50 = tpu.memref_squeeze %dma_start3A_49 : memref<1x128xi32, #tpu.memory_space<vmem>> -> memref<128xi32, #tpu.memory_space<vmem>>
      %dma_start3A_51 = arith.constant 0 : i32
      %dma_start3A_52 = arith.constant 0 : i32
      %dma_start3A_53 = tpu.memref_slice %arg10[%dma_start3A_51, %dma_start3A_52] : memref<10240x32xf32, #tpu.memory_space<vmem_shared>> -> memref<10240x32xf32, #tpu.memory_space<vmem_shared>>
      %dma_start3A_54 = tpu.memref_slice %arg11[%dma_start3A_43] : memref<4x!tpu.dma_semaphore, #tpu.memory_space<semaphore_mem>> -> memref<1x!tpu.dma_semaphore, #tpu.memory_space<semaphore_mem>>
      %dma_start3A_55 = tpu.memref_squeeze %dma_start3A_54 : memref<1x!tpu.dma_semaphore, #tpu.memory_space<semaphore_mem>> -> memref<!tpu.dma_semaphore, #tpu.memory_space<semaphore_mem>>
      tpu.enqueue_indirect_dma source(%dma_start3A_53 : memref<10240x32xf32, #tpu.memory_space<vmem_shared>>) target(%dma_start3A_47 : memref<128x32xf32, #tpu.memory_space<vmem>>) offsets(%dma_start3A_50 : memref<128xi32, #tpu.memory_space<vmem>>) semaphore(%dma_start3A_55 : memref<!tpu.dma_semaphore, #tpu.memory_space<semaphore_mem>>)
      %add3A_56 = arith.constant 2 : i32
      %add3A_57 = arith.addi %mul3A_24, %add3A_56 : i32
      %dma_start3A_58 = arith.constant 2 : i32
      %dma_start3A_59 = arith.constant 2 : i32
      %dma_start3A_60 = arith.constant 0 : i32
      %dma_start3A_61 = arith.constant 0 : i32
      %dma_start3A_62 = tpu.memref_slice %arg8[%dma_start3A_58, %dma_start3A_60, %dma_start3A_61] : memref<4x128x32xf32, #tpu.memory_space<vmem>> -> memref<1x128x32xf32, #tpu.memory_space<vmem>>
      %dma_start3A_63 = tpu.memref_squeeze %dma_start3A_62 : memref<1x128x32xf32, #tpu.memory_space<vmem>> -> memref<128x32xf32, #tpu.memory_space<vmem>>
      %dma_start3A_64 = arith.constant 0 : i32
      %dma_start3A_65 = tpu.memref_slice %arg6[%add3A_57, %dma_start3A_64] : memref<44x128xi32, #tpu.memory_space<vmem>> -> memref<1x128xi32, #tpu.memory_space<vmem>>
      %dma_start3A_66 = tpu.memref_squeeze %dma_start3A_65 : memref<1x128xi32, #tpu.memory_space<vmem>> -> memref<128xi32, #tpu.memory_space<vmem>>
      %dma_start3A_67 = arith.constant 0 : i32
      %dma_start3A_68 = arith.constant 0 : i32
      %dma_start3A_69 = tpu.memref_slice %arg10[%dma_start3A_67, %dma_start3A_68] : memref<10240x32xf32, #tpu.memory_space<vmem_shared>> -> memref<10240x32xf32, #tpu.memory_space<vmem_shared>>
      %dma_start3A_70 = tpu.memref_slice %arg11[%dma_start3A_59] : memref<4x!tpu.dma_semaphore, #tpu.memory_space<semaphore_mem>> -> memref<1x!tpu.dma_semaphore, #tpu.memory_space<semaphore_mem>>
      %dma_start3A_71 = tpu.memref_squeeze %dma_start3A_70 : memref<1x!tpu.dma_semaphore, #tpu.memory_space<semaphore_mem>> -> memref<!tpu.dma_semaphore, #tpu.memory_space<semaphore_mem>>
      tpu.enqueue_indirect_dma source(%dma_start3A_69 : memref<10240x32xf32, #tpu.memory_space<vmem_shared>>) target(%dma_start3A_63 : memref<128x32xf32, #tpu.memory_space<vmem>>) offsets(%dma_start3A_66 : memref<128xi32, #tpu.memory_space<vmem>>) semaphore(%dma_start3A_71 : memref<!tpu.dma_semaphore, #tpu.memory_space<semaphore_mem>>)
      %add3A_72 = arith.constant 3 : i32
      %add3A_73 = arith.addi %mul3A_24, %add3A_72 : i32
      %dma_start3A_74 = arith.constant 3 : i32
      %dma_start3A_75 = arith.constant 3 : i32
      %dma_start3A_76 = arith.constant 0 : i32
      %dma_start3A_77 = arith.constant 0 : i32
      %dma_start3A_78 = tpu.memref_slice %arg8[%dma_start3A_74, %dma_start3A_76, %dma_start3A_77] : memref<4x128x32xf32, #tpu.memory_space<vmem>> -> memref<1x128x32xf32, #tpu.memory_space<vmem>>
      %dma_start3A_79 = tpu.memref_squeeze %dma_start3A_78 : memref<1x128x32xf32, #tpu.memory_space<vmem>> -> memref<128x32xf32, #tpu.memory_space<vmem>>
      %dma_start3A_80 = arith.constant 0 : i32
      %dma_start3A_81 = tpu.memref_slice %arg6[%add3A_73, %dma_start3A_80] : memref<44x128xi32, #tpu.memory_space<vmem>> -> memref<1x128xi32, #tpu.memory_space<vmem>>
      %dma_start3A_82 = tpu.memref_squeeze %dma_start3A_81 : memref<1x128xi32, #tpu.memory_space<vmem>> -> memref<128xi32, #tpu.memory_space<vmem>>
      %dma_start3A_83 = arith.constant 0 : i32
      %dma_start3A_84 = arith.constant 0 : i32
      %dma_start3A_85 = tpu.memref_slice %arg10[%dma_start3A_83, %dma_start3A_84] : memref<10240x32xf32, #tpu.memory_space<vmem_shared>> -> memref<10240x32xf32, #tpu.memory_space<vmem_shared>>
      %dma_start3A_86 = tpu.memref_slice %arg11[%dma_start3A_75] : memref<4x!tpu.dma_semaphore, #tpu.memory_space<semaphore_mem>> -> memref<1x!tpu.dma_semaphore, #tpu.memory_space<semaphore_mem>>
      %dma_start3A_87 = tpu.memref_squeeze %dma_start3A_86 : memref<1x!tpu.dma_semaphore, #tpu.memory_space<semaphore_mem>> -> memref<!tpu.dma_semaphore, #tpu.memory_space<semaphore_mem>>
      tpu.enqueue_indirect_dma source(%dma_start3A_85 : memref<10240x32xf32, #tpu.memory_space<vmem_shared>>) target(%dma_start3A_79 : memref<128x32xf32, #tpu.memory_space<vmem>>) offsets(%dma_start3A_82 : memref<128xi32, #tpu.memory_space<vmem>>) semaphore(%dma_start3A_87 : memref<!tpu.dma_semaphore, #tpu.memory_space<semaphore_mem>>)
      %dma_wait3A = arith.constant 0 : i32
      %dma_wait3A_88 = arith.constant 0 : i32
      %dma_wait3A_89 = arith.constant 0 : i32
      %dma_wait3A_90 = arith.constant 0 : i32
      %dma_wait3A_91 = tpu.memref_slice %arg8[%dma_wait3A, %dma_wait3A_89, %dma_wait3A_90] : memref<4x128x32xf32, #tpu.memory_space<vmem>> -> memref<1x128x32xf32, #tpu.memory_space<vmem>>
      %dma_wait3A_92 = tpu.memref_squeeze %dma_wait3A_91 : memref<1x128x32xf32, #tpu.memory_space<vmem>> -> memref<128x32xf32, #tpu.memory_space<vmem>>
      %dma_wait3A_93 = arith.constant 0 : i32
      %dma_wait3A_94 = tpu.memref_slice %arg6[%add3A_26, %dma_wait3A_93] : memref<44x128xi32, #tpu.memory_space<vmem>> -> memref<1x128xi32, #tpu.memory_space<vmem>>
      %dma_wait3A_95 = tpu.memref_squeeze %dma_wait3A_94 : memref<1x128xi32, #tpu.memory_space<vmem>> -> memref<128xi32, #tpu.memory_space<vmem>>
      %dma_wait3A_96 = arith.constant 0 : i32
      %dma_wait3A_97 = arith.constant 0 : i32
      %dma_wait3A_98 = tpu.memref_slice %arg10[%dma_wait3A_96, %dma_wait3A_97] : memref<10240x32xf32, #tpu.memory_space<vmem_shared>> -> memref<10240x32xf32, #tpu.memory_space<vmem_shared>>
      %dma_wait3A_99 = tpu.memref_slice %arg11[%dma_wait3A_88] : memref<4x!tpu.dma_semaphore, #tpu.memory_space<semaphore_mem>> -> memref<1x!tpu.dma_semaphore, #tpu.memory_space<semaphore_mem>>
      %dma_wait3A_100 = tpu.memref_squeeze %dma_wait3A_99 : memref<1x!tpu.dma_semaphore, #tpu.memory_space<semaphore_mem>> -> memref<!tpu.dma_semaphore, #tpu.memory_space<semaphore_mem>>
      tpu.wait_indirect_dma semaphore(%dma_wait3A_100 : memref<!tpu.dma_semaphore, #tpu.memory_space<semaphore_mem>>) src(%dma_wait3A_98 : memref<10240x32xf32, #tpu.memory_space<vmem_shared>>) dst(%dma_wait3A_92 : memref<128x32xf32, #tpu.memory_space<vmem>>)
      %add3A_101 = arith.constant 0 : i32
      %add3A_102 = arith.addi %mul3A_24, %add3A_101 : i32
      %dma_start3A_103 = arith.constant 0 : i32
      %dma_start3A_104 = arith.constant 0 : i32
      %dma_start3A_105 = arith.constant 0 : i32
      %dma_start3A_106 = arith.constant 0 : i32
      %dma_start3A_107 = tpu.memref_slice %arg8[%dma_start3A_103, %dma_start3A_105, %dma_start3A_106] : memref<4x128x32xf32, #tpu.memory_space<vmem>> -> memref<1x128x32xf32, #tpu.memory_space<vmem>>
      %dma_start3A_108 = tpu.memref_squeeze %dma_start3A_107 : memref<1x128x32xf32, #tpu.memory_space<vmem>> -> memref<128x32xf32, #tpu.memory_space<vmem>>
      %dma_start3A_109 = arith.constant 0 : i32
      %dma_start3A_110 = tpu.memref_slice %arg7[%add3A_102, %dma_start3A_109] : memref<44x128xi32, #tpu.memory_space<vmem>> -> memref<1x128xi32, #tpu.memory_space<vmem>>
      %dma_start3A_111 = tpu.memref_squeeze %dma_start3A_110 : memref<1x128xi32, #tpu.memory_space<vmem>> -> memref<128xi32, #tpu.memory_space<vmem>>
      %dma_start3A_112 = arith.constant 0 : i32
      %dma_start3A_113 = arith.constant 0 : i32
      %dma_start3A_114 = tpu.memref_slice %arg9[%dma_start3A_112, %dma_start3A_113] : memref<10240x32xf32, #tpu.memory_space<vmem_shared>> -> memref<10240x32xf32, #tpu.memory_space<vmem_shared>>
      %dma_start3A_115 = tpu.memref_slice %arg12[%dma_start3A_104] : memref<4x!tpu.dma_semaphore, #tpu.memory_space<semaphore_mem>> -> memref<1x!tpu.dma_semaphore, #tpu.memory_space<semaphore_mem>>
      %dma_start3A_116 = tpu.memref_squeeze %dma_start3A_115 : memref<1x!tpu.dma_semaphore, #tpu.memory_space<semaphore_mem>> -> memref<!tpu.dma_semaphore, #tpu.memory_space<semaphore_mem>>
      tpu.enqueue_indirect_dma source(%dma_start3A_108 : memref<128x32xf32, #tpu.memory_space<vmem>>) target(%dma_start3A_114 : memref<10240x32xf32, #tpu.memory_space<vmem_shared>>) offsets(%dma_start3A_111 : memref<128xi32, #tpu.memory_space<vmem>>) semaphore(%dma_start3A_116 : memref<!tpu.dma_semaphore, #tpu.memory_space<semaphore_mem>>) {add = true}
      %dma_wait3A_117 = arith.constant 1 : i32
      %dma_wait3A_118 = arith.constant 1 : i32
      %dma_wait3A_119 = arith.constant 0 : i32
      %dma_wait3A_120 = arith.constant 0 : i32
      %dma_wait3A_121 = tpu.memref_slice %arg8[%dma_wait3A_117, %dma_wait3A_119, %dma_wait3A_120] : memref<4x128x32xf32, #tpu.memory_space<vmem>> -> memref<1x128x32xf32, #tpu.memory_space<vmem>>
      %dma_wait3A_122 = tpu.memref_squeeze %dma_wait3A_121 : memref<1x128x32xf32, #tpu.memory_space<vmem>> -> memref<128x32xf32, #tpu.memory_space<vmem>>
      %dma_wait3A_123 = arith.constant 0 : i32
      %dma_wait3A_124 = tpu.memref_slice %arg6[%add3A_41, %dma_wait3A_123] : memref<44x128xi32, #tpu.memory_space<vmem>> -> memref<1x128xi32, #tpu.memory_space<vmem>>
      %dma_wait3A_125 = tpu.memref_squeeze %dma_wait3A_124 : memref<1x128xi32, #tpu.memory_space<vmem>> -> memref<128xi32, #tpu.memory_space<vmem>>
      %dma_wait3A_126 = arith.constant 0 : i32
      %dma_wait3A_127 = arith.constant 0 : i32
      %dma_wait3A_128 = tpu.memref_slice %arg10[%dma_wait3A_126, %dma_wait3A_127] : memref<10240x32xf32, #tpu.memory_space<vmem_shared>> -> memref<10240x32xf32, #tpu.memory_space<vmem_shared>>
      %dma_wait3A_129 = tpu.memref_slice %arg11[%dma_wait3A_118] : memref<4x!tpu.dma_semaphore, #tpu.memory_space<semaphore_mem>> -> memref<1x!tpu.dma_semaphore, #tpu.memory_space<semaphore_mem>>
      %dma_wait3A_130 = tpu.memref_squeeze %dma_wait3A_129 : memref<1x!tpu.dma_semaphore, #tpu.memory_space<semaphore_mem>> -> memref<!tpu.dma_semaphore, #tpu.memory_space<semaphore_mem>>
      tpu.wait_indirect_dma semaphore(%dma_wait3A_130 : memref<!tpu.dma_semaphore, #tpu.memory_space<semaphore_mem>>) src(%dma_wait3A_128 : memref<10240x32xf32, #tpu.memory_space<vmem_shared>>) dst(%dma_wait3A_122 : memref<128x32xf32, #tpu.memory_space<vmem>>)
      %add3A_131 = arith.constant 1 : i32
      %add3A_132 = arith.addi %mul3A_24, %add3A_131 : i32
      %dma_start3A_133 = arith.constant 1 : i32
      %dma_start3A_134 = arith.constant 1 : i32
      %dma_start3A_135 = arith.constant 0 : i32
      %dma_start3A_136 = arith.constant 0 : i32
      %dma_start3A_137 = tpu.memref_slice %arg8[%dma_start3A_133, %dma_start3A_135, %dma_start3A_136] : memref<4x128x32xf32, #tpu.memory_space<vmem>> -> memref<1x128x32xf32, #tpu.memory_space<vmem>>
      %dma_start3A_138 = tpu.memref_squeeze %dma_start3A_137 : memref<1x128x32xf32, #tpu.memory_space<vmem>> -> memref<128x32xf32, #tpu.memory_space<vmem>>
      %dma_start3A_139 = arith.constant 0 : i32
      %dma_start3A_140 = tpu.memref_slice %arg7[%add3A_132, %dma_start3A_139] : memref<44x128xi32, #tpu.memory_space<vmem>> -> memref<1x128xi32, #tpu.memory_space<vmem>>
      %dma_start3A_141 = tpu.memref_squeeze %dma_start3A_140 : memref<1x128xi32, #tpu.memory_space<vmem>> -> memref<128xi32, #tpu.memory_space<vmem>>
      %dma_start3A_142 = arith.constant 0 : i32
      %dma_start3A_143 = arith.constant 0 : i32
      %dma_start3A_144 = tpu.memref_slice %arg9[%dma_start3A_142, %dma_start3A_143] : memref<10240x32xf32, #tpu.memory_space<vmem_shared>> -> memref<10240x32xf32, #tpu.memory_space<vmem_shared>>
      %dma_start3A_145 = tpu.memref_slice %arg12[%dma_start3A_134] : memref<4x!tpu.dma_semaphore, #tpu.memory_space<semaphore_mem>> -> memref<1x!tpu.dma_semaphore, #tpu.memory_space<semaphore_mem>>
      %dma_start3A_146 = tpu.memref_squeeze %dma_start3A_145 : memref<1x!tpu.dma_semaphore, #tpu.memory_space<semaphore_mem>> -> memref<!tpu.dma_semaphore, #tpu.memory_space<semaphore_mem>>
      tpu.enqueue_indirect_dma source(%dma_start3A_138 : memref<128x32xf32, #tpu.memory_space<vmem>>) target(%dma_start3A_144 : memref<10240x32xf32, #tpu.memory_space<vmem_shared>>) offsets(%dma_start3A_141 : memref<128xi32, #tpu.memory_space<vmem>>) semaphore(%dma_start3A_146 : memref<!tpu.dma_semaphore, #tpu.memory_space<semaphore_mem>>) {add = true}
      %dma_wait3A_147 = arith.constant 2 : i32
      %dma_wait3A_148 = arith.constant 2 : i32
      %dma_wait3A_149 = arith.constant 0 : i32
      %dma_wait3A_150 = arith.constant 0 : i32
      %dma_wait3A_151 = tpu.memref_slice %arg8[%dma_wait3A_147, %dma_wait3A_149, %dma_wait3A_150] : memref<4x128x32xf32, #tpu.memory_space<vmem>> -> memref<1x128x32xf32, #tpu.memory_space<vmem>>
      %dma_wait3A_152 = tpu.memref_squeeze %dma_wait3A_151 : memref<1x128x32xf32, #tpu.memory_space<vmem>> -> memref<128x32xf32, #tpu.memory_space<vmem>>
      %dma_wait3A_153 = arith.constant 0 : i32
      %dma_wait3A_154 = tpu.memref_slice %arg6[%add3A_57, %dma_wait3A_153] : memref<44x128xi32, #tpu.memory_space<vmem>> -> memref<1x128xi32, #tpu.memory_space<vmem>>
      %dma_wait3A_155 = tpu.memref_squeeze %dma_wait3A_154 : memref<1x128xi32, #tpu.memory_space<vmem>> -> memref<128xi32, #tpu.memory_space<vmem>>
      %dma_wait3A_156 = arith.constant 0 : i32
      %dma_wait3A_157 = arith.constant 0 : i32
      %dma_wait3A_158 = tpu.memref_slice %arg10[%dma_wait3A_156, %dma_wait3A_157] : memref<10240x32xf32, #tpu.memory_space<vmem_shared>> -> memref<10240x32xf32, #tpu.memory_space<vmem_shared>>
      %dma_wait3A_159 = tpu.memref_slice %arg11[%dma_wait3A_148] : memref<4x!tpu.dma_semaphore, #tpu.memory_space<semaphore_mem>> -> memref<1x!tpu.dma_semaphore, #tpu.memory_space<semaphore_mem>>
      %dma_wait3A_160 = tpu.memref_squeeze %dma_wait3A_159 : memref<1x!tpu.dma_semaphore, #tpu.memory_space<semaphore_mem>> -> memref<!tpu.dma_semaphore, #tpu.memory_space<semaphore_mem>>
      tpu.wait_indirect_dma semaphore(%dma_wait3A_160 : memref<!tpu.dma_semaphore, #tpu.memory_space<semaphore_mem>>) src(%dma_wait3A_158 : memref<10240x32xf32, #tpu.memory_space<vmem_shared>>) dst(%dma_wait3A_152 : memref<128x32xf32, #tpu.memory_space<vmem>>)
      %add3A_161 = arith.constant 2 : i32
      %add3A_162 = arith.addi %mul3A_24, %add3A_161 : i32
      %dma_start3A_163 = arith.constant 2 : i32
      %dma_start3A_164 = arith.constant 2 : i32
      %dma_start3A_165 = arith.constant 0 : i32
      %dma_start3A_166 = arith.constant 0 : i32
      %dma_start3A_167 = tpu.memref_slice %arg8[%dma_start3A_163, %dma_start3A_165, %dma_start3A_166] : memref<4x128x32xf32, #tpu.memory_space<vmem>> -> memref<1x128x32xf32, #tpu.memory_space<vmem>>
      %dma_start3A_168 = tpu.memref_squeeze %dma_start3A_167 : memref<1x128x32xf32, #tpu.memory_space<vmem>> -> memref<128x32xf32, #tpu.memory_space<vmem>>
      %dma_start3A_169 = arith.constant 0 : i32
      %dma_start3A_170 = tpu.memref_slice %arg7[%add3A_162, %dma_start3A_169] : memref<44x128xi32, #tpu.memory_space<vmem>> -> memref<1x128xi32, #tpu.memory_space<vmem>>
      %dma_start3A_171 = tpu.memref_squeeze %dma_start3A_170 : memref<1x128xi32, #tpu.memory_space<vmem>> -> memref<128xi32, #tpu.memory_space<vmem>>
      %dma_start3A_172 = arith.constant 0 : i32
      %dma_start3A_173 = arith.constant 0 : i32
      %dma_start3A_174 = tpu.memref_slice %arg9[%dma_start3A_172, %dma_start3A_173] : memref<10240x32xf32, #tpu.memory_space<vmem_shared>> -> memref<10240x32xf32, #tpu.memory_space<vmem_shared>>
      %dma_start3A_175 = tpu.memref_slice %arg12[%dma_start3A_164] : memref<4x!tpu.dma_semaphore, #tpu.memory_space<semaphore_mem>> -> memref<1x!tpu.dma_semaphore, #tpu.memory_space<semaphore_mem>>
      %dma_start3A_176 = tpu.memref_squeeze %dma_start3A_175 : memref<1x!tpu.dma_semaphore, #tpu.memory_space<semaphore_mem>> -> memref<!tpu.dma_semaphore, #tpu.memory_space<semaphore_mem>>
      tpu.enqueue_indirect_dma source(%dma_start3A_168 : memref<128x32xf32, #tpu.memory_space<vmem>>) target(%dma_start3A_174 : memref<10240x32xf32, #tpu.memory_space<vmem_shared>>) offsets(%dma_start3A_171 : memref<128xi32, #tpu.memory_space<vmem>>) semaphore(%dma_start3A_176 : memref<!tpu.dma_semaphore, #tpu.memory_space<semaphore_mem>>) {add = true}
      %dma_wait3A_177 = arith.constant 3 : i32
      %dma_wait3A_178 = arith.constant 3 : i32
      %dma_wait3A_179 = arith.constant 0 : i32
      %dma_wait3A_180 = arith.constant 0 : i32
      %dma_wait3A_181 = tpu.memref_slice %arg8[%dma_wait3A_177, %dma_wait3A_179, %dma_wait3A_180] : memref<4x128x32xf32, #tpu.memory_space<vmem>> -> memref<1x128x32xf32, #tpu.memory_space<vmem>>
      %dma_wait3A_182 = tpu.memref_squeeze %dma_wait3A_181 : memref<1x128x32xf32, #tpu.memory_space<vmem>> -> memref<128x32xf32, #tpu.memory_space<vmem>>
      %dma_wait3A_183 = arith.constant 0 : i32
      %dma_wait3A_184 = tpu.memref_slice %arg6[%add3A_73, %dma_wait3A_183] : memref<44x128xi32, #tpu.memory_space<vmem>> -> memref<1x128xi32, #tpu.memory_space<vmem>>
      %dma_wait3A_185 = tpu.memref_squeeze %dma_wait3A_184 : memref<1x128xi32, #tpu.memory_space<vmem>> -> memref<128xi32, #tpu.memory_space<vmem>>
      %dma_wait3A_186 = arith.constant 0 : i32
      %dma_wait3A_187 = arith.constant 0 : i32
      %dma_wait3A_188 = tpu.memref_slice %arg10[%dma_wait3A_186, %dma_wait3A_187] : memref<10240x32xf32, #tpu.memory_space<vmem_shared>> -> memref<10240x32xf32, #tpu.memory_space<vmem_shared>>
      %dma_wait3A_189 = tpu.memref_slice %arg11[%dma_wait3A_178] : memref<4x!tpu.dma_semaphore, #tpu.memory_space<semaphore_mem>> -> memref<1x!tpu.dma_semaphore, #tpu.memory_space<semaphore_mem>>
      %dma_wait3A_190 = tpu.memref_squeeze %dma_wait3A_189 : memref<1x!tpu.dma_semaphore, #tpu.memory_space<semaphore_mem>> -> memref<!tpu.dma_semaphore, #tpu.memory_space<semaphore_mem>>
      tpu.wait_indirect_dma semaphore(%dma_wait3A_190 : memref<!tpu.dma_semaphore, #tpu.memory_space<semaphore_mem>>) src(%dma_wait3A_188 : memref<10240x32xf32, #tpu.memory_space<vmem_shared>>) dst(%dma_wait3A_182 : memref<128x32xf32, #tpu.memory_space<vmem>>)
      %add3A_191 = arith.constant 3 : i32
      %add3A_192 = arith.addi %mul3A_24, %add3A_191 : i32
      %dma_start3A_193 = arith.constant 3 : i32
      %dma_start3A_194 = arith.constant 3 : i32
      %dma_start3A_195 = arith.constant 0 : i32
      %dma_start3A_196 = arith.constant 0 : i32
      %dma_start3A_197 = tpu.memref_slice %arg8[%dma_start3A_193, %dma_start3A_195, %dma_start3A_196] : memref<4x128x32xf32, #tpu.memory_space<vmem>> -> memref<1x128x32xf32, #tpu.memory_space<vmem>>
      %dma_start3A_198 = tpu.memref_squeeze %dma_start3A_197 : memref<1x128x32xf32, #tpu.memory_space<vmem>> -> memref<128x32xf32, #tpu.memory_space<vmem>>
      %dma_start3A_199 = arith.constant 0 : i32
      %dma_start3A_200 = tpu.memref_slice %arg7[%add3A_192, %dma_start3A_199] : memref<44x128xi32, #tpu.memory_space<vmem>> -> memref<1x128xi32, #tpu.memory_space<vmem>>
      %dma_start3A_201 = tpu.memref_squeeze %dma_start3A_200 : memref<1x128xi32, #tpu.memory_space<vmem>> -> memref<128xi32, #tpu.memory_space<vmem>>
      %dma_start3A_202 = arith.constant 0 : i32
      %dma_start3A_203 = arith.constant 0 : i32
      %dma_start3A_204 = tpu.memref_slice %arg9[%dma_start3A_202, %dma_start3A_203] : memref<10240x32xf32, #tpu.memory_space<vmem_shared>> -> memref<10240x32xf32, #tpu.memory_space<vmem_shared>>
      %dma_start3A_205 = tpu.memref_slice %arg12[%dma_start3A_194] : memref<4x!tpu.dma_semaphore, #tpu.memory_space<semaphore_mem>> -> memref<1x!tpu.dma_semaphore, #tpu.memory_space<semaphore_mem>>
      %dma_start3A_206 = tpu.memref_squeeze %dma_start3A_205 : memref<1x!tpu.dma_semaphore, #tpu.memory_space<semaphore_mem>> -> memref<!tpu.dma_semaphore, #tpu.memory_space<semaphore_mem>>
      tpu.enqueue_indirect_dma source(%dma_start3A_198 : memref<128x32xf32, #tpu.memory_space<vmem>>) target(%dma_start3A_204 : memref<10240x32xf32, #tpu.memory_space<vmem_shared>>) offsets(%dma_start3A_201 : memref<128xi32, #tpu.memory_space<vmem>>) semaphore(%dma_start3A_206 : memref<!tpu.dma_semaphore, #tpu.memory_space<semaphore_mem>>) {add = true}
      %dma_wait3A_207 = arith.constant 0 : i32
      %dma_wait3A_208 = arith.constant 0 : i32
      %dma_wait3A_209 = arith.constant 0 : i32
      %dma_wait3A_210 = arith.constant 0 : i32
      %dma_wait3A_211 = tpu.memref_slice %arg8[%dma_wait3A_207, %dma_wait3A_209, %dma_wait3A_210] : memref<4x128x32xf32, #tpu.memory_space<vmem>> -> memref<1x128x32xf32, #tpu.memory_space<vmem>>
      %dma_wait3A_212 = tpu.memref_squeeze %dma_wait3A_211 : memref<1x128x32xf32, #tpu.memory_space<vmem>> -> memref<128x32xf32, #tpu.memory_space<vmem>>
      %dma_wait3A_213 = arith.constant 0 : i32
      %dma_wait3A_214 = tpu.memref_slice %arg7[%add3A_102, %dma_wait3A_213] : memref<44x128xi32, #tpu.memory_space<vmem>> -> memref<1x128xi32, #tpu.memory_space<vmem>>
      %dma_wait3A_215 = tpu.memref_squeeze %dma_wait3A_214 : memref<1x128xi32, #tpu.memory_space<vmem>> -> memref<128xi32, #tpu.memory_space<vmem>>
      %dma_wait3A_216 = arith.constant 0 : i32
      %dma_wait3A_217 = arith.constant 0 : i32
      %dma_wait3A_218 = tpu.memref_slice %arg9[%dma_wait3A_216, %dma_wait3A_217] : memref<10240x32xf32, #tpu.memory_space<vmem_shared>> -> memref<10240x32xf32, #tpu.memory_space<vmem_shared>>
      %dma_wait3A_219 = tpu.memref_slice %arg12[%dma_wait3A_208] : memref<4x!tpu.dma_semaphore, #tpu.memory_space<semaphore_mem>> -> memref<1x!tpu.dma_semaphore, #tpu.memory_space<semaphore_mem>>
      %dma_wait3A_220 = tpu.memref_squeeze %dma_wait3A_219 : memref<1x!tpu.dma_semaphore, #tpu.memory_space<semaphore_mem>> -> memref<!tpu.dma_semaphore, #tpu.memory_space<semaphore_mem>>
      tpu.wait_indirect_dma semaphore(%dma_wait3A_220 : memref<!tpu.dma_semaphore, #tpu.memory_space<semaphore_mem>>) src(%dma_wait3A_212 : memref<128x32xf32, #tpu.memory_space<vmem>>) dst(%dma_wait3A_218 : memref<10240x32xf32, #tpu.memory_space<vmem_shared>>)
      %dma_wait3A_221 = arith.constant 1 : i32
      %dma_wait3A_222 = arith.constant 1 : i32
      %dma_wait3A_223 = arith.constant 0 : i32
      %dma_wait3A_224 = arith.constant 0 : i32
      %dma_wait3A_225 = tpu.memref_slice %arg8[%dma_wait3A_221, %dma_wait3A_223, %dma_wait3A_224] : memref<4x128x32xf32, #tpu.memory_space<vmem>> -> memref<1x128x32xf32, #tpu.memory_space<vmem>>
      %dma_wait3A_226 = tpu.memref_squeeze %dma_wait3A_225 : memref<1x128x32xf32, #tpu.memory_space<vmem>> -> memref<128x32xf32, #tpu.memory_space<vmem>>
      %dma_wait3A_227 = arith.constant 0 : i32
      %dma_wait3A_228 = tpu.memref_slice %arg7[%add3A_132, %dma_wait3A_227] : memref<44x128xi32, #tpu.memory_space<vmem>> -> memref<1x128xi32, #tpu.memory_space<vmem>>
      %dma_wait3A_229 = tpu.memref_squeeze %dma_wait3A_228 : memref<1x128xi32, #tpu.memory_space<vmem>> -> memref<128xi32, #tpu.memory_space<vmem>>
      %dma_wait3A_230 = arith.constant 0 : i32
      %dma_wait3A_231 = arith.constant 0 : i32
      %dma_wait3A_232 = tpu.memref_slice %arg9[%dma_wait3A_230, %dma_wait3A_231] : memref<10240x32xf32, #tpu.memory_space<vmem_shared>> -> memref<10240x32xf32, #tpu.memory_space<vmem_shared>>
      %dma_wait3A_233 = tpu.memref_slice %arg12[%dma_wait3A_222] : memref<4x!tpu.dma_semaphore, #tpu.memory_space<semaphore_mem>> -> memref<1x!tpu.dma_semaphore, #tpu.memory_space<semaphore_mem>>
      %dma_wait3A_234 = tpu.memref_squeeze %dma_wait3A_233 : memref<1x!tpu.dma_semaphore, #tpu.memory_space<semaphore_mem>> -> memref<!tpu.dma_semaphore, #tpu.memory_space<semaphore_mem>>
      tpu.wait_indirect_dma semaphore(%dma_wait3A_234 : memref<!tpu.dma_semaphore, #tpu.memory_space<semaphore_mem>>) src(%dma_wait3A_226 : memref<128x32xf32, #tpu.memory_space<vmem>>) dst(%dma_wait3A_232 : memref<10240x32xf32, #tpu.memory_space<vmem_shared>>)
      %dma_wait3A_235 = arith.constant 2 : i32
      %dma_wait3A_236 = arith.constant 2 : i32
      %dma_wait3A_237 = arith.constant 0 : i32
      %dma_wait3A_238 = arith.constant 0 : i32
      %dma_wait3A_239 = tpu.memref_slice %arg8[%dma_wait3A_235, %dma_wait3A_237, %dma_wait3A_238] : memref<4x128x32xf32, #tpu.memory_space<vmem>> -> memref<1x128x32xf32, #tpu.memory_space<vmem>>
      %dma_wait3A_240 = tpu.memref_squeeze %dma_wait3A_239 : memref<1x128x32xf32, #tpu.memory_space<vmem>> -> memref<128x32xf32, #tpu.memory_space<vmem>>
      %dma_wait3A_241 = arith.constant 0 : i32
      %dma_wait3A_242 = tpu.memref_slice %arg7[%add3A_162, %dma_wait3A_241] : memref<44x128xi32, #tpu.memory_space<vmem>> -> memref<1x128xi32, #tpu.memory_space<vmem>>
      %dma_wait3A_243 = tpu.memref_squeeze %dma_wait3A_242 : memref<1x128xi32, #tpu.memory_space<vmem>> -> memref<128xi32, #tpu.memory_space<vmem>>
      %dma_wait3A_244 = arith.constant 0 : i32
      %dma_wait3A_245 = arith.constant 0 : i32
      %dma_wait3A_246 = tpu.memref_slice %arg9[%dma_wait3A_244, %dma_wait3A_245] : memref<10240x32xf32, #tpu.memory_space<vmem_shared>> -> memref<10240x32xf32, #tpu.memory_space<vmem_shared>>
      %dma_wait3A_247 = tpu.memref_slice %arg12[%dma_wait3A_236] : memref<4x!tpu.dma_semaphore, #tpu.memory_space<semaphore_mem>> -> memref<1x!tpu.dma_semaphore, #tpu.memory_space<semaphore_mem>>
      %dma_wait3A_248 = tpu.memref_squeeze %dma_wait3A_247 : memref<1x!tpu.dma_semaphore, #tpu.memory_space<semaphore_mem>> -> memref<!tpu.dma_semaphore, #tpu.memory_space<semaphore_mem>>
      tpu.wait_indirect_dma semaphore(%dma_wait3A_248 : memref<!tpu.dma_semaphore, #tpu.memory_space<semaphore_mem>>) src(%dma_wait3A_240 : memref<128x32xf32, #tpu.memory_space<vmem>>) dst(%dma_wait3A_246 : memref<10240x32xf32, #tpu.memory_space<vmem_shared>>)
      %dma_wait3A_249 = arith.constant 3 : i32
      %dma_wait3A_250 = arith.constant 3 : i32
      %dma_wait3A_251 = arith.constant 0 : i32
      %dma_wait3A_252 = arith.constant 0 : i32
      %dma_wait3A_253 = tpu.memref_slice %arg8[%dma_wait3A_249, %dma_wait3A_251, %dma_wait3A_252] : memref<4x128x32xf32, #tpu.memory_space<vmem>> -> memref<1x128x32xf32, #tpu.memory_space<vmem>>
      %dma_wait3A_254 = tpu.memref_squeeze %dma_wait3A_253 : memref<1x128x32xf32, #tpu.memory_space<vmem>> -> memref<128x32xf32, #tpu.memory_space<vmem>>
      %dma_wait3A_255 = arith.constant 0 : i32
      %dma_wait3A_256 = tpu.memref_slice %arg7[%add3A_192, %dma_wait3A_255] : memref<44x128xi32, #tpu.memory_space<vmem>> -> memref<1x128xi32, #tpu.memory_space<vmem>>
      %dma_wait3A_257 = tpu.memref_squeeze %dma_wait3A_256 : memref<1x128xi32, #tpu.memory_space<vmem>> -> memref<128xi32, #tpu.memory_space<vmem>>
      %dma_wait3A_258 = arith.constant 0 : i32
      %dma_wait3A_259 = arith.constant 0 : i32
      %dma_wait3A_260 = tpu.memref_slice %arg9[%dma_wait3A_258, %dma_wait3A_259] : memref<10240x32xf32, #tpu.memory_space<vmem_shared>> -> memref<10240x32xf32, #tpu.memory_space<vmem_shared>>
      %dma_wait3A_261 = tpu.memref_slice %arg12[%dma_wait3A_250] : memref<4x!tpu.dma_semaphore, #tpu.memory_space<semaphore_mem>> -> memref<1x!tpu.dma_semaphore, #tpu.memory_space<semaphore_mem>>
      %dma_wait3A_262 = tpu.memref_squeeze %dma_wait3A_261 : memref<1x!tpu.dma_semaphore, #tpu.memory_space<semaphore_mem>> -> memref<!tpu.dma_semaphore, #tpu.memory_space<semaphore_mem>>
      tpu.wait_indirect_dma semaphore(%dma_wait3A_262 : memref<!tpu.dma_semaphore, #tpu.memory_space<semaphore_mem>>) src(%dma_wait3A_254 : memref<128x32xf32, #tpu.memory_space<vmem>>) dst(%dma_wait3A_260 : memref<10240x32xf32, #tpu.memory_space<vmem_shared>>)
    }
    %while3A_20 = arith.constant 1 : i32
    scf.for %while3A_22 = %while3A_18 to %while3A_14 step %while3A_20  : i32 {
      %mul3A_23 = arith.constant 4 : i32
      %mul3A_24 = arith.muli %while3A_22, %mul3A_23 : i32
      %add3A_25 = arith.constant 0 : i32
      %add3A_26 = arith.addi %mul3A_24, %add3A_25 : i32
      %dma_start3A = arith.constant 0 : i32
      %dma_start3A_27 = arith.constant 0 : i32
      %dma_start3A_28 = arith.constant 0 : i32
      %dma_start3A_29 = arith.constant 0 : i32
      %dma_start3A_30 = tpu.memref_slice %arg8[%dma_start3A, %dma_start3A_28, %dma_start3A_29] : memref<4x128x32xf32, #tpu.memory_space<vmem>> -> memref<1x128x32xf32, #tpu.memory_space<vmem>>
      %dma_start3A_31 = tpu.memref_squeeze %dma_start3A_30 : memref<1x128x32xf32, #tpu.memory_space<vmem>> -> memref<128x32xf32, #tpu.memory_space<vmem>>
      %dma_start3A_32 = arith.constant 0 : i32
      %dma_start3A_33 = tpu.memref_slice %arg6[%add3A_26, %dma_start3A_32] : memref<44x128xi32, #tpu.memory_space<vmem>> -> memref<1x128xi32, #tpu.memory_space<vmem>>
      %dma_start3A_34 = tpu.memref_squeeze %dma_start3A_33 : memref<1x128xi32, #tpu.memory_space<vmem>> -> memref<128xi32, #tpu.memory_space<vmem>>
      %dma_start3A_35 = arith.constant 0 : i32
      %dma_start3A_36 = arith.constant 0 : i32
      %dma_start3A_37 = tpu.memref_slice %arg10[%dma_start3A_35, %dma_start3A_36] : memref<10240x32xf32, #tpu.memory_space<vmem_shared>> -> memref<10240x32xf32, #tpu.memory_space<vmem_shared>>
      %dma_start3A_38 = tpu.memref_slice %arg11[%dma_start3A_27] : memref<4x!tpu.dma_semaphore, #tpu.memory_space<semaphore_mem>> -> memref<1x!tpu.dma_semaphore, #tpu.memory_space<semaphore_mem>>
      %dma_start3A_39 = tpu.memref_squeeze %dma_start3A_38 : memref<1x!tpu.dma_semaphore, #tpu.memory_space<semaphore_mem>> -> memref<!tpu.dma_semaphore, #tpu.memory_space<semaphore_mem>>
      tpu.enqueue_indirect_dma source(%dma_start3A_37 : memref<10240x32xf32, #tpu.memory_space<vmem_shared>>) target(%dma_start3A_31 : memref<128x32xf32, #tpu.memory_space<vmem>>) offsets(%dma_start3A_34 : memref<128xi32, #tpu.memory_space<vmem>>) semaphore(%dma_start3A_39 : memref<!tpu.dma_semaphore, #tpu.memory_space<semaphore_mem>>)
      %add3A_40 = arith.constant 1 : i32
      %add3A_41 = arith.addi %mul3A_24, %add3A_40 : i32
      %dma_start3A_42 = arith.constant 1 : i32
      %dma_start3A_43 = arith.constant 1 : i32
      %dma_start3A_44 = arith.constant 0 : i32
      %dma_start3A_45 = arith.constant 0 : i32
      %dma_start3A_46 = tpu.memref_slice %arg8[%dma_start3A_42, %dma_start3A_44, %dma_start3A_45] : memref<4x128x32xf32, #tpu.memory_space<vmem>> -> memref<1x128x32xf32, #tpu.memory_space<vmem>>
      %dma_start3A_47 = tpu.memref_squeeze %dma_start3A_46 : memref<1x128x32xf32, #tpu.memory_space<vmem>> -> memref<128x32xf32, #tpu.memory_space<vmem>>
      %dma_start3A_48 = arith.constant 0 : i32
      %dma_start3A_49 = tpu.memref_slice %arg6[%add3A_41, %dma_start3A_48] : memref<44x128xi32, #tpu.memory_space<vmem>> -> memref<1x128xi32, #tpu.memory_space<vmem>>
      %dma_start3A_50 = tpu.memref_squeeze %dma_start3A_49 : memref<1x128xi32, #tpu.memory_space<vmem>> -> memref<128xi32, #tpu.memory_space<vmem>>
      %dma_start3A_51 = arith.constant 0 : i32
      %dma_start3A_52 = arith.constant 0 : i32
      %dma_start3A_53 = tpu.memref_slice %arg10[%dma_start3A_51, %dma_start3A_52] : memref<10240x32xf32, #tpu.memory_space<vmem_shared>> -> memref<10240x32xf32, #tpu.memory_space<vmem_shared>>
      %dma_start3A_54 = tpu.memref_slice %arg11[%dma_start3A_43] : memref<4x!tpu.dma_semaphore, #tpu.memory_space<semaphore_mem>> -> memref<1x!tpu.dma_semaphore, #tpu.memory_space<semaphore_mem>>
      %dma_start3A_55 = tpu.memref_squeeze %dma_start3A_54 : memref<1x!tpu.dma_semaphore, #tpu.memory_space<semaphore_mem>> -> memref<!tpu.dma_semaphore, #tpu.memory_space<semaphore_mem>>
      tpu.enqueue_indirect_dma source(%dma_start3A_53 : memref<10240x32xf32, #tpu.memory_space<vmem_shared>>) target(%dma_start3A_47 : memref<128x32xf32, #tpu.memory_space<vmem>>) offsets(%dma_start3A_50 : memref<128xi32, #tpu.memory_space<vmem>>) semaphore(%dma_start3A_55 : memref<!tpu.dma_semaphore, #tpu.memory_space<semaphore_mem>>)
      %add3A_56 = arith.constant 2 : i32
      %add3A_57 = arith.addi %mul3A_24, %add3A_56 : i32
      %dma_start3A_58 = arith.constant 2 : i32
      %dma_start3A_59 = arith.constant 2 : i32
      %dma_start3A_60 = arith.constant 0 : i32
      %dma_start3A_61 = arith.constant 0 : i32
      %dma_start3A_62 = tpu.memref_slice %arg8[%dma_start3A_58, %dma_start3A_60, %dma_start3A_61] : memref<4x128x32xf32, #tpu.memory_space<vmem>> -> memref<1x128x32xf32, #tpu.memory_space<vmem>>
      %dma_start3A_63 = tpu.memref_squeeze %dma_start3A_62 : memref<1x128x32xf32, #tpu.memory_space<vmem>> -> memref<128x32xf32, #tpu.memory_space<vmem>>
      %dma_start3A_64 = arith.constant 0 : i32
      %dma_start3A_65 = tpu.memref_slice %arg6[%add3A_57, %dma_start3A_64] : memref<44x128xi32, #tpu.memory_space<vmem>> -> memref<1x128xi32, #tpu.memory_space<vmem>>
      %dma_start3A_66 = tpu.memref_squeeze %dma_start3A_65 : memref<1x128xi32, #tpu.memory_space<vmem>> -> memref<128xi32, #tpu.memory_space<vmem>>
      %dma_start3A_67 = arith.constant 0 : i32
      %dma_start3A_68 = arith.constant 0 : i32
      %dma_start3A_69 = tpu.memref_slice %arg10[%dma_start3A_67, %dma_start3A_68] : memref<10240x32xf32, #tpu.memory_space<vmem_shared>> -> memref<10240x32xf32, #tpu.memory_space<vmem_shared>>
      %dma_start3A_70 = tpu.memref_slice %arg11[%dma_start3A_59] : memref<4x!tpu.dma_semaphore, #tpu.memory_space<semaphore_mem>> -> memref<1x!tpu.dma_semaphore, #tpu.memory_space<semaphore_mem>>
      %dma_start3A_71 = tpu.memref_squeeze %dma_start3A_70 : memref<1x!tpu.dma_semaphore, #tpu.memory_space<semaphore_mem>> -> memref<!tpu.dma_semaphore, #tpu.memory_space<semaphore_mem>>
      tpu.enqueue_indirect_dma source(%dma_start3A_69 : memref<10240x32xf32, #tpu.memory_space<vmem_shared>>) target(%dma_start3A_63 : memref<128x32xf32, #tpu.memory_space<vmem>>) offsets(%dma_start3A_66 : memref<128xi32, #tpu.memory_space<vmem>>) semaphore(%dma_start3A_71 : memref<!tpu.dma_semaphore, #tpu.memory_space<semaphore_mem>>)
      %add3A_72 = arith.constant 3 : i32
      %add3A_73 = arith.addi %mul3A_24, %add3A_72 : i32
      %dma_start3A_74 = arith.constant 3 : i32
      %dma_start3A_75 = arith.constant 3 : i32
      %dma_start3A_76 = arith.constant 0 : i32
      %dma_start3A_77 = arith.constant 0 : i32
      %dma_start3A_78 = tpu.memref_slice %arg8[%dma_start3A_74, %dma_start3A_76, %dma_start3A_77] : memref<4x128x32xf32, #tpu.memory_space<vmem>> -> memref<1x128x32xf32, #tpu.memory_space<vmem>>
      %dma_start3A_79 = tpu.memref_squeeze %dma_start3A_78 : memref<1x128x32xf32, #tpu.memory_space<vmem>> -> memref<128x32xf32, #tpu.memory_space<vmem>>
      %dma_start3A_80 = arith.constant 0 : i32
      %dma_start3A_81 = tpu.memref_slice %arg6[%add3A_73, %dma_start3A_80] : memref<44x128xi32, #tpu.memory_space<vmem>> -> memref<1x128xi32, #tpu.memory_space<vmem>>
      %dma_start3A_82 = tpu.memref_squeeze %dma_start3A_81 : memref<1x128xi32, #tpu.memory_space<vmem>> -> memref<128xi32, #tpu.memory_space<vmem>>
      %dma_start3A_83 = arith.constant 0 : i32
      %dma_start3A_84 = arith.constant 0 : i32
      %dma_start3A_85 = tpu.memref_slice %arg10[%dma_start3A_83, %dma_start3A_84] : memref<10240x32xf32, #tpu.memory_space<vmem_shared>> -> memref<10240x32xf32, #tpu.memory_space<vmem_shared>>
      %dma_start3A_86 = tpu.memref_slice %arg11[%dma_start3A_75] : memref<4x!tpu.dma_semaphore, #tpu.memory_space<semaphore_mem>> -> memref<1x!tpu.dma_semaphore, #tpu.memory_space<semaphore_mem>>
      %dma_start3A_87 = tpu.memref_squeeze %dma_start3A_86 : memref<1x!tpu.dma_semaphore, #tpu.memory_space<semaphore_mem>> -> memref<!tpu.dma_semaphore, #tpu.memory_space<semaphore_mem>>
      tpu.enqueue_indirect_dma source(%dma_start3A_85 : memref<10240x32xf32, #tpu.memory_space<vmem_shared>>) target(%dma_start3A_79 : memref<128x32xf32, #tpu.memory_space<vmem>>) offsets(%dma_start3A_82 : memref<128xi32, #tpu.memory_space<vmem>>) semaphore(%dma_start3A_87 : memref<!tpu.dma_semaphore, #tpu.memory_space<semaphore_mem>>)
      %dma_wait3A = arith.constant 0 : i32
      %dma_wait3A_88 = arith.constant 0 : i32
      %dma_wait3A_89 = arith.constant 0 : i32
      %dma_wait3A_90 = arith.constant 0 : i32
      %dma_wait3A_91 = tpu.memref_slice %arg8[%dma_wait3A, %dma_wait3A_89, %dma_wait3A_90] : memref<4x128x32xf32, #tpu.memory_space<vmem>> -> memref<1x128x32xf32, #tpu.memory_space<vmem>>
      %dma_wait3A_92 = tpu.memref_squeeze %dma_wait3A_91 : memref<1x128x32xf32, #tpu.memory_space<vmem>> -> memref<128x32xf32, #tpu.memory_space<vmem>>
      %dma_wait3A_93 = arith.constant 0 : i32
      %dma_wait3A_94 = tpu.memref_slice %arg6[%add3A_26, %dma_wait3A_93] : memref<44x128xi32, #tpu.memory_space<vmem>> -> memref<1x128xi32, #tpu.memory_space<vmem>>
      %dma_wait3A_95 = tpu.memref_squeeze %dma_wait3A_94 : memref<1x128xi32, #tpu.memory_space<vmem>> -> memref<128xi32, #tpu.memory_space<vmem>>
      %dma_wait3A_96 = arith.constant 0 : i32
      %dma_wait3A_97 = arith.constant 0 : i32
      %dma_wait3A_98 = tpu.memref_slice %arg10[%dma_wait3A_96, %dma_wait3A_97] : memref<10240x32xf32, #tpu.memory_space<vmem_shared>> -> memref<10240x32xf32, #tpu.memory_space<vmem_shared>>
      %dma_wait3A_99 = tpu.memref_slice %arg11[%dma_wait3A_88] : memref<4x!tpu.dma_semaphore, #tpu.memory_space<semaphore_mem>> -> memref<1x!tpu.dma_semaphore, #tpu.memory_space<semaphore_mem>>
      %dma_wait3A_100 = tpu.memref_squeeze %dma_wait3A_99 : memref<1x!tpu.dma_semaphore, #tpu.memory_space<semaphore_mem>> -> memref<!tpu.dma_semaphore, #tpu.memory_space<semaphore_mem>>
      tpu.wait_indirect_dma semaphore(%dma_wait3A_100 : memref<!tpu.dma_semaphore, #tpu.memory_space<semaphore_mem>>) src(%dma_wait3A_98 : memref<10240x32xf32, #tpu.memory_space<vmem_shared>>) dst(%dma_wait3A_92 : memref<128x32xf32, #tpu.memory_space<vmem>>)
      %add3A_101 = arith.constant 0 : i32
      %add3A_102 = arith.addi %mul3A_24, %add3A_101 : i32
      %dma_start3A_103 = arith.constant 0 : i32
      %dma_start3A_104 = arith.constant 0 : i32
      %dma_start3A_105 = arith.constant 0 : i32
      %dma_start3A_106 = arith.constant 0 : i32
      %dma_start3A_107 = tpu.memref_slice %arg8[%dma_start3A_103, %dma_start3A_105, %dma_start3A_106] : memref<4x128x32xf32, #tpu.memory_space<vmem>> -> memref<1x128x32xf32, #tpu.memory_space<vmem>>
      %dma_start3A_108 = tpu.memref_squeeze %dma_start3A_107 : memref<1x128x32xf32, #tpu.memory_space<vmem>> -> memref<128x32xf32, #tpu.memory_space<vmem>>
      %dma_start3A_109 = arith.constant 0 : i32
      %dma_start3A_110 = tpu.memref_slice %arg7[%add3A_102, %dma_start3A_109] : memref<44x128xi32, #tpu.memory_space<vmem>> -> memref<1x128xi32, #tpu.memory_space<vmem>>
      %dma_start3A_111 = tpu.memref_squeeze %dma_start3A_110 : memref<1x128xi32, #tpu.memory_space<vmem>> -> memref<128xi32, #tpu.memory_space<vmem>>
      %dma_start3A_112 = arith.constant 0 : i32
      %dma_start3A_113 = arith.constant 0 : i32
      %dma_start3A_114 = tpu.memref_slice %arg9[%dma_start3A_112, %dma_start3A_113] : memref<10240x32xf32, #tpu.memory_space<vmem_shared>> -> memref<10240x32xf32, #tpu.memory_space<vmem_shared>>
      %dma_start3A_115 = tpu.memref_slice %arg12[%dma_start3A_104] : memref<4x!tpu.dma_semaphore, #tpu.memory_space<semaphore_mem>> -> memref<1x!tpu.dma_semaphore, #tpu.memory_space<semaphore_mem>>
      %dma_start3A_116 = tpu.memref_squeeze %dma_start3A_115 : memref<1x!tpu.dma_semaphore, #tpu.memory_space<semaphore_mem>> -> memref<!tpu.dma_semaphore, #tpu.memory_space<semaphore_mem>>
      tpu.enqueue_indirect_dma source(%dma_start3A_108 : memref<128x32xf32, #tpu.memory_space<vmem>>) target(%dma_start3A_114 : memref<10240x32xf32, #tpu.memory_space<vmem_shared>>) offsets(%dma_start3A_111 : memref<128xi32, #tpu.memory_space<vmem>>) semaphore(%dma_start3A_116 : memref<!tpu.dma_semaphore, #tpu.memory_space<semaphore_mem>>) {add = true}
      %dma_wait3A_117 = arith.constant 1 : i32
      %dma_wait3A_118 = arith.constant 1 : i32
      %dma_wait3A_119 = arith.constant 0 : i32
      %dma_wait3A_120 = arith.constant 0 : i32
      %dma_wait3A_121 = tpu.memref_slice %arg8[%dma_wait3A_117, %dma_wait3A_119, %dma_wait3A_120] : memref<4x128x32xf32, #tpu.memory_space<vmem>> -> memref<1x128x32xf32, #tpu.memory_space<vmem>>
      %dma_wait3A_122 = tpu.memref_squeeze %dma_wait3A_121 : memref<1x128x32xf32, #tpu.memory_space<vmem>> -> memref<128x32xf32, #tpu.memory_space<vmem>>
      %dma_wait3A_123 = arith.constant 0 : i32
      %dma_wait3A_124 = tpu.memref_slice %arg6[%add3A_41, %dma_wait3A_123] : memref<44x128xi32, #tpu.memory_space<vmem>> -> memref<1x128xi32, #tpu.memory_space<vmem>>
      %dma_wait3A_125 = tpu.memref_squeeze %dma_wait3A_124 : memref<1x128xi32, #tpu.memory_space<vmem>> -> memref<128xi32, #tpu.memory_space<vmem>>
      %dma_wait3A_126 = arith.constant 0 : i32
      %dma_wait3A_127 = arith.constant 0 : i32
      %dma_wait3A_128 = tpu.memref_slice %arg10[%dma_wait3A_126, %dma_wait3A_127] : memref<10240x32xf32, #tpu.memory_space<vmem_shared>> -> memref<10240x32xf32, #tpu.memory_space<vmem_shared>>
      %dma_wait3A_129 = tpu.memref_slice %arg11[%dma_wait3A_118] : memref<4x!tpu.dma_semaphore, #tpu.memory_space<semaphore_mem>> -> memref<1x!tpu.dma_semaphore, #tpu.memory_space<semaphore_mem>>
      %dma_wait3A_130 = tpu.memref_squeeze %dma_wait3A_129 : memref<1x!tpu.dma_semaphore, #tpu.memory_space<semaphore_mem>> -> memref<!tpu.dma_semaphore, #tpu.memory_space<semaphore_mem>>
      tpu.wait_indirect_dma semaphore(%dma_wait3A_130 : memref<!tpu.dma_semaphore, #tpu.memory_space<semaphore_mem>>) src(%dma_wait3A_128 : memref<10240x32xf32, #tpu.memory_space<vmem_shared>>) dst(%dma_wait3A_122 : memref<128x32xf32, #tpu.memory_space<vmem>>)
      %add3A_131 = arith.constant 1 : i32
      %add3A_132 = arith.addi %mul3A_24, %add3A_131 : i32
      %dma_start3A_133 = arith.constant 1 : i32
      %dma_start3A_134 = arith.constant 1 : i32
      %dma_start3A_135 = arith.constant 0 : i32
      %dma_start3A_136 = arith.constant 0 : i32
      %dma_start3A_137 = tpu.memref_slice %arg8[%dma_start3A_133, %dma_start3A_135, %dma_start3A_136] : memref<4x128x32xf32, #tpu.memory_space<vmem>> -> memref<1x128x32xf32, #tpu.memory_space<vmem>>
      %dma_start3A_138 = tpu.memref_squeeze %dma_start3A_137 : memref<1x128x32xf32, #tpu.memory_space<vmem>> -> memref<128x32xf32, #tpu.memory_space<vmem>>
      %dma_start3A_139 = arith.constant 0 : i32
      %dma_start3A_140 = tpu.memref_slice %arg7[%add3A_132, %dma_start3A_139] : memref<44x128xi32, #tpu.memory_space<vmem>> -> memref<1x128xi32, #tpu.memory_space<vmem>>
      %dma_start3A_141 = tpu.memref_squeeze %dma_start3A_140 : memref<1x128xi32, #tpu.memory_space<vmem>> -> memref<128xi32, #tpu.memory_space<vmem>>
      %dma_start3A_142 = arith.constant 0 : i32
      %dma_start3A_143 = arith.constant 0 : i32
      %dma_start3A_144 = tpu.memref_slice %arg9[%dma_start3A_142, %dma_start3A_143] : memref<10240x32xf32, #tpu.memory_space<vmem_shared>> -> memref<10240x32xf32, #tpu.memory_space<vmem_shared>>
      %dma_start3A_145 = tpu.memref_slice %arg12[%dma_start3A_134] : memref<4x!tpu.dma_semaphore, #tpu.memory_space<semaphore_mem>> -> memref<1x!tpu.dma_semaphore, #tpu.memory_space<semaphore_mem>>
      %dma_start3A_146 = tpu.memref_squeeze %dma_start3A_145 : memref<1x!tpu.dma_semaphore, #tpu.memory_space<semaphore_mem>> -> memref<!tpu.dma_semaphore, #tpu.memory_space<semaphore_mem>>
      tpu.enqueue_indirect_dma source(%dma_start3A_138 : memref<128x32xf32, #tpu.memory_space<vmem>>) target(%dma_start3A_144 : memref<10240x32xf32, #tpu.memory_space<vmem_shared>>) offsets(%dma_start3A_141 : memref<128xi32, #tpu.memory_space<vmem>>) semaphore(%dma_start3A_146 : memref<!tpu.dma_semaphore, #tpu.memory_space<semaphore_mem>>) {add = true}
      %dma_wait3A_147 = arith.constant 2 : i32
      %dma_wait3A_148 = arith.constant 2 : i32
      %dma_wait3A_149 = arith.constant 0 : i32
      %dma_wait3A_150 = arith.constant 0 : i32
      %dma_wait3A_151 = tpu.memref_slice %arg8[%dma_wait3A_147, %dma_wait3A_149, %dma_wait3A_150] : memref<4x128x32xf32, #tpu.memory_space<vmem>> -> memref<1x128x32xf32, #tpu.memory_space<vmem>>
      %dma_wait3A_152 = tpu.memref_squeeze %dma_wait3A_151 : memref<1x128x32xf32, #tpu.memory_space<vmem>> -> memref<128x32xf32, #tpu.memory_space<vmem>>
      %dma_wait3A_153 = arith.constant 0 : i32
      %dma_wait3A_154 = tpu.memref_slice %arg6[%add3A_57, %dma_wait3A_153] : memref<44x128xi32, #tpu.memory_space<vmem>> -> memref<1x128xi32, #tpu.memory_space<vmem>>
      %dma_wait3A_155 = tpu.memref_squeeze %dma_wait3A_154 : memref<1x128xi32, #tpu.memory_space<vmem>> -> memref<128xi32, #tpu.memory_space<vmem>>
      %dma_wait3A_156 = arith.constant 0 : i32
      %dma_wait3A_157 = arith.constant 0 : i32
      %dma_wait3A_158 = tpu.memref_slice %arg10[%dma_wait3A_156, %dma_wait3A_157] : memref<10240x32xf32, #tpu.memory_space<vmem_shared>> -> memref<10240x32xf32, #tpu.memory_space<vmem_shared>>
      %dma_wait3A_159 = tpu.memref_slice %arg11[%dma_wait3A_148] : memref<4x!tpu.dma_semaphore, #tpu.memory_space<semaphore_mem>> -> memref<1x!tpu.dma_semaphore, #tpu.memory_space<semaphore_mem>>
      %dma_wait3A_160 = tpu.memref_squeeze %dma_wait3A_159 : memref<1x!tpu.dma_semaphore, #tpu.memory_space<semaphore_mem>> -> memref<!tpu.dma_semaphore, #tpu.memory_space<semaphore_mem>>
      tpu.wait_indirect_dma semaphore(%dma_wait3A_160 : memref<!tpu.dma_semaphore, #tpu.memory_space<semaphore_mem>>) src(%dma_wait3A_158 : memref<10240x32xf32, #tpu.memory_space<vmem_shared>>) dst(%dma_wait3A_152 : memref<128x32xf32, #tpu.memory_space<vmem>>)
      %add3A_161 = arith.constant 2 : i32
      %add3A_162 = arith.addi %mul3A_24, %add3A_161 : i32
      %dma_start3A_163 = arith.constant 2 : i32
      %dma_start3A_164 = arith.constant 2 : i32
      %dma_start3A_165 = arith.constant 0 : i32
      %dma_start3A_166 = arith.constant 0 : i32
      %dma_start3A_167 = tpu.memref_slice %arg8[%dma_start3A_163, %dma_start3A_165, %dma_start3A_166] : memref<4x128x32xf32, #tpu.memory_space<vmem>> -> memref<1x128x32xf32, #tpu.memory_space<vmem>>
      %dma_start3A_168 = tpu.memref_squeeze %dma_start3A_167 : memref<1x128x32xf32, #tpu.memory_space<vmem>> -> memref<128x32xf32, #tpu.memory_space<vmem>>
      %dma_start3A_169 = arith.constant 0 : i32
      %dma_start3A_170 = tpu.memref_slice %arg7[%add3A_162, %dma_start3A_169] : memref<44x128xi32, #tpu.memory_space<vmem>> -> memref<1x128xi32, #tpu.memory_space<vmem>>
      %dma_start3A_171 = tpu.memref_squeeze %dma_start3A_170 : memref<1x128xi32, #tpu.memory_space<vmem>> -> memref<128xi32, #tpu.memory_space<vmem>>
      %dma_start3A_172 = arith.constant 0 : i32
      %dma_start3A_173 = arith.constant 0 : i32
      %dma_start3A_174 = tpu.memref_slice %arg9[%dma_start3A_172, %dma_start3A_173] : memref<10240x32xf32, #tpu.memory_space<vmem_shared>> -> memref<10240x32xf32, #tpu.memory_space<vmem_shared>>
      %dma_start3A_175 = tpu.memref_slice %arg12[%dma_start3A_164] : memref<4x!tpu.dma_semaphore, #tpu.memory_space<semaphore_mem>> -> memref<1x!tpu.dma_semaphore, #tpu.memory_space<semaphore_mem>>
      %dma_start3A_176 = tpu.memref_squeeze %dma_start3A_175 : memref<1x!tpu.dma_semaphore, #tpu.memory_space<semaphore_mem>> -> memref<!tpu.dma_semaphore, #tpu.memory_space<semaphore_mem>>
      tpu.enqueue_indirect_dma source(%dma_start3A_168 : memref<128x32xf32, #tpu.memory_space<vmem>>) target(%dma_start3A_174 : memref<10240x32xf32, #tpu.memory_space<vmem_shared>>) offsets(%dma_start3A_171 : memref<128xi32, #tpu.memory_space<vmem>>) semaphore(%dma_start3A_176 : memref<!tpu.dma_semaphore, #tpu.memory_space<semaphore_mem>>) {add = true}
      %dma_wait3A_177 = arith.constant 3 : i32
      %dma_wait3A_178 = arith.constant 3 : i32
      %dma_wait3A_179 = arith.constant 0 : i32
      %dma_wait3A_180 = arith.constant 0 : i32
      %dma_wait3A_181 = tpu.memref_slice %arg8[%dma_wait3A_177, %dma_wait3A_179, %dma_wait3A_180] : memref<4x128x32xf32, #tpu.memory_space<vmem>> -> memref<1x128x32xf32, #tpu.memory_space<vmem>>
      %dma_wait3A_182 = tpu.memref_squeeze %dma_wait3A_181 : memref<1x128x32xf32, #tpu.memory_space<vmem>> -> memref<128x32xf32, #tpu.memory_space<vmem>>
      %dma_wait3A_183 = arith.constant 0 : i32
      %dma_wait3A_184 = tpu.memref_slice %arg6[%add3A_73, %dma_wait3A_183] : memref<44x128xi32, #tpu.memory_space<vmem>> -> memref<1x128xi32, #tpu.memory_space<vmem>>
      %dma_wait3A_185 = tpu.memref_squeeze %dma_wait3A_184 : memref<1x128xi32, #tpu.memory_space<vmem>> -> memref<128xi32, #tpu.memory_space<vmem>>
      %dma_wait3A_186 = arith.constant 0 : i32
      %dma_wait3A_187 = arith.constant 0 : i32
      %dma_wait3A_188 = tpu.memref_slice %arg10[%dma_wait3A_186, %dma_wait3A_187] : memref<10240x32xf32, #tpu.memory_space<vmem_shared>> -> memref<10240x32xf32, #tpu.memory_space<vmem_shared>>
      %dma_wait3A_189 = tpu.memref_slice %arg11[%dma_wait3A_178] : memref<4x!tpu.dma_semaphore, #tpu.memory_space<semaphore_mem>> -> memref<1x!tpu.dma_semaphore, #tpu.memory_space<semaphore_mem>>
      %dma_wait3A_190 = tpu.memref_squeeze %dma_wait3A_189 : memref<1x!tpu.dma_semaphore, #tpu.memory_space<semaphore_mem>> -> memref<!tpu.dma_semaphore, #tpu.memory_space<semaphore_mem>>
      tpu.wait_indirect_dma semaphore(%dma_wait3A_190 : memref<!tpu.dma_semaphore, #tpu.memory_space<semaphore_mem>>) src(%dma_wait3A_188 : memref<10240x32xf32, #tpu.memory_space<vmem_shared>>) dst(%dma_wait3A_182 : memref<128x32xf32, #tpu.memory_space<vmem>>)
      %add3A_191 = arith.constant 3 : i32
      %add3A_192 = arith.addi %mul3A_24, %add3A_191 : i32
      %dma_start3A_193 = arith.constant 3 : i32
      %dma_start3A_194 = arith.constant 3 : i32
      %dma_start3A_195 = arith.constant 0 : i32
      %dma_start3A_196 = arith.constant 0 : i32
      %dma_start3A_197 = tpu.memref_slice %arg8[%dma_start3A_193, %dma_start3A_195, %dma_start3A_196] : memref<4x128x32xf32, #tpu.memory_space<vmem>> -> memref<1x128x32xf32, #tpu.memory_space<vmem>>
      %dma_start3A_198 = tpu.memref_squeeze %dma_start3A_197 : memref<1x128x32xf32, #tpu.memory_space<vmem>> -> memref<128x32xf32, #tpu.memory_space<vmem>>
      %dma_start3A_199 = arith.constant 0 : i32
      %dma_start3A_200 = tpu.memref_slice %arg7[%add3A_192, %dma_start3A_199] : memref<44x128xi32, #tpu.memory_space<vmem>> -> memref<1x128xi32, #tpu.memory_space<vmem>>
      %dma_start3A_201 = tpu.memref_squeeze %dma_start3A_200 : memref<1x128xi32, #tpu.memory_space<vmem>> -> memref<128xi32, #tpu.memory_space<vmem>>
      %dma_start3A_202 = arith.constant 0 : i32
      %dma_start3A_203 = arith.constant 0 : i32
      %dma_start3A_204 = tpu.memref_slice %arg9[%dma_start3A_202, %dma_start3A_203] : memref<10240x32xf32, #tpu.memory_space<vmem_shared>> -> memref<10240x32xf32, #tpu.memory_space<vmem_shared>>
      %dma_start3A_205 = tpu.memref_slice %arg12[%dma_start3A_194] : memref<4x!tpu.dma_semaphore, #tpu.memory_space<semaphore_mem>> -> memref<1x!tpu.dma_semaphore, #tpu.memory_space<semaphore_mem>>
      %dma_start3A_206 = tpu.memref_squeeze %dma_start3A_205 : memref<1x!tpu.dma_semaphore, #tpu.memory_space<semaphore_mem>> -> memref<!tpu.dma_semaphore, #tpu.memory_space<semaphore_mem>>
      tpu.enqueue_indirect_dma source(%dma_start3A_198 : memref<128x32xf32, #tpu.memory_space<vmem>>) target(%dma_start3A_204 : memref<10240x32xf32, #tpu.memory_space<vmem_shared>>) offsets(%dma_start3A_201 : memref<128xi32, #tpu.memory_space<vmem>>) semaphore(%dma_start3A_206 : memref<!tpu.dma_semaphore, #tpu.memory_space<semaphore_mem>>) {add = true}
      %dma_wait3A_207 = arith.constant 0 : i32
      %dma_wait3A_208 = arith.constant 0 : i32
      %dma_wait3A_209 = arith.constant 0 : i32
      %dma_wait3A_210 = arith.constant 0 : i32
      %dma_wait3A_211 = tpu.memref_slice %arg8[%dma_wait3A_207, %dma_wait3A_209, %dma_wait3A_210] : memref<4x128x32xf32, #tpu.memory_space<vmem>> -> memref<1x128x32xf32, #tpu.memory_space<vmem>>
      %dma_wait3A_212 = tpu.memref_squeeze %dma_wait3A_211 : memref<1x128x32xf32, #tpu.memory_space<vmem>> -> memref<128x32xf32, #tpu.memory_space<vmem>>
      %dma_wait3A_213 = arith.constant 0 : i32
      %dma_wait3A_214 = tpu.memref_slice %arg7[%add3A_102, %dma_wait3A_213] : memref<44x128xi32, #tpu.memory_space<vmem>> -> memref<1x128xi32, #tpu.memory_space<vmem>>
      %dma_wait3A_215 = tpu.memref_squeeze %dma_wait3A_214 : memref<1x128xi32, #tpu.memory_space<vmem>> -> memref<128xi32, #tpu.memory_space<vmem>>
      %dma_wait3A_216 = arith.constant 0 : i32
      %dma_wait3A_217 = arith.constant 0 : i32
      %dma_wait3A_218 = tpu.memref_slice %arg9[%dma_wait3A_216, %dma_wait3A_217] : memref<10240x32xf32, #tpu.memory_space<vmem_shared>> -> memref<10240x32xf32, #tpu.memory_space<vmem_shared>>
      %dma_wait3A_219 = tpu.memref_slice %arg12[%dma_wait3A_208] : memref<4x!tpu.dma_semaphore, #tpu.memory_space<semaphore_mem>> -> memref<1x!tpu.dma_semaphore, #tpu.memory_space<semaphore_mem>>
      %dma_wait3A_220 = tpu.memref_squeeze %dma_wait3A_219 : memref<1x!tpu.dma_semaphore, #tpu.memory_space<semaphore_mem>> -> memref<!tpu.dma_semaphore, #tpu.memory_space<semaphore_mem>>
      tpu.wait_indirect_dma semaphore(%dma_wait3A_220 : memref<!tpu.dma_semaphore, #tpu.memory_space<semaphore_mem>>) src(%dma_wait3A_212 : memref<128x32xf32, #tpu.memory_space<vmem>>) dst(%dma_wait3A_218 : memref<10240x32xf32, #tpu.memory_space<vmem_shared>>)
      %dma_wait3A_221 = arith.constant 1 : i32
      %dma_wait3A_222 = arith.constant 1 : i32
      %dma_wait3A_223 = arith.constant 0 : i32
      %dma_wait3A_224 = arith.constant 0 : i32
      %dma_wait3A_225 = tpu.memref_slice %arg8[%dma_wait3A_221, %dma_wait3A_223, %dma_wait3A_224] : memref<4x128x32xf32, #tpu.memory_space<vmem>> -> memref<1x128x32xf32, #tpu.memory_space<vmem>>
      %dma_wait3A_226 = tpu.memref_squeeze %dma_wait3A_225 : memref<1x128x32xf32, #tpu.memory_space<vmem>> -> memref<128x32xf32, #tpu.memory_space<vmem>>
      %dma_wait3A_227 = arith.constant 0 : i32
      %dma_wait3A_228 = tpu.memref_slice %arg7[%add3A_132, %dma_wait3A_227] : memref<44x128xi32, #tpu.memory_space<vmem>> -> memref<1x128xi32, #tpu.memory_space<vmem>>
      %dma_wait3A_229 = tpu.memref_squeeze %dma_wait3A_228 : memref<1x128xi32, #tpu.memory_space<vmem>> -> memref<128xi32, #tpu.memory_space<vmem>>
      %dma_wait3A_230 = arith.constant 0 : i32
      %dma_wait3A_231 = arith.constant 0 : i32
      %dma_wait3A_232 = tpu.memref_slice %arg9[%dma_wait3A_230, %dma_wait3A_231] : memref<10240x32xf32, #tpu.memory_space<vmem_shared>> -> memref<10240x32xf32, #tpu.memory_space<vmem_shared>>
      %dma_wait3A_233 = tpu.memref_slice %arg12[%dma_wait3A_222] : memref<4x!tpu.dma_semaphore, #tpu.memory_space<semaphore_mem>> -> memref<1x!tpu.dma_semaphore, #tpu.memory_space<semaphore_mem>>
      %dma_wait3A_234 = tpu.memref_squeeze %dma_wait3A_233 : memref<1x!tpu.dma_semaphore, #tpu.memory_space<semaphore_mem>> -> memref<!tpu.dma_semaphore, #tpu.memory_space<semaphore_mem>>
      tpu.wait_indirect_dma semaphore(%dma_wait3A_234 : memref<!tpu.dma_semaphore, #tpu.memory_space<semaphore_mem>>) src(%dma_wait3A_226 : memref<128x32xf32, #tpu.memory_space<vmem>>) dst(%dma_wait3A_232 : memref<10240x32xf32, #tpu.memory_space<vmem_shared>>)
      %dma_wait3A_235 = arith.constant 2 : i32
      %dma_wait3A_236 = arith.constant 2 : i32
      %dma_wait3A_237 = arith.constant 0 : i32
      %dma_wait3A_238 = arith.constant 0 : i32
      %dma_wait3A_239 = tpu.memref_slice %arg8[%dma_wait3A_235, %dma_wait3A_237, %dma_wait3A_238] : memref<4x128x32xf32, #tpu.memory_space<vmem>> -> memref<1x128x32xf32, #tpu.memory_space<vmem>>
      %dma_wait3A_240 = tpu.memref_squeeze %dma_wait3A_239 : memref<1x128x32xf32, #tpu.memory_space<vmem>> -> memref<128x32xf32, #tpu.memory_space<vmem>>
      %dma_wait3A_241 = arith.constant 0 : i32
      %dma_wait3A_242 = tpu.memref_slice %arg7[%add3A_162, %dma_wait3A_241] : memref<44x128xi32, #tpu.memory_space<vmem>> -> memref<1x128xi32, #tpu.memory_space<vmem>>
      %dma_wait3A_243 = tpu.memref_squeeze %dma_wait3A_242 : memref<1x128xi32, #tpu.memory_space<vmem>> -> memref<128xi32, #tpu.memory_space<vmem>>
      %dma_wait3A_244 = arith.constant 0 : i32
      %dma_wait3A_245 = arith.constant 0 : i32
      %dma_wait3A_246 = tpu.memref_slice %arg9[%dma_wait3A_244, %dma_wait3A_245] : memref<10240x32xf32, #tpu.memory_space<vmem_shared>> -> memref<10240x32xf32, #tpu.memory_space<vmem_shared>>
      %dma_wait3A_247 = tpu.memref_slice %arg12[%dma_wait3A_236] : memref<4x!tpu.dma_semaphore, #tpu.memory_space<semaphore_mem>> -> memref<1x!tpu.dma_semaphore, #tpu.memory_space<semaphore_mem>>
      %dma_wait3A_248 = tpu.memref_squeeze %dma_wait3A_247 : memref<1x!tpu.dma_semaphore, #tpu.memory_space<semaphore_mem>> -> memref<!tpu.dma_semaphore, #tpu.memory_space<semaphore_mem>>
      tpu.wait_indirect_dma semaphore(%dma_wait3A_248 : memref<!tpu.dma_semaphore, #tpu.memory_space<semaphore_mem>>) src(%dma_wait3A_240 : memref<128x32xf32, #tpu.memory_space<vmem>>) dst(%dma_wait3A_246 : memref<10240x32xf32, #tpu.memory_space<vmem_shared>>)
      %dma_wait3A_249 = arith.constant 3 : i32
      %dma_wait3A_250 = arith.constant 3 : i32
      %dma_wait3A_251 = arith.constant 0 : i32
      %dma_wait3A_252 = arith.constant 0 : i32
      %dma_wait3A_253 = tpu.memref_slice %arg8[%dma_wait3A_249, %dma_wait3A_251, %dma_wait3A_252] : memref<4x128x32xf32, #tpu.memory_space<vmem>> -> memref<1x128x32xf32, #tpu.memory_space<vmem>>
      %dma_wait3A_254 = tpu.memref_squeeze %dma_wait3A_253 : memref<1x128x32xf32, #tpu.memory_space<vmem>> -> memref<128x32xf32, #tpu.memory_space<vmem>>
      %dma_wait3A_255 = arith.constant 0 : i32
      %dma_wait3A_256 = tpu.memref_slice %arg7[%add3A_192, %dma_wait3A_255] : memref<44x128xi32, #tpu.memory_space<vmem>> -> memref<1x128xi32, #tpu.memory_space<vmem>>
      %dma_wait3A_257 = tpu.memref_squeeze %dma_wait3A_256 : memref<1x128xi32, #tpu.memory_space<vmem>> -> memref<128xi32, #tpu.memory_space<vmem>>
      %dma_wait3A_258 = arith.constant 0 : i32
      %dma_wait3A_259 = arith.constant 0 : i32
      %dma_wait3A_260 = tpu.memref_slice %arg9[%dma_wait3A_258, %dma_wait3A_259] : memref<10240x32xf32, #tpu.memory_space<vmem_shared>> -> memref<10240x32xf32, #tpu.memory_space<vmem_shared>>
      %dma_wait3A_261 = tpu.memref_slice %arg12[%dma_wait3A_250] : memref<4x!tpu.dma_semaphore, #tpu.memory_space<semaphore_mem>> -> memref<1x!tpu.dma_semaphore, #tpu.memory_space<semaphore_mem>>
      %dma_wait3A_262 = tpu.memref_squeeze %dma_wait3A_261 : memref<1x!tpu.dma_semaphore, #tpu.memory_space<semaphore_mem>> -> memref<!tpu.dma_semaphore, #tpu.memory_space<semaphore_mem>>
      tpu.wait_indirect_dma semaphore(%dma_wait3A_262 : memref<!tpu.dma_semaphore, #tpu.memory_space<semaphore_mem>>) src(%dma_wait3A_254 : memref<128x32xf32, #tpu.memory_space<vmem>>) dst(%dma_wait3A_260 : memref<10240x32xf32, #tpu.memory_space<vmem_shared>>)
    }
    %barrier3A_21 = arith.constant 0 : index
    tpu.barrier barrier_id(%barrier3A_21)
    "tpu.region"() ({
      %run_scoped3A_22 = tpu.sem_alloc : memref<!tpu.dma_semaphore, #tpu.memory_space<semaphore_mem>>
      %dma_start3A = arith.constant 0 : i32
      %dma_start3A_23 = tpu.memref_slice %arg5[%arg0, %mul3A_0, %dma_start3A] : memref<2x10240x32xf32, #tpu.memory_space<hbm>> -> memref<1x640x32xf32, #tpu.memory_space<hbm>>
      %dma_start3A_24 = tpu.memref_squeeze %dma_start3A_23 : memref<1x640x32xf32, #tpu.memory_space<hbm>> -> memref<640x32xf32, #tpu.memory_space<hbm>>
      %dma_start3A_25 = arith.constant 0 : i32
      %dma_start3A_26 = tpu.memref_slice %arg9[%mul3A_0, %dma_start3A_25] : memref<10240x32xf32, #tpu.memory_space<vmem_shared>> -> memref<640x32xf32, #tpu.memory_space<vmem_shared>>
      tpu.enqueue_dma source(%dma_start3A_26 : memref<640x32xf32, #tpu.memory_space<vmem_shared>>) target(%dma_start3A_24 : memref<640x32xf32, #tpu.memory_space<hbm>>) target_semaphore(%run_scoped3A_22 : memref<!tpu.dma_semaphore, #tpu.memory_space<semaphore_mem>>)
      %dma_wait3A = arith.constant 0 : i32
      %dma_wait3A_27 = tpu.memref_slice %arg5[%arg0, %mul3A_0, %dma_wait3A] : memref<2x10240x32xf32, #tpu.memory_space<hbm>> -> memref<1x640x32xf32, #tpu.memory_space<hbm>>
      %dma_wait3A_28 = tpu.memref_squeeze %dma_wait3A_27 : memref<1x640x32xf32, #tpu.memory_space<hbm>> -> memref<640x32xf32, #tpu.memory_space<hbm>>
      %dma_wait3A_29 = arith.constant 0 : i32
      %dma_wait3A_30 = tpu.memref_slice %arg9[%mul3A_0, %dma_wait3A_29] : memref<10240x32xf32, #tpu.memory_space<vmem_shared>> -> memref<640x32xf32, #tpu.memory_space<vmem_shared>>
      tpu.wait_dma2 semaphore(%run_scoped3A_22 : memref<!tpu.dma_semaphore, #tpu.memory_space<semaphore_mem>>) src(%dma_wait3A_30 : memref<640x32xf32, #tpu.memory_space<vmem_shared>>) dst(%dma_wait3A_28 : memref<640x32xf32, #tpu.memory_space<hbm>>)
      tpu.yield
    }) : () -> ()
    return
  }
}

module attributes {stable_mosaic.version = 14 : i64} {
  func.func @_tc_b_kernel(%arg0: memref<10000x288xf32, #tpu.memory_space<vmem>>, %arg1: memref<288x16xf32, #tpu.memory_space<vmem>>, %arg2: memref<10240x16xf32, #tpu.memory_space<vmem>>) attributes {dimension_semantics = [], scalar_prefetch = 0 : i64, scratch_operands = 0 : i64, tpu.core_type = #tpu.core_type<tc>} {
    %get3A = arith.constant 0 : index
    %get3A_0 = arith.constant 0 : index
    %get3A_1 = vector.load %arg0[%get3A, %get3A_0] : memref<10000x288xf32, #tpu.memory_space<vmem>>, vector<10000x288xf32>
    %get3A_2 = arith.constant 0 : index
    %get3A_3 = arith.constant 0 : index
    %get3A_4 = vector.load %arg1[%get3A_2, %get3A_3] : memref<288x16xf32, #tpu.memory_space<vmem>>, vector<288x16xf32>
    %dot_general3A = arith.constant dense<0.000000e+00> : vector<10000x16xf32>
    %dot_general3A_5 = tpu.matmul %get3A_1, %get3A_4, %dot_general3A {dimension_numbers = #tpu.dot_dimension_numbers<[1], [0], [0], [1], [0, 0, 1, 1], [], []>, transpose_lhs_hint = false} : vector<10000x288xf32>, vector<288x16xf32>, vector<10000x16xf32> -> vector<10000x16xf32>
    %swap3A = arith.constant 0 : index
    %swap3A_6 = arith.constant 0 : index
    %swap3A_7 = vector.load %arg2[%swap3A, %swap3A_6] : memref<10240x16xf32, #tpu.memory_space<vmem>>, vector<10000x16xf32>
    tpu.vector_store %arg2[%swap3A, %swap3A_6], %dot_general3A_5 {strides = array<i32>} : memref<10240x16xf32, #tpu.memory_space<vmem>>, vector<10000x16xf32>,
    %broadcast_in_dim3A = arith.constant 0.000000e+00 : f32
    %broadcast_in_dim3A_8 = vector.broadcast %broadcast_in_dim3A : f32 to vector<240x16xf32>
    %swap3A_9 = arith.constant 10000 : index
    %swap3A_10 = arith.constant 0 : index
    %swap3A_11 = vector.load %arg2[%swap3A_9, %swap3A_10] : memref<10240x16xf32, #tpu.memory_space<vmem>>, vector<240x16xf32>
    tpu.vector_store %arg2[%swap3A_9, %swap3A_10], %broadcast_in_dim3A_8 {strides = array<i32>} : memref<10240x16xf32, #tpu.memory_space<vmem>>, vector<240x16xf32>,
    return
  }
}

module attributes {stable_mosaic.version = 14 : i64} {
  func.func @_tc_s_kernel(%arg0: memref<1280x128xf32, #tpu.memory_space<vmem>>, %arg1: memref<2x1280x128xf32, #tpu.memory_space<vmem>>, %arg2: memref<1280x128xf32, #tpu.memory_space<vmem>>, %arg3: memref<1280x128xf32, #tpu.memory_space<vmem>>) attributes {dimension_semantics = [], scalar_prefetch = 0 : i64, scratch_operands = 0 : i64, tpu.core_type = #tpu.core_type<tc>} {
    %get3A = arith.constant 0 : index
    %get3A_0 = arith.constant 0 : index
    %get3A_1 = arith.constant 0 : index
    %get3A_2 = vector.load %arg1[%get3A, %get3A_0, %get3A_1] : memref<2x1280x128xf32, #tpu.memory_space<vmem>>, vector<1x1280x128xf32>
    %get3A_3 = vector.shape_cast %get3A_2 : vector<1x1280x128xf32> to vector<1280x128xf32>
    %get3A_4 = arith.constant 1 : index
    %get3A_5 = arith.constant 0 : index
    %get3A_6 = arith.constant 0 : index
    %get3A_7 = vector.load %arg1[%get3A_4, %get3A_5, %get3A_6] : memref<2x1280x128xf32, #tpu.memory_space<vmem>>, vector<1x1280x128xf32>
    %get3A_8 = vector.shape_cast %get3A_7 : vector<1x1280x128xf32> to vector<1280x128xf32>
    %add3A = arith.addf %get3A_3, %get3A_8 : vector<1280x128xf32>
    %add3A_9 = arith.constant 1.000000e+00 : f32
    %add3A_10 = vector.broadcast %add3A_9 : f32 to vector<1280x128xf32>
    %add3A_11 = arith.addf %add3A, %add3A_10 : vector<1280x128xf32>
    %rsqrt3A = math.rsqrt %add3A_11 : vector<1280x128xf32>
    %swap3A = arith.constant 0 : index
    %swap3A_12 = arith.constant 0 : index
    %swap3A_13 = vector.load %arg3[%swap3A, %swap3A_12] : memref<1280x128xf32, #tpu.memory_space<vmem>>, vector<1280x128xf32>
    tpu.vector_store %arg3[%swap3A, %swap3A_12], %rsqrt3A {strides = array<i32>} : memref<1280x128xf32, #tpu.memory_space<vmem>>, vector<1280x128xf32>,
    %get3A_14 = arith.constant 0 : index
    %get3A_15 = arith.constant 0 : index
    %get3A_16 = vector.load %arg0[%get3A_14, %get3A_15] : memref<1280x128xf32, #tpu.memory_space<vmem>>, vector<1280x128xf32>
    %mul3A = arith.mulf %rsqrt3A, %get3A_16 : vector<1280x128xf32>
    %swap3A_17 = arith.constant 0 : index
    %swap3A_18 = arith.constant 0 : index
    %swap3A_19 = vector.load %arg2[%swap3A_17, %swap3A_18] : memref<1280x128xf32, #tpu.memory_space<vmem>>, vector<1280x128xf32>
    tpu.vector_store %arg2[%swap3A_17, %swap3A_18], %mul3A {strides = array<i32>} : memref<1280x128xf32, #tpu.memory_space<vmem>>, vector<1280x128xf32>,
    return
  }
}

module attributes {stable_mosaic.version = 14 : i64} {
  func.func @_tc_d_kernel(%arg0: memref<2x1280x128xf32, #tpu.memory_space<vmem>>, %arg1: memref<1280x128xf32, #tpu.memory_space<vmem>>, %arg2: memref<1280x128xf32, #tpu.memory_space<vmem>>, %arg3: memref<128xf32, #tpu.memory_space<vmem>>, %arg4: memref<128x256xf32, #tpu.memory_space<vmem>>, %arg5: memref<128x256xf32, #tpu.memory_space<vmem>>, %arg6: memref<1280x256xf32, #tpu.memory_space<vmem>>) attributes {dimension_semantics = [], scalar_prefetch = 0 : i64, scratch_operands = 0 : i64, tpu.core_type = #tpu.core_type<tc>} {
    %get3A = arith.constant 0 : index
    %get3A_0 = arith.constant 0 : index
    %get3A_1 = vector.load %arg2[%get3A, %get3A_0] : memref<1280x128xf32, #tpu.memory_space<vmem>>, vector<1280x128xf32>
    %get3A_2 = arith.constant 0 : index
    %get3A_3 = arith.constant 0 : index
    %get3A_4 = arith.constant 0 : index
    %get3A_5 = vector.load %arg0[%get3A_2, %get3A_3, %get3A_4] : memref<2x1280x128xf32, #tpu.memory_space<vmem>>, vector<1x1280x128xf32>
    %get3A_6 = vector.shape_cast %get3A_5 : vector<1x1280x128xf32> to vector<1280x128xf32>
    %get3A_7 = arith.constant 1 : index
    %get3A_8 = arith.constant 0 : index
    %get3A_9 = arith.constant 0 : index
    %get3A_10 = vector.load %arg0[%get3A_7, %get3A_8, %get3A_9] : memref<2x1280x128xf32, #tpu.memory_space<vmem>>, vector<1x1280x128xf32>
    %get3A_11 = vector.shape_cast %get3A_10 : vector<1x1280x128xf32> to vector<1280x128xf32>
    %add3A = arith.addf %get3A_6, %get3A_11 : vector<1280x128xf32>
    %get3A_12 = arith.constant 0 : index
    %get3A_13 = arith.constant 0 : index
    %get3A_14 = vector.load %arg1[%get3A_12, %get3A_13] : memref<1280x128xf32, #tpu.memory_space<vmem>>, vector<1280x128xf32>
    %add3A_15 = arith.addf %add3A, %get3A_14 : vector<1280x128xf32>
    %mul3A = arith.mulf %get3A_1, %add3A_15 : vector<1280x128xf32>
    %get3A_16 = arith.constant 0 : index
    %get3A_17 = vector.load %arg3[%get3A_16] : memref<128xf32, #tpu.memory_space<vmem>>, vector<128xf32>
    %broadcast_in_dim3A = vector.shape_cast %get3A_17 : vector<128xf32> to vector<1x128xf32>
    %add3A_18 = vector.broadcast %broadcast_in_dim3A : vector<1x128xf32> to vector<1280x128xf32>
    %add3A_19 = arith.addf %mul3A, %add3A_18 : vector<1280x128xf32>
    %max3A = arith.constant 0.000000e+00 : f32
    %max3A_20 = vector.broadcast %max3A : f32 to vector<1280x128xf32>
    %max3A_21 = arith.maximumf %add3A_19, %max3A_20 : vector<1280x128xf32>
    %get3A_22 = arith.constant 0 : index
    %get3A_23 = arith.constant 0 : index
    %get3A_24 = vector.load %arg4[%get3A_22, %get3A_23] : memref<128x256xf32, #tpu.memory_space<vmem>>, vector<128x256xf32>
    %dot_general3A = arith.constant dense<0.000000e+00> : vector<1280x256xf32>
    %dot_general3A_25 = tpu.matmul %max3A_21, %get3A_24, %dot_general3A {dimension_numbers = #tpu.dot_dimension_numbers<[1], [0], [0], [1], [0, 0, 1, 1], [], []>, transpose_lhs_hint = false} : vector<1280x128xf32>, vector<128x256xf32>, vector<1280x256xf32> -> vector<1280x256xf32>
    %get3A_26 = arith.constant 0 : index
    %get3A_27 = arith.constant 0 : index
    %get3A_28 = vector.load %arg5[%get3A_26, %get3A_27] : memref<128x256xf32, #tpu.memory_space<vmem>>, vector<128x256xf32>
    %dot_general3A_29 = arith.constant dense<0.000000e+00> : vector<1280x256xf32>
    %dot_general3A_30 = tpu.matmul %get3A_1, %get3A_28, %dot_general3A_29 {dimension_numbers = #tpu.dot_dimension_numbers<[1], [0], [0], [1], [0, 0, 1, 1], [], []>, transpose_lhs_hint = false} : vector<1280x128xf32>, vector<128x256xf32>, vector<1280x256xf32> -> vector<1280x256xf32>
    %mul3A_31 = arith.mulf %dot_general3A_25, %dot_general3A_30 : vector<1280x256xf32>
    %swap3A = arith.constant 0 : index
    %swap3A_32 = arith.constant 0 : index
    %swap3A_33 = vector.load %arg6[%swap3A, %swap3A_32] : memref<1280x256xf32, #tpu.memory_space<vmem>>, vector<1280x256xf32>
    tpu.vector_store %arg6[%swap3A, %swap3A_32], %mul3A_31 {strides = array<i32>} : memref<1280x256xf32, #tpu.memory_space<vmem>>, vector<1280x256xf32>,
    return
  }
}

module attributes {stable_mosaic.version = 14 : i64} {
  func.func @_tc_f_kernel(%arg0: memref<2x1280x256xf32, #tpu.memory_space<vmem>>, %arg1: memref<1280x256xf32, #tpu.memory_space<vmem>>, %arg2: memref<1280x128xf32, #tpu.memory_space<vmem>>, %arg3: memref<128x256xf32, #tpu.memory_space<vmem>>, %arg4: memref<256xf32, #tpu.memory_space<vmem>>, %arg5: memref<256x56xf32, #tpu.memory_space<vmem>>, %arg6: memref<56xf32, #tpu.memory_space<vmem>>, %arg7: memref<1250x56xf32, #tpu.memory_space<vmem>>) attributes {dimension_semantics = [], scalar_prefetch = 0 : i64, scratch_operands = 0 : i64, tpu.core_type = #tpu.core_type<tc>} {
    %get3A = arith.constant 0 : index
    %get3A_0 = arith.constant 0 : index
    %get3A_1 = vector.load %arg2[%get3A, %get3A_0] : memref<1280x128xf32, #tpu.memory_space<vmem>>, vector<1280x128xf32>
    %get3A_2 = arith.constant 0 : index
    %get3A_3 = arith.constant 0 : index
    %get3A_4 = vector.load %arg3[%get3A_2, %get3A_3] : memref<128x256xf32, #tpu.memory_space<vmem>>, vector<128x256xf32>
    %dot_general3A = arith.constant dense<0.000000e+00> : vector<1280x256xf32>
    %dot_general3A_5 = tpu.matmul %get3A_1, %get3A_4, %dot_general3A {dimension_numbers = #tpu.dot_dimension_numbers<[1], [0], [0], [1], [0, 0, 1, 1], [], []>, transpose_lhs_hint = false} : vector<1280x128xf32>, vector<128x256xf32>, vector<1280x256xf32> -> vector<1280x256xf32>
    %get3A_6 = arith.constant 0 : index
    %get3A_7 = arith.constant 0 : index
    %get3A_8 = arith.constant 0 : index
    %get3A_9 = vector.load %arg0[%get3A_6, %get3A_7, %get3A_8] : memref<2x1280x256xf32, #tpu.memory_space<vmem>>, vector<1x1280x256xf32>
    %get3A_10 = vector.shape_cast %get3A_9 : vector<1x1280x256xf32> to vector<1280x256xf32>
    %get3A_11 = arith.constant 1 : index
    %get3A_12 = arith.constant 0 : index
    %get3A_13 = arith.constant 0 : index
    %get3A_14 = vector.load %arg0[%get3A_11, %get3A_12, %get3A_13] : memref<2x1280x256xf32, #tpu.memory_space<vmem>>, vector<1x1280x256xf32>
    %get3A_15 = vector.shape_cast %get3A_14 : vector<1x1280x256xf32> to vector<1280x256xf32>
    %add3A = arith.addf %get3A_10, %get3A_15 : vector<1280x256xf32>
    %get3A_16 = arith.constant 0 : index
    %get3A_17 = arith.constant 0 : index
    %get3A_18 = vector.load %arg1[%get3A_16, %get3A_17] : memref<1280x256xf32, #tpu.memory_space<vmem>>, vector<1280x256xf32>
    %add3A_19 = arith.addf %add3A, %get3A_18 : vector<1280x256xf32>
    %mul3A = arith.mulf %dot_general3A_5, %add3A_19 : vector<1280x256xf32>
    %get3A_20 = arith.constant 0 : index
    %get3A_21 = vector.load %arg4[%get3A_20] : memref<256xf32, #tpu.memory_space<vmem>>, vector<256xf32>
    %broadcast_in_dim3A = vector.shape_cast %get3A_21 : vector<256xf32> to vector<1x256xf32>
    %add3A_22 = vector.broadcast %broadcast_in_dim3A : vector<1x256xf32> to vector<1280x256xf32>
    %add3A_23 = arith.addf %mul3A, %add3A_22 : vector<1280x256xf32>
    %max3A = arith.constant 0.000000e+00 : f32
    %max3A_24 = vector.broadcast %max3A : f32 to vector<1280x256xf32>
    %max3A_25 = arith.maximumf %add3A_23, %max3A_24 : vector<1280x256xf32>
    %slice3A = vector.extract_strided_slice %max3A_25 {offsets = [0, 0], sizes = [1250, 256], strides = [1, 1]} : vector<1280x256xf32> to vector<1250x256xf32>
    %get3A_26 = arith.constant 0 : index
    %get3A_27 = arith.constant 0 : index
    %get3A_28 = vector.load %arg5[%get3A_26, %get3A_27] : memref<256x56xf32, #tpu.memory_space<vmem>>, vector<256x56xf32>
    %dot_general3A_29 = arith.constant dense<0.000000e+00> : vector<1250x56xf32>
    %dot_general3A_30 = tpu.matmul %slice3A, %get3A_28, %dot_general3A_29 {dimension_numbers = #tpu.dot_dimension_numbers<[1], [0], [0], [1], [0, 0, 1, 1], [], []>, transpose_lhs_hint = false} : vector<1250x256xf32>, vector<256x56xf32>, vector<1250x56xf32> -> vector<1250x56xf32>
    %get3A_31 = arith.constant 0 : index
    %get3A_32 = vector.load %arg6[%get3A_31] : memref<56xf32, #tpu.memory_space<vmem>>, vector<56xf32>
    %broadcast_in_dim3A_33 = vector.shape_cast %get3A_32 : vector<56xf32> to vector<1x56xf32>
    %add3A_34 = vector.broadcast %broadcast_in_dim3A_33 : vector<1x56xf32> to vector<1250x56xf32>
    %add3A_35 = arith.addf %dot_general3A_30, %add3A_34 : vector<1250x56xf32>
    %swap3A = arith.constant 0 : index
    %swap3A_36 = arith.constant 0 : index
    %swap3A_37 = vector.load %arg7[%swap3A, %swap3A_36] : memref<1250x56xf32, #tpu.memory_space<vmem>>, vector<1250x56xf32>
    tpu.vector_store %arg7[%swap3A, %swap3A_36], %add3A_35 {strides = array<i32>} : memref<1250x56xf32, #tpu.memory_space<vmem>>, vector<1250x56xf32>,
    return
  }
}

</mosaic_0001>

<sc_bundles>
// kernel: kernel.12.cloned.1.call-start
scs
__scs_entry_jumppad:
0x0: {  	(pc) =	sbr.rel $0x88, $3  }
0x1: {  	(tag) =	ssettag $0x0;
	lr =	simm.s32 $0x1  }
0x2: {  	[smem:$0x3F99] =	sst lr;
	_ =	strace $0xD0000000  }
0x3: {  	_ = 	snop  }
0x4: {  	_ = 	snop  }
0x5: {  	_ = 	snop  }
0x6: {  	_ = 	snop  }
0x7: {  	_ = 	snop  }
__scs_overlays_trampoline_lowered:
0x8: {  	[smem:$0x3FA8] =	sst s0  }
0x9: {  	[smem:$0x3FA9] =	sst s1  }
0xa: {  	[smem:$0x3FAA] =	sst s2  }
0xb: {  	[smem:$0x3FAB] =	sst s3  }
0xc: {  	[smem:$0x3FAC] =	sst s4  }
0xd: {  	[smem:$0x3FAD] =	sst s5  }
0xe: {  	[smem:$0x3FAE] =	sst s6  }
0xf: {  	[smem:$0x3FAF] =	sst s7  }
0x10: {  	[smem:$0x3FB0] =	sst s8  }
0x11: {  	[smem:$0x3FB1] =	sst s9;
	s0 =	simm.s32 @!p0 $0x0  }
0x12: {  	s1 =	sld [smem:$0x3F97];
	s0 =	simm.s32 @p0 $0x1  }
0x13: {  	[smem:$0x3FB2] =	sst s0;
	s0 =	simm.s32 @!p1 $0x0  }
0x14: {  	s2 =	sld [smem:$0x3F96];
	s0 =	simm.s32 @p1 $0x1  }
0x15: {  	[smem:$0x3FB3] =	sst s0;
	s0 =	simm.s32 @!p2 $0x0  }
0x16: {  	s3 =	sld [smem:$0x3FDB];
	s0 =	simm.s32 @p2 $0x1  }
0x17: {  	s4 =	simm.s32 $0x1BF5;
	[smem:$0x3FB5] =	sst s0  }
0x18: {  	s0 =	sld [smem:$0x3F98];
	_ =	swait.ge [sflag:s4], $0x0  }
0x19: {  	s7 =	sld [smem:$0x3F99]  }
0x1a: {  	s8 =	sadd.s32 $0xFFFFE003, lr  }
0x1b: {  	s9 =	sadd.s32 $0xFFFFFEF7, lr;
	s5 =	simm.s32 $0xFFFFFFFF;
	p2 =	slt.u32 s8, $0xFFFFF086  }
0x1c: {  	p1 =	slt.u32 s9, $0xF7A;
	s5 =	simm.s32 @!p2 $0x0  }
0x1d: {  	s5 =	simm.s32 @p1 $0x1;
	p0 =	seq.s32 s7, s2  }
0x1e: {  	s7 =	smul.u32 @!p0 $0xF7A, s2;
	p2 =	seq.s32 @!p0 s5, $0x0  }
0x1f: {  	s9 =	smul.u32 $0xF7A, s1;
	s8 =	simm.s32 @!p0 $0x1BF5;
	p2 =	por !p2, p0  }
0x20: {  	[sflag:s8] =	ssyncset.s32 @!p0 $0xFFFFF086;
	s6 =	sadd.s32 @!p0 s3, s7;
	s7 =	simm.s32 @!p0 $0x108  }
0x21: {  	s3 =	sadd.s32 s3, s9;
	s6 =	sadd.s32 @!p0 $0x88, s6;
	s7 =	simm.s32 @p2 $0x1082  }
0x22: {  	[simem:s7], [sflag:s8] =	dma.local @!p0 [hbm:s6], $0xF7A  }
0x23: {  	s9 =	sor.u32 $0xD0000000, s2;
	s6 =	simm.s32 $0x108;
	_ =	swait.ge @!p0 [sflag:s8], $0x0  }
0x24: {  	s3 =	sadd.s32 $0x88, s3;
	s6 =	simm.s32 @!p1 $0x1082;
	[sflag:s4] =	ssyncset.s32 $0xFFFFF086  }
0x25: {  	[simem:s6], [sflag:s4] =	dma.local [hbm:s3], $0xF7A  }
0x26: {  	[smem:$0x3F99] =	sst s1;
	(tag) =	ssettag s2;
	_ =	strace s9  }
0x27: {  	s1 =	sld [smem:$0x3FA9]  }
0x28: {  	s2 =	sld [smem:$0x3FAA]  }
0x29: {  	s4 =	sld [smem:$0x3FAC]  }
0x2a: {  	p0 =	seq.s32 s5, $0x0;
	s5 =	sld [smem:$0x3FAD]  }
0x2b: {  	s6 =	sld [smem:$0x3FAE]  }
0x2c: {  	s7 =	sld [smem:$0x3FAF]  }
0x2d: {  	s3 =	simm.s32 $0x108;
	s8 =	sld [smem:$0x3FB0]  }
0x2e: {  	s3 =	simm.s32 @!p0 $0x1082;
	s9 =	sld [smem:$0x3FB1]  }
0x2f: {  	lr =	sadd.s32 s0, s3;
	s0 =	sld [smem:$0x3FA8]  }
0x30: {  	s3 =	sld [smem:$0x3FAB]  }
0x31: {  	[smem:$0x3FB4] =	sst s10  }
0x32: {  	s10 =	sld [smem:$0x3FB2];
	_ =	sdelay $0x3  }
0x33: {  	p0 =	seq.s32 s10, $0x1;
	s10 =	sld [smem:$0x3FB4];
	_ =	sdelay $0x3  }
0x34: {  	[smem:$0x3FB4] =	sst s10  }
0x35: {  	s10 =	sld [smem:$0x3FB3];
	_ =	sdelay $0x3  }
0x36: {  	p1 =	seq.s32 s10, $0x1;
	s10 =	sld [smem:$0x3FB4];
	_ =	sdelay $0x3  }
0x37: {  	[smem:$0x3FB4] =	sst s10  }
0x38: {  	s10 =	sld [smem:$0x3FB5]  }
0x39: {  	_ = 	snop;
	(pc) =	sbr.ind lr, $3  }
0x3a: {  	_ = 	snop  }
0x3b: {  	_ = 	snop  }
0x3c: {  	p2 =	seq.s32 s10, $0x1;
	s10 =	sld [smem:$0x3FB4]  }
0x3d: {  	_ =	shalt  }
0x3e: {  	_ =	shalt  }
0x3f: {  	_ =	shalt  }
0x40: {  	_ =	shalt  }
0x41: {  	_ =	shalt  }
0x42: {  	_ =	shalt  }
0x43: {  	_ =	shalt  }
0x44: {  	_ =	shalt  }
0x45: {  	_ =	shalt  }
0x46: {  	_ =	shalt  }
0x47: {  	_ =	shalt  }
0x48: {  	_ =	shalt  }
0x49: {  	_ =	shalt  }
0x4a: {  	_ =	shalt  }
0x4b: {  	_ =	shalt  }
0x4c: {  	_ =	shalt  }
0x4d: {  	_ =	shalt  }
0x4e: {  	_ =	shalt  }
0x4f: {  	_ =	shalt  }
0x50: {  	_ =	shalt  }
0x51: {  	_ =	shalt  }
0x52: {  	_ =	shalt  }
0x53: {  	_ =	shalt  }
0x54: {  	_ =	shalt  }
0x55: {  	_ =	shalt  }
0x56: {  	_ =	shalt  }
0x57: {  	_ =	shalt  }
0x58: {  	_ =	shalt  }
0x59: {  	_ =	shalt  }
0x5a: {  	_ =	shalt  }
0x5b: {  	_ =	shalt  }
0x5c: {  	_ =	shalt  }
0x5d: {  	_ =	shalt  }
0x5e: {  	_ =	shalt  }
0x5f: {  	_ =	shalt  }
0x60: {  	_ =	shalt  }
0x61: {  	_ =	shalt  }
0x62: {  	_ =	shalt  }
0x63: {  	_ =	shalt  }
0x64: {  	_ =	shalt  }
0x65: {  	_ =	shalt  }
0x66: {  	_ =	shalt  }
0x67: {  	_ =	shalt  }
0x68: {  	_ =	shalt  }
0x69: {  	_ =	shalt  }
0x6a: {  	_ =	shalt  }
0x6b: {  	_ =	shalt  }
0x6c: {  	_ =	shalt  }
0x6d: {  	_ =	shalt  }
0x6e: {  	_ =	shalt  }
0x6f: {  	_ =	shalt  }
0x70: {  	_ =	shalt  }
0x71: {  	_ =	shalt  }
0x72: {  	_ =	shalt  }
0x73: {  	_ =	shalt  }
0x74: {  	_ =	shalt  }
0x75: {  	_ =	shalt  }
0x76: {  	_ =	shalt  }
0x77: {  	_ =	shalt  }
0x78: {  	_ =	shalt  }
0x79: {  	_ =	shalt  }
0x7a: {  	_ =	shalt  }
0x7b: {  	_ =	shalt  }
0x7c: {  	_ =	shalt  }
0x7d: {  	_ =	shalt  }
0x7e: {  	_ =	shalt  }
0x7f: {  	_ =	shalt  }
0x80: {  	_ =	shalt  }
0x81: {  	_ =	shalt  }
0x82: {  	_ =	shalt  }
0x83: {  	_ =	shalt  }
0x84: {  	_ =	shalt  }
0x85: {  	_ =	shalt  }
0x86: {  	_ =	shalt  }
0x87: {  	_ =	shalt  }
.Lfunc_end0:
.L_simem_size_0:
called_computation.1_lowered:
.L_overlay_start_0:
0x88: {  	s2 =	sld [smem:$0x3FD9]  }
0x89: {  	s3 =	sld [smem:$0x3FFE];
	_ =	sdelay $0x1  }
0x8a: {  	s1 =	srdreg.scid  }
0x8b: {  	s0 =	sand.u32 $0x1, s1  }
0x8c: {  	s16 =	sshll.u32 s0, $0xA;
	s2 =	sadd.s32 s3, s2  }
0x8d: {  	s2 =	sadd.s32 s2, s16  }
0x8e: {  	[smem:$0x3FC0] =	sst s2  }
0x8f: {  	_ = 	snop  }
0x90: {  	(tm) =	ssettm $0x1  }
0x91: {  	s17 =	sld [smem:$0x3FFB];
	_ =	sdelay $0x3  }
0x92: {  	_ =	strace s17  }
0x93: {  	s2 =	sld [smem:$0x3FFC];
	_ =	sdelay $0x3  }
0x94: {  	_ =	strace s2  }
0x95: {  	s2 =	sld [smem:$0x3FFD];
	_ =	sdelay $0x3  }
0x96: {  	_ =	strace s2  }
0x97: {  	_ =	strace $0x8FFFFFFF  }
0x98: {  	s18 =	sld [smem:$0x3FDB];
	_ =	sdelay $0x1  }
0x99: {  	s19 =	simm.s32 $_scs_section_size  }
0x9a: {  	s4 =	simm.s32 $_size__tile_overlayer_lowered;
	s5 =	simm.s32 $_tile_overlayer_lowered  }
0x9b: {  	s22 =	simm.s32 $0x1BFF;
	s21 =	sshll.u32 s5, $0x1;
	s2 =	sadd.s32 s19, s18  }
0x9c: {  	s6 =	simm.s32 $0x0;
	s20 =	sshll.u32 s4, $0x1;
	s4 =	sadd.s32 s21, s2  }
0x9d: {  	[timem:s6], [sflag:s22] =	dma.local [hbm:s4], s20  }
0x9e: {  	_ =	swait.ge [sflag:s22], s20  }
0x9f: {  	s3 =	ssub.s32 $0x0, s20;
	[sflag:s22] =	ssyncset.done $0x0  }
0xa0: {  	[sflag:s22] =	ssyncadd.s32 s3;
	_ =	sdelay $0x1  }
0xa1: {  	s23 =	simm.s32 $0x1B8B  }
0xa2: {  	_ =	swait.ge [sflag:s23], $0x1  }
0xa3: {  	[sflag:s23] =	ssyncset.done $0x0  }
0xa4: {  	s25 =	simm.s32 $0x1B8E;
	s24 =	sld [smem:$0x3FFE];
	[sflag:s23] =	ssyncadd.s32 $0xFFFFFFFF  }
0xa5: {  	s26 =	simm.s32 $execute0_lowered;
	[smem:$0x3FD2] =	sst s25  }
0xa6: {  	s4 =	sshll.u32 s26, $0x1;
	_ =	strace $0x80000049;
	[dreg:$0x1] =	wrdreg $0xFFFFFFFF  }
0xa7: {  	s28 =	simm.s32 $_size_execute0_lowered;
	s2 =	sadd.s32 s2, s4;
	[dreg:$0x0] =	wrdreg $0x0  }
0xa8: {  	s4 =	sshll.u32 s28, $0x1;
	[dreg:$0x2] =	wrdreg s2  }
0xa9: {  	[dreg:$0x3] =	wrdreg s4  }
0xaa: {  	[dreg:$0x4] =	wrdreg $0xC0  }
0xab: {  	_ =	task [dreg:s6], $0x5FFFF  }
0xac: {  	[dreg:$0x1] =	wrdreg $0xFFFFFFFF  }
0xad: {  	[dreg:$0x0] =	wrdreg $0x60  }
0xae: {  	[dreg:$0x2] =	wrdreg s24  }
0xaf: {  	[dreg:$0x3] =	wrdreg $0x4C000  }
0xb0: {  	[dreg:$0x4] =	wrdreg $0x74000  }
0xb1: {  	[dreg:$0x5] =	wrdreg $0x9  }
0xb2: {  	_ =	task.clear_ibuf [dreg:s6], $0x6FFFF;
	_ =	strace $0x90000049  }
0xb3: {  	s29 =	simm.s32 $0x9;
	_ =	strace $0x8000004B  }
0xb4: {  	_ =	swait.ge [sflag:s29], $0x1  }
0xb5: {  	[sflag:s29] =	ssyncadd.s32 $0xFFFFFFFF  }
0xb6: {  	_ =	strace $0x9000004B  }
0xb7: {  	_ =	sfence  }
0xb8: {  	s30 =	sld [smem:$0x0];
	_ =	sdelay $0x2  }
0xb9: {  	s31 =	sshll.u32 s1, $0xD;
	s1 =	sshrl.u32 s1, $0x2  }
0xba: {  	s3 =	sand.u32 $0x4000, s31;
	s1 =	sadd.s32 s1, s30  }
0xbb: {  	s0 =	sor.u32 s3, s0;
	s1 =	sshll.u32 s1, $0x11  }
0xbc: {  	s0 =	sor.u32 s1, s0  }
0xbd: {  	s0 =	sadd.s32 $0x8F2B, s0  }
0xbe: {  	[sflag:s0] =	ssyncadd.remote.s32 $0x1  }
0xbf: {  	_ =	sfence.sel $0xFFFF  }
0xc0: {  	[dreg:$0x0] =	wrdreg $0xFFFFFFFF;
	(pc) =	sbr.abs _section_cstart, $3  }
0xc1: {  	[dreg:$0x1] =	wrdreg $0xFFFFFFFF  }
0xc2: {  	_ =	task.clear_ibuf [dreg:s6], $0x2FFFF;
	_ =	strace $0x9FFFFFFF  }
0xc3: {  	(tm) =	ssettm $0x7FFFFFFF  }
tec
execute0_lowered:
.L_overlay_start_1:
0x0: {  	(tag) =	ssettag $0x1  }
0x1: {  	s0 =	rddreg [dreg:$0x0]  }
0x2: {  	s2 =	rddreg [dreg:$0x1]  }
0x3: {  	s3 =	rddreg [dreg:$0x2];
	s4 =	stileid.u32  }
0x4: {  	s6 =	simm.s32 $0x0;
	s1 =	srdreg.scid;
	s14 =	simm.s32 $0x9  }
0x5: {  	s17 =	simm.s32 $0x80;
	s18 =	simm.s32 $0x2C00;
	s19 =	simm.s32 $0x3400  }
0x6: {  	s20 =	simm.s32 $0x3C00;
	s21 =	simm.s32 $0x4400;
	s22 =	simm.s32 $0x1  }
0x7: {  	s28 =	simm.s32 $0x6;
	s29 =	simm.s32 $0x7;
	s5 =	smul.u32 $0x24, s4  }
0x8: {  	s30 =	simm.s32 $0x8;
	[smem:$0x7FF] =	sst s6;
	s6 =	smul.u32 $0x2C, s4  }
0x9: {  	s31 =	simm.s32 $0x0;
	s1 =	sand.u32 $0x1, s1;
	s8 =	smul.u32 $0x2800, s4  }
0xa: {  	s7 =	sshll.u32 s4, $0x6;
	p0 =	seq.s32 s1, $0x0;
	s23 =	smul.u32 $0x28000, s1  }
0xb: {  	_ =	strace $0x8000004A;
	s1 =	ssub.s32 $0x2, s1;
	s7 =	sor.u32 $0x1C09, s7  }
0xc: {  	s5 =	sadd.s32 $0x2C0, s5;
	s24 =	sshrl.u32 s8, $0x3;
	s26 =	sshrl.u32 s1, $0x1  }
0xd: {  	s13 =	sadd.s32 s8, s2;
	s15 =	sadd.s32 s8, s3;
	s5 =	smov.u32 @p0 s6  }
0xe: {  	s6 =	sadd.s32 s8, s23;
	s9 =	sadd.s32 s24, s0;
	s1 =	ssub.s32 s1, s26  }
0xf: {  	s13 =	sshrl.u32 s13, $0x3;
	s15 =	sshrl.u32 s15, $0x3;
	s23 =	simm.s32 $0x2  }
0x10: {  	s24 =	simm.s32 $0x3;
	s26 =	simm.s32 $0x5;
	s5 =	sshll.u32 s5, $0x4  }
0x11: {  	s25 =	sshrl.u32 s6, $0x3;
	s6 =	sadd.s32 $0xCA00, s9;
	s8 =	sadd.s32 $0x11A00, s9  }
0x12: {  	s12 =	smax.u32 s1, $0x1;
	s10 =	sadd.s32 s5, s0;
	s5 =	simm.s32 $0x5800  }
0x13: {  	s0 =	sadd.s32 s25, s0;
	s25 =	simm.s32 $0x4;
	s5 =	simm.s32 @!p0 $0x4800  }
0x14: {  	s9 =	sadd.s32 $0x2800, s10;
	s10 =	sadd.s32 $0x7900, s10;
	s11 =	sadd.s32 $0x16A00, s0  }
.LBB2_1:
0x15: {  	[spmem:s13], [sflag:s7] =	dma.local [hbm:s6], $0x500  }
0x16: {  	_ =	swait.ge [sflag:s14], $0x500  }
0x17: {  	[sflag:s14] =	ssyncset.done $0x0  }
0x18: {  	[sflag:s14] =	ssyncadd.s32 $0xFFFFFB00  }
0x19: {  	[spmem:s15], [sflag:s7] =	dma.local [hbm:s8], $0x500  }
0x1a: {  	_ =	swait.ge [sflag:s14], $0x500  }
0x1b: {  	[sflag:s14] =	ssyncset.done $0x0  }
0x1c: {  	s0 =	simm.s32 $0x0;
	[sflag:s14] =	ssyncadd.s32 $0xFFFFFB00  }
0x1d: {  	[tilespmem:s0], [sflag:$0x9] =	stream.linear.gather [hbm4b:s9+s0], $0x1600, $0x38;
	[tilespmem:$0x9C00] =	vst v63  }
0x1e: {  	_ =	swait.ge [sflag:s14], $0x1600  }
0x1f: {  	[sflag:s14] =	ssyncset.done $0x0  }
0x20: {  	s1 =	simm.s32 $0x1600;
	p1 =	sne.s32 s5, $0x800;
	[sflag:s14] =	ssyncadd.s32 $0xFFFFEA00  }
0x21: {  	[tilespmem:s1], [sflag:$0x9] =	stream.linear.gather [hbm4b:s10+s0], $0x1600, $0x38;
	[tilespmem:$0x9C00] =	vst v63  }
.Ltmp0:
0x22: {  	_ =	swait.ge [sflag:s14], $0x1600;
	(pc) =	sbr.rel @!p1 .LBB2_6-.Ltmp0, $4  }
0x23: {  	[sflag:s14] =	ssyncset.done $0x0  }
0x24: {  	[sflag:s14] =	ssyncadd.s32 $0xFFFFEA00  }
0x25: {  	[bflag:$0x0] =	sbarrier.arrive $0xFFFF  }
0x26: {  	p0 =	por $0x0, $0x0;
	s0 =	simm.s32 $0x800;
	s1 =	simm.s32 $0x0  }
0x27: {  	s1 =	simm.s32 $0x0  }
0x28: {  	[tilespmem:s18], [sflag:$0x1] =	stream.indirect.gather [spmem:s3], $0x10, s1, s17, $0xb8;
	[tilespmem:$0x9C00] =	vst v63  }
0x29: {  	s16 =	simm.s32 $0x80  }
0x2a: {  	[tilespmem:s19], [sflag:$0x2] =	stream.indirect.gather [spmem:s3], $0x10, s16, s17, $0xb8;
	[tilespmem:$0x9C00] =	vst v63  }
0x2b: {  	s4 =	simm.s32 $0x100  }
0x2c: {  	[tilespmem:s20], [sflag:$0x3] =	stream.indirect.gather [spmem:s3], $0x10, s4, s17, $0xb8;
	[tilespmem:$0x9C00] =	vst v63  }
0x2d: {  	s16 =	simm.s32 $0x180  }
0x2e: {  	[tilespmem:s21], [sflag:$0x4] =	stream.indirect.gather [spmem:s3], $0x10, s16, s17, $0xb8;
	[tilespmem:$0x9C00] =	vst v63  }
0x2f: {  	_ =	swait.ge [sflag:s22], $0x800  }
0x30: {  	[sflag:s22] =	ssyncset.done $0x0  }
0x31: {  	s4 =	simm.s32 $0x1600;
	[sflag:s22] =	ssyncadd.s32 $0xFFFFF800  }
0x32: {  	[spmem:s2] =	stream.indirect.scatter.add.f32 [tilespmem:s18], [sflag:$0x5], $0x10, s4, s17, $0xb8;
	[tilespmem:$0x9C00] =	vst v63  }
0x33: {  	_ =	swait.ge [sflag:s23], $0x800  }
0x34: {  	[sflag:s23] =	ssyncset.done $0x0  }
0x35: {  	s16 =	simm.s32 $0x1680;
	[sflag:s23] =	ssyncadd.s32 $0xFFFFF800  }
0x36: {  	[spmem:s2] =	stream.indirect.scatter.add.f32 [tilespmem:s19], [sflag:$0x6], $0x10, s16, s17, $0xb8;
	[tilespmem:$0x9C00] =	vst v63  }
0x37: {  	_ =	swait.ge [sflag:s24], $0x800  }
0x38: {  	[sflag:s24] =	ssyncset.done $0x0  }
0x39: {  	s4 =	simm.s32 $0x1700;
	[sflag:s24] =	ssyncadd.s32 $0xFFFFF800  }
0x3a: {  	[spmem:s2] =	stream.indirect.scatter.add.f32 [tilespmem:s20], [sflag:$0x7], $0x10, s4, s17, $0xb8;
	[tilespmem:$0x9C00] =	vst v63  }
0x3b: {  	_ =	swait.ge [sflag:s25], $0x800  }
0x3c: {  	[sflag:s25] =	ssyncset.done $0x0  }
0x3d: {  	s16 =	simm.s32 $0x1780;
	[sflag:s25] =	ssyncadd.s32 $0xFFFFF800  }
0x3e: {  	[spmem:s2] =	stream.indirect.scatter.add.f32 [tilespmem:s21], [sflag:$0x8], $0x10, s16, s17, $0xb8;
	[tilespmem:$0x9C00] =	vst v63  }
0x3f: {  	_ =	swait.ge [sflag:s26], $0x800  }
0x40: {  	[sflag:s26] =	ssyncset.done $0x0  }
0x41: {  	[sflag:s26] =	ssyncadd.s32 $0xFFFFF800  }
0x42: {  	_ =	swait.ge [sflag:s28], $0x800  }
0x43: {  	[sflag:s28] =	ssyncset.done $0x0  }
0x44: {  	p1 =	sne.s32 s5, $0x1000;
	[sflag:s28] =	ssyncadd.s32 $0xFFFFF800  }
.Ltmp1:
0x45: {  	_ =	swait.ge [sflag:s29], $0x800;
	(pc) =	sbr.rel @!p1 .LBB2_3-.Ltmp1, $4  }
0x46: {  	[sflag:s29] =	ssyncset.done $0x0  }
0x47: {  	[sflag:s29] =	ssyncadd.s32 $0xFFFFF800  }
0x48: {  	_ =	swait.ge [sflag:s30], $0x800  }
0x49: {  	p0 =	por $0x1, $0x1;
	s1 =	simm.s32 $0x1000;
	[sflag:s30] =	ssyncset.done $0x0  }
.LBB2_4:
0x4a: {  	s16 =	sshra.s32 s0, $0x2  }
0x4b: {  	[sflag:s30] =	ssyncadd.s32 $0xFFFFF800;
	s0 =	smov.u32 s1;
	s1 =	sadd.s32 $0x800, s1  }
0x4c: {  	[tilespmem:s18], [sflag:$0x1] =	stream.indirect.gather [spmem:s3], $0x10, s16, s17, $0xb8;
	[tilespmem:$0x9C00] =	vst v63  }
0x4d: {  	p1 =	sne.s32 s5, s1;
	s4 =	sadd.s32 $0x80, s16  }
0x4e: {  	[tilespmem:s19], [sflag:$0x2] =	stream.indirect.gather [spmem:s3], $0x10, s4, s17, $0xb8;
	[tilespmem:$0x9C00] =	vst v63  }
0x4f: {  	s4 =	sadd.s32 $0x100, s16  }
0x50: {  	[tilespmem:s20], [sflag:$0x3] =	stream.indirect.gather [spmem:s3], $0x10, s4, s17, $0xb8;
	[tilespmem:$0x9C00] =	vst v63  }
0x51: {  	s4 =	sadd.s32 $0x180, s16  }
0x52: {  	[tilespmem:s21], [sflag:$0x4] =	stream.indirect.gather [spmem:s3], $0x10, s4, s17, $0xb8;
	[tilespmem:$0x9C00] =	vst v63  }
0x53: {  	_ =	swait.ge [sflag:s22], $0x800  }
0x54: {  	[sflag:s22] =	ssyncset.done $0x0  }
0x55: {  	s4 =	sadd.s32 $0x1600, s16;
	[sflag:s22] =	ssyncadd.s32 $0xFFFFF800  }
0x56: {  	[spmem:s2] =	stream.indirect.scatter.add.f32 [tilespmem:s18], [sflag:$0x5], $0x10, s4, s17, $0xb8;
	[tilespmem:$0x9C00] =	vst v63  }
0x57: {  	_ =	swait.ge [sflag:s23], $0x800  }
0x58: {  	[sflag:s23] =	ssyncset.done $0x0  }
0x59: {  	s4 =	sadd.s32 $0x1680, s16;
	[sflag:s23] =	ssyncadd.s32 $0xFFFFF800  }
0x5a: {  	[spmem:s2] =	stream.indirect.scatter.add.f32 [tilespmem:s19], [sflag:$0x6], $0x10, s4, s17, $0xb8;
	[tilespmem:$0x9C00] =	vst v63  }
0x5b: {  	_ =	swait.ge [sflag:s24], $0x800  }
0x5c: {  	[sflag:s24] =	ssyncset.done $0x0  }
0x5d: {  	s4 =	sadd.s32 $0x1700, s16;
	[sflag:s24] =	ssyncadd.s32 $0xFFFFF800  }
0x5e: {  	[spmem:s2] =	stream.indirect.scatter.add.f32 [tilespmem:s20], [sflag:$0x7], $0x10, s4, s17, $0xb8;
	[tilespmem:$0x9C00] =	vst v63  }
0x5f: {  	_ =	swait.ge [sflag:s25], $0x800  }
0x60: {  	[sflag:s25] =	ssyncset.done $0x0  }
0x61: {  	s4 =	sadd.s32 $0x1780, s16;
	[sflag:s25] =	ssyncadd.s32 $0xFFFFF800  }
0x62: {  	[spmem:s2] =	stream.indirect.scatter.add.f32 [tilespmem:s21], [sflag:$0x8], $0x10, s4, s17, $0xb8;
	[tilespmem:$0x9C00] =	vst v63  }
0x63: {  	_ =	swait.ge [sflag:s26], $0x800  }
0x64: {  	[sflag:s26] =	ssyncset.done $0x0  }
0x65: {  	[sflag:s26] =	ssyncadd.s32 $0xFFFFF800  }
0x66: {  	_ =	swait.ge [sflag:s28], $0x800  }
0x67: {  	[sflag:s28] =	ssyncset.done $0x0  }
0x68: {  	[sflag:s28] =	ssyncadd.s32 $0xFFFFF800  }
.Ltmp2:
0x69: {  	_ =	swait.ge [sflag:s29], $0x800;
	(pc) =	sbr.rel @p1 .LBB2_4-.Ltmp2, $4  }
0x6a: {  	[sflag:s29] =	ssyncset.done $0x0  }
0x6b: {  	[sflag:s29] =	ssyncadd.s32 $0xFFFFF800  }
0x6c: {  	_ =	swait.ge [sflag:s30], $0x800  }
0x6d: {  	[sflag:s30] =	ssyncset.done $0x0  }
0x6e: {  	s1 =	smov.u32 s0  }
.LBB2_6:
0x6f: {  	s0 =	sshra.s32 s1, $0x2;
	[sflag:s30] =	ssyncadd.s32 @p0 $0xFFFFF800  }
0x70: {  	[tilespmem:s18], [sflag:$0x1] =	stream.indirect.gather [spmem:s3], $0x10, s0, s17, $0xb8;
	[tilespmem:$0x9C00] =	vst v63  }
0x71: {  	s1 =	sadd.s32 $0x80, s0  }
0x72: {  	[tilespmem:s19], [sflag:$0x2] =	stream.indirect.gather [spmem:s3], $0x10, s1, s17, $0xb8;
	[tilespmem:$0x9C00] =	vst v63  }
0x73: {  	s16 =	sadd.s32 $0x100, s0  }
0x74: {  	[tilespmem:s20], [sflag:$0x3] =	stream.indirect.gather [spmem:s3], $0x10, s16, s17, $0xb8;
	[tilespmem:$0x9C00] =	vst v63  }
0x75: {  	s4 =	sadd.s32 $0x180, s0  }
0x76: {  	[tilespmem:s21], [sflag:$0x4] =	stream.indirect.gather [spmem:s3], $0x10, s4, s17, $0xb8;
	[tilespmem:$0x9C00] =	vst v63  }
0x77: {  	_ =	swait.ge [sflag:s22], $0x800  }
0x78: {  	[sflag:s22] =	ssyncset.done $0x0  }
0x79: {  	s16 =	sadd.s32 $0x1600, s0;
	[sflag:s22] =	ssyncadd.s32 $0xFFFFF800  }
0x7a: {  	[spmem:s2] =	stream.indirect.scatter.add.f32 [tilespmem:s18], [sflag:$0x5], $0x10, s16, s17, $0xb8;
	[tilespmem:$0x9C00] =	vst v63  }
0x7b: {  	_ =	swait.ge [sflag:s23], $0x800  }
0x7c: {  	[sflag:s23] =	ssyncset.done $0x0  }
0x7d: {  	s4 =	sadd.s32 $0x1680, s0;
	[sflag:s23] =	ssyncadd.s32 $0xFFFFF800  }
0x7e: {  	[spmem:s2] =	stream.indirect.scatter.add.f32 [tilespmem:s19], [sflag:$0x6], $0x10, s4, s17, $0xb8;
	[tilespmem:$0x9C00] =	vst v63  }
0x7f: {  	_ =	swait.ge [sflag:s24], $0x800  }
0x80: {  	[sflag:s24] =	ssyncset.done $0x0  }
0x81: {  	s16 =	sadd.s32 $0x1700, s0;
	[sflag:s24] =	ssyncadd.s32 $0xFFFFF800  }
0x82: {  	[spmem:s2] =	stream.indirect.scatter.add.f32 [tilespmem:s20], [sflag:$0x7], $0x10, s16, s17, $0xb8;
	[tilespmem:$0x9C00] =	vst v63  }
0x83: {  	_ =	swait.ge [sflag:s25], $0x800  }
0x84: {  	[sflag:s25] =	ssyncset.done $0x0  }
0x85: {  	s0 =	sadd.s32 $0x1780, s0;
	[sflag:s25] =	ssyncadd.s32 $0xFFFFF800  }
0x86: {  	[spmem:s2] =	stream.indirect.scatter.add.f32 [tilespmem:s21], [sflag:$0x8], $0x10, s0, s17, $0xb8;
	[tilespmem:$0x9C00] =	vst v63  }
0x87: {  	_ =	swait.ge [sflag:s26], $0x800  }
0x88: {  	[sflag:s26] =	ssyncset.done $0x0  }
0x89: {  	[sflag:s26] =	ssyncadd.s32 $0xFFFFF800  }
0x8a: {  	_ =	swait.ge [sflag:s28], $0x800  }
0x8b: {  	[sflag:s28] =	ssyncset.done $0x0  }
0x8c: {  	[sflag:s28] =	ssyncadd.s32 $0xFFFFF800  }
0x8d: {  	_ =	swait.ge [sflag:s29], $0x800  }
0x8e: {  	[sflag:s29] =	ssyncset.done $0x0  }
0x8f: {  	[sflag:s29] =	ssyncadd.s32 $0xFFFFF800  }
0x90: {  	_ =	swait.ge [sflag:s30], $0x800  }
0x91: {  	[sflag:s30] =	ssyncset.done $0x0  }
0x92: {  	s31 =	sadd.s32 $0x1, s31;
	[sflag:s30] =	ssyncadd.s32 $0xFFFFF800  }
0x93: {  	p0 =	sne.s32 s31, s12;
	[bflag:$0x0] =	sbarrier.arrive $0xFFFF  }
0x94: {  	[hbm:s11], [sflag:s7] =	dma.local [spmem:s13], $0x500  }
.Ltmp3:
0x95: {  	_ = 	snop;
	(pc) =	sbr.rel @p0 .LBB2_1-.Ltmp3, $4  }
.Ltmp4:
0x96: {  	_ = 	snop;
	(pc) =	sbr.rel @!p0 .LBB2_7-.Ltmp4, $4  }
0x97: {  	_ =	swait.ge [sflag:s14], $0x500  }
0x98: {  	[sflag:s14] =	ssyncset.done $0x0  }
0x99: {  	[sflag:s14] =	ssyncadd.s32 $0xFFFFFB00  }
0x9a: {  	_ = 	snop  }
.LBB2_3:
.Ltmp5:
0x9b: {  	(pc) =	sbr.rel .LBB2_6-.Ltmp5, $2  }
0x9c: {  	_ =	sdelay $0x2  }
0x9d: {  	s1 =	simm.s32 $0x800  }
.LBB2_7:
0x9e: {  	_ =	sfence.sel $0x180000  }
0x9f: {  	[bflag:$0x0] =	sbarrier.arrive $0xFFFF  }
0xa0: {  	_ =	strace $0x9000004A  }
0xa1: {  	s0 =	stileid.u32;
	[bflag:$0x2] =	sbarrier.arrive $0xFFFF  }
0xa2: {  	p0 =	sne.s32 s0, $0x0;
	s0 =	rddreg [dreg:$0x3]  }
0xa3: {  	s0 =	sadd.s32 @!p0 $0x100000, s0  }
0xa4: {  	[sflag:s0] =	ssyncadd.tile.s32 @!p0 $0x1;
	_ =	shalt  }
.Lfunc_end2:
_tile_overlayer_lowered:
.L_overlay_start_2:
0xa5: {  	(tag) =	ssettag $0x2  }
0xa6: {  	s0 =	rddreg [dreg:$0x0];
	s2 =	stileid.u32  }
0xa7: {  	s1 =	rddreg [dreg:$0x1];
	p0 =	sne.s32 s2, $0x0  }
0xa8: {  	s3 =	rddreg [dreg:$0x2];
	[bflag:$0x3] =	sbarrier.arrive $0xFFFF;
	s2 =	simm.s32 @!p0 $0x1C09  }
0xa9: {  	[timem:s3], [sflag:s2] =	dma.local @!p0 [hbm:s0], s1  }
0xaa: {  	s0 =	simm.s32 @!p0 $0x9  }
0xab: {  	_ =	swait.ge @!p0 [sflag:s0], s1  }
0xac: {  	s1 =	ssub.s32 @!p0 $0x0, s1;
	[sflag:s0] =	ssyncset.done @!p0 $0x0  }
0xad: {  	[sflag:s0] =	ssyncadd.s32 @!p0 s1  }
0xae: {  	[bflag:$0x3] =	sbarrier.arrive $0xFFFF  }
0xaf: {  	_ =	shalt  }

// kernel: kernel.15.cloned.1.call-start
scs
__scs_entry_jumppad:
0x0: {  	(pc) =	sbr.rel $0x88, $3  }
0x1: {  	(tag) =	ssettag $0x0;
	lr =	simm.s32 $0x1  }
0x2: {  	[smem:$0x3F99] =	sst lr;
	_ =	strace $0xD0000000  }
0x3: {  	_ = 	snop  }
0x4: {  	_ = 	snop  }
0x5: {  	_ = 	snop  }
0x6: {  	_ = 	snop  }
0x7: {  	_ = 	snop  }
__scs_overlays_trampoline_lowered:
0x8: {  	[smem:$0x3FA8] =	sst s0  }
0x9: {  	[smem:$0x3FA9] =	sst s1  }
0xa: {  	[smem:$0x3FAA] =	sst s2  }
0xb: {  	[smem:$0x3FAB] =	sst s3  }
0xc: {  	[smem:$0x3FAC] =	sst s4  }
0xd: {  	[smem:$0x3FAD] =	sst s5  }
0xe: {  	[smem:$0x3FAE] =	sst s6  }
0xf: {  	[smem:$0x3FAF] =	sst s7  }
0x10: {  	[smem:$0x3FB0] =	sst s8  }
0x11: {  	[smem:$0x3FB1] =	sst s9;
	s0 =	simm.s32 @!p0 $0x0  }
0x12: {  	s1 =	sld [smem:$0x3F97];
	s0 =	simm.s32 @p0 $0x1  }
0x13: {  	[smem:$0x3FB2] =	sst s0;
	s0 =	simm.s32 @!p1 $0x0  }
0x14: {  	s2 =	sld [smem:$0x3F96];
	s0 =	simm.s32 @p1 $0x1  }
0x15: {  	[smem:$0x3FB3] =	sst s0;
	s0 =	simm.s32 @!p2 $0x0  }
0x16: {  	s3 =	sld [smem:$0x3FDB];
	s0 =	simm.s32 @p2 $0x1  }
0x17: {  	s4 =	simm.s32 $0x1BF5;
	[smem:$0x3FB5] =	sst s0  }
0x18: {  	s0 =	sld [smem:$0x3F98];
	_ =	swait.ge [sflag:s4], $0x0  }
0x19: {  	s7 =	sld [smem:$0x3F99]  }
0x1a: {  	s8 =	sadd.s32 $0xFFFFE003, lr  }
0x1b: {  	s9 =	sadd.s32 $0xFFFFFEF7, lr;
	s5 =	simm.s32 $0xFFFFFFFF;
	p2 =	slt.u32 s8, $0xFFFFF086  }
0x1c: {  	p1 =	slt.u32 s9, $0xF7A;
	s5 =	simm.s32 @!p2 $0x0  }
0x1d: {  	s5 =	simm.s32 @p1 $0x1;
	p0 =	seq.s32 s7, s2  }
0x1e: {  	s7 =	smul.u32 @!p0 $0xF7A, s2;
	p2 =	seq.s32 @!p0 s5, $0x0  }
0x1f: {  	s9 =	smul.u32 $0xF7A, s1;
	s8 =	simm.s32 @!p0 $0x1BF5;
	p2 =	por !p2, p0  }
0x20: {  	[sflag:s8] =	ssyncset.s32 @!p0 $0xFFFFF086;
	s6 =	sadd.s32 @!p0 s3, s7;
	s7 =	simm.s32 @!p0 $0x108  }
0x21: {  	s3 =	sadd.s32 s3, s9;
	s6 =	sadd.s32 @!p0 $0x88, s6;
	s7 =	simm.s32 @p2 $0x1082  }
0x22: {  	[simem:s7], [sflag:s8] =	dma.local @!p0 [hbm:s6], $0xF7A  }
0x23: {  	s9 =	sor.u32 $0xD0000000, s2;
	s6 =	simm.s32 $0x108;
	_ =	swait.ge @!p0 [sflag:s8], $0x0  }
0x24: {  	s3 =	sadd.s32 $0x88, s3;
	s6 =	simm.s32 @!p1 $0x1082;
	[sflag:s4] =	ssyncset.s32 $0xFFFFF086  }
0x25: {  	[simem:s6], [sflag:s4] =	dma.local [hbm:s3], $0xF7A  }
0x26: {  	[smem:$0x3F99] =	sst s1;
	(tag) =	ssettag s2;
	_ =	strace s9  }
0x27: {  	s1 =	sld [smem:$0x3FA9]  }
0x28: {  	s2 =	sld [smem:$0x3FAA]  }
0x29: {  	s4 =	sld [smem:$0x3FAC]  }
0x2a: {  	p0 =	seq.s32 s5, $0x0;
	s5 =	sld [smem:$0x3FAD]  }
0x2b: {  	s6 =	sld [smem:$0x3FAE]  }
0x2c: {  	s7 =	sld [smem:$0x3FAF]  }
0x2d: {  	s3 =	simm.s32 $0x108;
	s8 =	sld [smem:$0x3FB0]  }
0x2e: {  	s3 =	simm.s32 @!p0 $0x1082;
	s9 =	sld [smem:$0x3FB1]  }
0x2f: {  	lr =	sadd.s32 s0, s3;
	s0 =	sld [smem:$0x3FA8]  }
0x30: {  	s3 =	sld [smem:$0x3FAB]  }
0x31: {  	[smem:$0x3FB4] =	sst s10  }
0x32: {  	s10 =	sld [smem:$0x3FB2];
	_ =	sdelay $0x3  }
0x33: {  	p0 =	seq.s32 s10, $0x1;
	s10 =	sld [smem:$0x3FB4];
	_ =	sdelay $0x3  }
0x34: {  	[smem:$0x3FB4] =	sst s10  }
0x35: {  	s10 =	sld [smem:$0x3FB3];
	_ =	sdelay $0x3  }
0x36: {  	p1 =	seq.s32 s10, $0x1;
	s10 =	sld [smem:$0x3FB4];
	_ =	sdelay $0x3  }
0x37: {  	[smem:$0x3FB4] =	sst s10  }
0x38: {  	s10 =	sld [smem:$0x3FB5]  }
0x39: {  	_ = 	snop;
	(pc) =	sbr.ind lr, $3  }
0x3a: {  	_ = 	snop  }
0x3b: {  	_ = 	snop  }
0x3c: {  	p2 =	seq.s32 s10, $0x1;
	s10 =	sld [smem:$0x3FB4]  }
0x3d: {  	_ =	shalt  }
0x3e: {  	_ =	shalt  }
0x3f: {  	_ =	shalt  }
0x40: {  	_ =	shalt  }
0x41: {  	_ =	shalt  }
0x42: {  	_ =	shalt  }
0x43: {  	_ =	shalt  }
0x44: {  	_ =	shalt  }
0x45: {  	_ =	shalt  }
0x46: {  	_ =	shalt  }
0x47: {  	_ =	shalt  }
0x48: {  	_ =	shalt  }
0x49: {  	_ =	shalt  }
0x4a: {  	_ =	shalt  }
0x4b: {  	_ =	shalt  }
0x4c: {  	_ =	shalt  }
0x4d: {  	_ =	shalt  }
0x4e: {  	_ =	shalt  }
0x4f: {  	_ =	shalt  }
0x50: {  	_ =	shalt  }
0x51: {  	_ =	shalt  }
0x52: {  	_ =	shalt  }
0x53: {  	_ =	shalt  }
0x54: {  	_ =	shalt  }
0x55: {  	_ =	shalt  }
0x56: {  	_ =	shalt  }
0x57: {  	_ =	shalt  }
0x58: {  	_ =	shalt  }
0x59: {  	_ =	shalt  }
0x5a: {  	_ =	shalt  }
0x5b: {  	_ =	shalt  }
0x5c: {  	_ =	shalt  }
0x5d: {  	_ =	shalt  }
0x5e: {  	_ =	shalt  }
0x5f: {  	_ =	shalt  }
0x60: {  	_ =	shalt  }
0x61: {  	_ =	shalt  }
0x62: {  	_ =	shalt  }
0x63: {  	_ =	shalt  }
0x64: {  	_ =	shalt  }
0x65: {  	_ =	shalt  }
0x66: {  	_ =	shalt  }
0x67: {  	_ =	shalt  }
0x68: {  	_ =	shalt  }
0x69: {  	_ =	shalt  }
0x6a: {  	_ =	shalt  }
0x6b: {  	_ =	shalt  }
0x6c: {  	_ =	shalt  }
0x6d: {  	_ =	shalt  }
0x6e: {  	_ =	shalt  }
0x6f: {  	_ =	shalt  }
0x70: {  	_ =	shalt  }
0x71: {  	_ =	shalt  }
0x72: {  	_ =	shalt  }
0x73: {  	_ =	shalt  }
0x74: {  	_ =	shalt  }
0x75: {  	_ =	shalt  }
0x76: {  	_ =	shalt  }
0x77: {  	_ =	shalt  }
0x78: {  	_ =	shalt  }
0x79: {  	_ =	shalt  }
0x7a: {  	_ =	shalt  }
0x7b: {  	_ =	shalt  }
0x7c: {  	_ =	shalt  }
0x7d: {  	_ =	shalt  }
0x7e: {  	_ =	shalt  }
0x7f: {  	_ =	shalt  }
0x80: {  	_ =	shalt  }
0x81: {  	_ =	shalt  }
0x82: {  	_ =	shalt  }
0x83: {  	_ =	shalt  }
0x84: {  	_ =	shalt  }
0x85: {  	_ =	shalt  }
0x86: {  	_ =	shalt  }
0x87: {  	_ =	shalt  }
.Lfunc_end0:
.L_simem_size_0:
called_computation.2_lowered:
.L_overlay_start_0:
0x88: {  	s2 =	sld [smem:$0x3FD9]  }
0x89: {  	s3 =	sld [smem:$0x3FFE];
	_ =	sdelay $0x1  }
0x8a: {  	s1 =	srdreg.scid  }
0x8b: {  	s0 =	sand.u32 $0x1, s1  }
0x8c: {  	s16 =	sshll.u32 s0, $0xA;
	s2 =	sadd.s32 s3, s2  }
0x8d: {  	s2 =	sadd.s32 s2, s16  }
0x8e: {  	[smem:$0x3FC0] =	sst s2  }
0x8f: {  	_ = 	snop  }
0x90: {  	(tm) =	ssettm $0x1  }
0x91: {  	s17 =	sld [smem:$0x3FFB];
	_ =	sdelay $0x3  }
0x92: {  	_ =	strace s17  }
0x93: {  	s2 =	sld [smem:$0x3FFC];
	_ =	sdelay $0x3  }
0x94: {  	_ =	strace s2  }
0x95: {  	s2 =	sld [smem:$0x3FFD];
	_ =	sdelay $0x3  }
0x96: {  	_ =	strace s2  }
0x97: {  	_ =	strace $0x8FFFFFFF  }
0x98: {  	s18 =	sld [smem:$0x3FDB];
	_ =	sdelay $0x1  }
0x99: {  	s19 =	simm.s32 $_scs_section_size  }
0x9a: {  	s4 =	simm.s32 $_size__tile_overlayer_lowered;
	s5 =	simm.s32 $_tile_overlayer_lowered  }
0x9b: {  	s22 =	simm.s32 $0x1BFF;
	s21 =	sshll.u32 s5, $0x1;
	s2 =	sadd.s32 s19, s18  }
0x9c: {  	s6 =	simm.s32 $0x0;
	s20 =	sshll.u32 s4, $0x1;
	s4 =	sadd.s32 s21, s2  }
0x9d: {  	[timem:s6], [sflag:s22] =	dma.local [hbm:s4], s20  }
0x9e: {  	_ =	swait.ge [sflag:s22], s20  }
0x9f: {  	s3 =	ssub.s32 $0x0, s20;
	[sflag:s22] =	ssyncset.done $0x0  }
0xa0: {  	[sflag:s22] =	ssyncadd.s32 s3;
	_ =	sdelay $0x1  }
0xa1: {  	s23 =	simm.s32 $0x1B8B  }
0xa2: {  	_ =	swait.ge [sflag:s23], $0x1  }
0xa3: {  	[sflag:s23] =	ssyncset.done $0x0  }
0xa4: {  	s25 =	simm.s32 $0x1B8E;
	s24 =	sld [smem:$0x3FFE];
	[sflag:s23] =	ssyncadd.s32 $0xFFFFFFFF  }
0xa5: {  	s26 =	simm.s32 $execute0_lowered;
	[smem:$0x3FD2] =	sst s25  }
0xa6: {  	s4 =	sshll.u32 s26, $0x1;
	_ =	strace $0x8000004C;
	[dreg:$0x1] =	wrdreg $0xFFFFFFFF  }
0xa7: {  	s28 =	simm.s32 $_size_execute0_lowered;
	s2 =	sadd.s32 s2, s4;
	[dreg:$0x0] =	wrdreg $0x0  }
0xa8: {  	s4 =	sshll.u32 s28, $0x1;
	[dreg:$0x2] =	wrdreg s2  }
0xa9: {  	[dreg:$0x3] =	wrdreg s4  }
0xaa: {  	[dreg:$0x4] =	wrdreg $0xC0  }
0xab: {  	_ =	task [dreg:s6], $0x5FFFF  }
0xac: {  	[dreg:$0x1] =	wrdreg $0xFFFFFFFF  }
0xad: {  	[dreg:$0x0] =	wrdreg $0x60  }
0xae: {  	[dreg:$0x2] =	wrdreg s24  }
0xaf: {  	[dreg:$0x3] =	wrdreg $0x6C000  }
0xb0: {  	[dreg:$0x4] =	wrdreg $0xBC000  }
0xb1: {  	[dreg:$0x5] =	wrdreg $0x9  }
0xb2: {  	_ =	task.clear_ibuf [dreg:s6], $0x6FFFF;
	_ =	strace $0x9000004C  }
0xb3: {  	s29 =	simm.s32 $0x9;
	_ =	strace $0x8000004E  }
0xb4: {  	_ =	swait.ge [sflag:s29], $0x1  }
0xb5: {  	[sflag:s29] =	ssyncadd.s32 $0xFFFFFFFF  }
0xb6: {  	_ =	strace $0x9000004E  }
0xb7: {  	_ =	sfence  }
0xb8: {  	s30 =	sld [smem:$0x0];
	_ =	sdelay $0x2  }
0xb9: {  	s31 =	sshll.u32 s1, $0xD;
	s1 =	sshrl.u32 s1, $0x2  }
0xba: {  	s3 =	sand.u32 $0x4000, s31;
	s1 =	sadd.s32 s1, s30  }
0xbb: {  	s0 =	sor.u32 s3, s0;
	s1 =	sshll.u32 s1, $0x11  }
0xbc: {  	s0 =	sor.u32 s1, s0  }
0xbd: {  	s0 =	sadd.s32 $0x8F2B, s0  }
0xbe: {  	[sflag:s0] =	ssyncadd.remote.s32 $0x1  }
0xbf: {  	_ =	sfence.sel $0xFFFF  }
0xc0: {  	[dreg:$0x0] =	wrdreg $0xFFFFFFFF;
	(pc) =	sbr.abs _section_cstart, $3  }
0xc1: {  	[dreg:$0x1] =	wrdreg $0xFFFFFFFF  }
0xc2: {  	_ =	task.clear_ibuf [dreg:s6], $0x2FFFF;
	_ =	strace $0x9FFFFFFF  }
0xc3: {  	(tm) =	ssettm $0x7FFFFFFF  }
tec
execute0_lowered:
.L_overlay_start_1:
0x0: {  	(tag) =	ssettag $0x1  }
0x1: {  	s0 =	rddreg [dreg:$0x0]  }
0x2: {  	s2 =	rddreg [dreg:$0x1]  }
0x3: {  	s3 =	rddreg [dreg:$0x2];
	s4 =	stileid.u32  }
0x4: {  	s6 =	simm.s32 $0x0;
	s1 =	srdreg.scid;
	s14 =	simm.s32 $0x9  }
0x5: {  	s17 =	simm.s32 $0x80;
	s18 =	simm.s32 $0x2C00;
	s19 =	simm.s32 $0x3C00  }
0x6: {  	s20 =	simm.s32 $0x4C00;
	s21 =	simm.s32 $0x5C00;
	s22 =	simm.s32 $0x1  }
0x7: {  	s28 =	simm.s32 $0x6;
	s29 =	simm.s32 $0x7;
	s5 =	smul.u32 $0x24, s4  }
0x8: {  	s30 =	simm.s32 $0x8;
	[smem:$0x7FF] =	sst s6;
	s6 =	smul.u32 $0x2C, s4  }
0x9: {  	s31 =	simm.s32 $0x0;
	s1 =	sand.u32 $0x1, s1;
	s8 =	smul.u32 $0x5000, s4  }
0xa: {  	s7 =	sshll.u32 s4, $0x6;
	p0 =	seq.s32 s1, $0x0;
	s23 =	smul.u32 $0x50000, s1  }
0xb: {  	_ =	strace $0x8000004D;
	s1 =	ssub.s32 $0x2, s1;
	s7 =	sor.u32 $0x1C09, s7  }
0xc: {  	s5 =	sadd.s32 $0x2C0, s5;
	s24 =	sshrl.u32 s8, $0x3;
	s26 =	sshrl.u32 s1, $0x1  }
0xd: {  	s13 =	sadd.s32 s8, s2;
	s15 =	sadd.s32 s8, s3;
	s5 =	smov.u32 @p0 s6  }
0xe: {  	s6 =	sadd.s32 s8, s23;
	s9 =	sadd.s32 s24, s0;
	s1 =	ssub.s32 s1, s26  }
0xf: {  	s13 =	sshrl.u32 s13, $0x3;
	s15 =	sshrl.u32 s15, $0x3;
	s23 =	simm.s32 $0x2  }
0x10: {  	s24 =	simm.s32 $0x3;
	s26 =	simm.s32 $0x5;
	s5 =	sshll.u32 s5, $0x4  }
0x11: {  	s25 =	sshrl.u32 s6, $0x3;
	s6 =	sadd.s32 $0x16A00, s9;
	s8 =	sadd.s32 $0xCA00, s9  }
0x12: {  	s12 =	smax.u32 s1, $0x1;
	s10 =	sadd.s32 s5, s0;
	s5 =	simm.s32 $0x5800  }
0x13: {  	s0 =	sadd.s32 s25, s0;
	s25 =	simm.s32 $0x4;
	s5 =	simm.s32 @!p0 $0x4800  }
0x14: {  	s9 =	sadd.s32 $0x2800, s10;
	s10 =	sadd.s32 $0x7900, s10;
	s11 =	sadd.s32 $0x20A00, s0  }
.LBB2_1:
0x15: {  	[spmem:s13], [sflag:s7] =	dma.local [hbm:s6], $0xA00  }
0x16: {  	_ =	swait.ge [sflag:s14], $0xA00  }
0x17: {  	[sflag:s14] =	ssyncset.done $0x0  }
0x18: {  	[sflag:s14] =	ssyncadd.s32 $0xFFFFF600  }
0x19: {  	[spmem:s15], [sflag:s7] =	dma.local [hbm:s8], $0xA00  }
0x1a: {  	_ =	swait.ge [sflag:s14], $0xA00  }
0x1b: {  	[sflag:s14] =	ssyncset.done $0x0  }
0x1c: {  	s0 =	simm.s32 $0x0;
	[sflag:s14] =	ssyncadd.s32 $0xFFFFF600  }
0x1d: {  	[tilespmem:s0], [sflag:$0x9] =	stream.linear.gather [hbm4b:s9+s0], $0x1600, $0x38;
	[tilespmem:$0x10C00] =	vst v63  }
0x1e: {  	_ =	swait.ge [sflag:s14], $0x1600  }
0x1f: {  	[sflag:s14] =	ssyncset.done $0x0  }
0x20: {  	s1 =	simm.s32 $0x1600;
	p1 =	sne.s32 s5, $0x800;
	[sflag:s14] =	ssyncadd.s32 $0xFFFFEA00  }
0x21: {  	[tilespmem:s1], [sflag:$0x9] =	stream.linear.gather [hbm4b:s10+s0], $0x1600, $0x38;
	[tilespmem:$0x10C00] =	vst v63  }
.Ltmp0:
0x22: {  	_ =	swait.ge [sflag:s14], $0x1600;
	(pc) =	sbr.rel @!p1 .LBB2_6-.Ltmp0, $4  }
0x23: {  	[sflag:s14] =	ssyncset.done $0x0  }
0x24: {  	[sflag:s14] =	ssyncadd.s32 $0xFFFFEA00  }
0x25: {  	[bflag:$0x0] =	sbarrier.arrive $0xFFFF  }
0x26: {  	p0 =	por $0x0, $0x0;
	s0 =	simm.s32 $0x800;
	s1 =	simm.s32 $0x0  }
0x27: {  	s1 =	simm.s32 $0x0  }
0x28: {  	[tilespmem:s18], [sflag:$0x1] =	stream.indirect.gather [spmem:s3], $0x20, s1, s17, $0xb8;
	[tilespmem:$0x10C00] =	vst v63  }
0x29: {  	s16 =	simm.s32 $0x80  }
0x2a: {  	[tilespmem:s19], [sflag:$0x2] =	stream.indirect.gather [spmem:s3], $0x20, s16, s17, $0xb8;
	[tilespmem:$0x10C00] =	vst v63  }
0x2b: {  	s4 =	simm.s32 $0x100  }
0x2c: {  	[tilespmem:s20], [sflag:$0x3] =	stream.indirect.gather [spmem:s3], $0x20, s4, s17, $0xb8;
	[tilespmem:$0x10C00] =	vst v63  }
0x2d: {  	s16 =	simm.s32 $0x180  }
0x2e: {  	[tilespmem:s21], [sflag:$0x4] =	stream.indirect.gather [spmem:s3], $0x20, s16, s17, $0xb8;
	[tilespmem:$0x10C00] =	vst v63  }
0x2f: {  	_ =	swait.ge [sflag:s22], $0x1000  }
0x30: {  	[sflag:s22] =	ssyncset.done $0x0  }
0x31: {  	s4 =	simm.s32 $0x1600;
	[sflag:s22] =	ssyncadd.s32 $0xFFFFF000  }
0x32: {  	[spmem:s2] =	stream.indirect.scatter.add.f32 [tilespmem:s18], [sflag:$0x5], $0x20, s4, s17, $0xb8;
	[tilespmem:$0x10C00] =	vst v63  }
0x33: {  	_ =	swait.ge [sflag:s23], $0x1000  }
0x34: {  	[sflag:s23] =	ssyncset.done $0x0  }
0x35: {  	s16 =	simm.s32 $0x1680;
	[sflag:s23] =	ssyncadd.s32 $0xFFFFF000  }
0x36: {  	[spmem:s2] =	stream.indirect.scatter.add.f32 [tilespmem:s19], [sflag:$0x6], $0x20, s16, s17, $0xb8;
	[tilespmem:$0x10C00] =	vst v63  }
0x37: {  	_ =	swait.ge [sflag:s24], $0x1000  }
0x38: {  	[sflag:s24] =	ssyncset.done $0x0  }
0x39: {  	s4 =	simm.s32 $0x1700;
	[sflag:s24] =	ssyncadd.s32 $0xFFFFF000  }
0x3a: {  	[spmem:s2] =	stream.indirect.scatter.add.f32 [tilespmem:s20], [sflag:$0x7], $0x20, s4, s17, $0xb8;
	[tilespmem:$0x10C00] =	vst v63  }
0x3b: {  	_ =	swait.ge [sflag:s25], $0x1000  }
0x3c: {  	[sflag:s25] =	ssyncset.done $0x0  }
0x3d: {  	s16 =	simm.s32 $0x1780;
	[sflag:s25] =	ssyncadd.s32 $0xFFFFF000  }
0x3e: {  	[spmem:s2] =	stream.indirect.scatter.add.f32 [tilespmem:s21], [sflag:$0x8], $0x20, s16, s17, $0xb8;
	[tilespmem:$0x10C00] =	vst v63  }
0x3f: {  	_ =	swait.ge [sflag:s26], $0x1000  }
0x40: {  	[sflag:s26] =	ssyncset.done $0x0  }
0x41: {  	[sflag:s26] =	ssyncadd.s32 $0xFFFFF000  }
0x42: {  	_ =	swait.ge [sflag:s28], $0x1000  }
0x43: {  	[sflag:s28] =	ssyncset.done $0x0  }
0x44: {  	p1 =	sne.s32 s5, $0x1000;
	[sflag:s28] =	ssyncadd.s32 $0xFFFFF000  }
.Ltmp1:
0x45: {  	_ =	swait.ge [sflag:s29], $0x1000;
	(pc) =	sbr.rel @!p1 .LBB2_3-.Ltmp1, $4  }
0x46: {  	[sflag:s29] =	ssyncset.done $0x0  }
0x47: {  	[sflag:s29] =	ssyncadd.s32 $0xFFFFF000  }
0x48: {  	_ =	swait.ge [sflag:s30], $0x1000  }
0x49: {  	p0 =	por $0x1, $0x1;
	s1 =	simm.s32 $0x1000;
	[sflag:s30] =	ssyncset.done $0x0  }
.LBB2_4:
0x4a: {  	s16 =	sshra.s32 s0, $0x2  }
0x4b: {  	[sflag:s30] =	ssyncadd.s32 $0xFFFFF000;
	s0 =	smov.u32 s1;
	s1 =	sadd.s32 $0x800, s1  }
0x4c: {  	[tilespmem:s18], [sflag:$0x1] =	stream.indirect.gather [spmem:s3], $0x20, s16, s17, $0xb8;
	[tilespmem:$0x10C00] =	vst v63  }
0x4d: {  	p1 =	sne.s32 s5, s1;
	s4 =	sadd.s32 $0x80, s16  }
0x4e: {  	[tilespmem:s19], [sflag:$0x2] =	stream.indirect.gather [spmem:s3], $0x20, s4, s17, $0xb8;
	[tilespmem:$0x10C00] =	vst v63  }
0x4f: {  	s4 =	sadd.s32 $0x100, s16  }
0x50: {  	[tilespmem:s20], [sflag:$0x3] =	stream.indirect.gather [spmem:s3], $0x20, s4, s17, $0xb8;
	[tilespmem:$0x10C00] =	vst v63  }
0x51: {  	s4 =	sadd.s32 $0x180, s16  }
0x52: {  	[tilespmem:s21], [sflag:$0x4] =	stream.indirect.gather [spmem:s3], $0x20, s4, s17, $0xb8;
	[tilespmem:$0x10C00] =	vst v63  }
0x53: {  	_ =	swait.ge [sflag:s22], $0x1000  }
0x54: {  	[sflag:s22] =	ssyncset.done $0x0  }
0x55: {  	s4 =	sadd.s32 $0x1600, s16;
	[sflag:s22] =	ssyncadd.s32 $0xFFFFF000  }
0x56: {  	[spmem:s2] =	stream.indirect.scatter.add.f32 [tilespmem:s18], [sflag:$0x5], $0x20, s4, s17, $0xb8;
	[tilespmem:$0x10C00] =	vst v63  }
0x57: {  	_ =	swait.ge [sflag:s23], $0x1000  }
0x58: {  	[sflag:s23] =	ssyncset.done $0x0  }
0x59: {  	s4 =	sadd.s32 $0x1680, s16;
	[sflag:s23] =	ssyncadd.s32 $0xFFFFF000  }
0x5a: {  	[spmem:s2] =	stream.indirect.scatter.add.f32 [tilespmem:s19], [sflag:$0x6], $0x20, s4, s17, $0xb8;
	[tilespmem:$0x10C00] =	vst v63  }
0x5b: {  	_ =	swait.ge [sflag:s24], $0x1000  }
0x5c: {  	[sflag:s24] =	ssyncset.done $0x0  }
0x5d: {  	s4 =	sadd.s32 $0x1700, s16;
	[sflag:s24] =	ssyncadd.s32 $0xFFFFF000  }
0x5e: {  	[spmem:s2] =	stream.indirect.scatter.add.f32 [tilespmem:s20], [sflag:$0x7], $0x20, s4, s17, $0xb8;
	[tilespmem:$0x10C00] =	vst v63  }
0x5f: {  	_ =	swait.ge [sflag:s25], $0x1000  }
0x60: {  	[sflag:s25] =	ssyncset.done $0x0  }
0x61: {  	s4 =	sadd.s32 $0x1780, s16;
	[sflag:s25] =	ssyncadd.s32 $0xFFFFF000  }
0x62: {  	[spmem:s2] =	stream.indirect.scatter.add.f32 [tilespmem:s21], [sflag:$0x8], $0x20, s4, s17, $0xb8;
	[tilespmem:$0x10C00] =	vst v63  }
0x63: {  	_ =	swait.ge [sflag:s26], $0x1000  }
0x64: {  	[sflag:s26] =	ssyncset.done $0x0  }
0x65: {  	[sflag:s26] =	ssyncadd.s32 $0xFFFFF000  }
0x66: {  	_ =	swait.ge [sflag:s28], $0x1000  }
0x67: {  	[sflag:s28] =	ssyncset.done $0x0  }
0x68: {  	[sflag:s28] =	ssyncadd.s32 $0xFFFFF000  }
.Ltmp2:
0x69: {  	_ =	swait.ge [sflag:s29], $0x1000;
	(pc) =	sbr.rel @p1 .LBB2_4-.Ltmp2, $4  }
0x6a: {  	[sflag:s29] =	ssyncset.done $0x0  }
0x6b: {  	[sflag:s29] =	ssyncadd.s32 $0xFFFFF000  }
0x6c: {  	_ =	swait.ge [sflag:s30], $0x1000  }
0x6d: {  	[sflag:s30] =	ssyncset.done $0x0  }
0x6e: {  	s1 =	smov.u32 s0  }
.LBB2_6:
0x6f: {  	s0 =	sshra.s32 s1, $0x2;
	[sflag:s30] =	ssyncadd.s32 @p0 $0xFFFFF000  }
0x70: {  	[tilespmem:s18], [sflag:$0x1] =	stream.indirect.gather [spmem:s3], $0x20, s0, s17, $0xb8;
	[tilespmem:$0x10C00] =	vst v63  }
0x71: {  	s1 =	sadd.s32 $0x80, s0  }
0x72: {  	[tilespmem:s19], [sflag:$0x2] =	stream.indirect.gather [spmem:s3], $0x20, s1, s17, $0xb8;
	[tilespmem:$0x10C00] =	vst v63  }
0x73: {  	s16 =	sadd.s32 $0x100, s0  }
0x74: {  	[tilespmem:s20], [sflag:$0x3] =	stream.indirect.gather [spmem:s3], $0x20, s16, s17, $0xb8;
	[tilespmem:$0x10C00] =	vst v63  }
0x75: {  	s4 =	sadd.s32 $0x180, s0  }
0x76: {  	[tilespmem:s21], [sflag:$0x4] =	stream.indirect.gather [spmem:s3], $0x20, s4, s17, $0xb8;
	[tilespmem:$0x10C00] =	vst v63  }
0x77: {  	_ =	swait.ge [sflag:s22], $0x1000  }
0x78: {  	[sflag:s22] =	ssyncset.done $0x0  }
0x79: {  	s16 =	sadd.s32 $0x1600, s0;
	[sflag:s22] =	ssyncadd.s32 $0xFFFFF000  }
0x7a: {  	[spmem:s2] =	stream.indirect.scatter.add.f32 [tilespmem:s18], [sflag:$0x5], $0x20, s16, s17, $0xb8;
	[tilespmem:$0x10C00] =	vst v63  }
0x7b: {  	_ =	swait.ge [sflag:s23], $0x1000  }
0x7c: {  	[sflag:s23] =	ssyncset.done $0x0  }
0x7d: {  	s4 =	sadd.s32 $0x1680, s0;
	[sflag:s23] =	ssyncadd.s32 $0xFFFFF000  }
0x7e: {  	[spmem:s2] =	stream.indirect.scatter.add.f32 [tilespmem:s19], [sflag:$0x6], $0x20, s4, s17, $0xb8;
	[tilespmem:$0x10C00] =	vst v63  }
0x7f: {  	_ =	swait.ge [sflag:s24], $0x1000  }
0x80: {  	[sflag:s24] =	ssyncset.done $0x0  }
0x81: {  	s16 =	sadd.s32 $0x1700, s0;
	[sflag:s24] =	ssyncadd.s32 $0xFFFFF000  }
0x82: {  	[spmem:s2] =	stream.indirect.scatter.add.f32 [tilespmem:s20], [sflag:$0x7], $0x20, s16, s17, $0xb8;
	[tilespmem:$0x10C00] =	vst v63  }
0x83: {  	_ =	swait.ge [sflag:s25], $0x1000  }
0x84: {  	[sflag:s25] =	ssyncset.done $0x0  }
0x85: {  	s0 =	sadd.s32 $0x1780, s0;
	[sflag:s25] =	ssyncadd.s32 $0xFFFFF000  }
0x86: {  	[spmem:s2] =	stream.indirect.scatter.add.f32 [tilespmem:s21], [sflag:$0x8], $0x20, s0, s17, $0xb8;
	[tilespmem:$0x10C00] =	vst v63  }
0x87: {  	_ =	swait.ge [sflag:s26], $0x1000  }
0x88: {  	[sflag:s26] =	ssyncset.done $0x0  }
0x89: {  	[sflag:s26] =	ssyncadd.s32 $0xFFFFF000  }
0x8a: {  	_ =	swait.ge [sflag:s28], $0x1000  }
0x8b: {  	[sflag:s28] =	ssyncset.done $0x0  }
0x8c: {  	[sflag:s28] =	ssyncadd.s32 $0xFFFFF000  }
0x8d: {  	_ =	swait.ge [sflag:s29], $0x1000  }
0x8e: {  	[sflag:s29] =	ssyncset.done $0x0  }
0x8f: {  	[sflag:s29] =	ssyncadd.s32 $0xFFFFF000  }
0x90: {  	_ =	swait.ge [sflag:s30], $0x1000  }
0x91: {  	[sflag:s30] =	ssyncset.done $0x0  }
0x92: {  	s31 =	sadd.s32 $0x1, s31;
	[sflag:s30] =	ssyncadd.s32 $0xFFFFF000  }
0x93: {  	p0 =	sne.s32 s31, s12;
	[bflag:$0x0] =	sbarrier.arrive $0xFFFF  }
0x94: {  	[hbm:s11], [sflag:s7] =	dma.local [spmem:s13], $0xA00  }
.Ltmp3:
0x95: {  	_ = 	snop;
	(pc) =	sbr.rel @p0 .LBB2_1-.Ltmp3, $4  }
.Ltmp4:
0x96: {  	_ = 	snop;
	(pc) =	sbr.rel @!p0 .LBB2_7-.Ltmp4, $4  }
0x97: {  	_ =	swait.ge [sflag:s14], $0xA00  }
0x98: {  	[sflag:s14] =	ssyncset.done $0x0  }
0x99: {  	[sflag:s14] =	ssyncadd.s32 $0xFFFFF600  }
0x9a: {  	_ = 	snop  }
.LBB2_3:
.Ltmp5:
0x9b: {  	(pc) =	sbr.rel .LBB2_6-.Ltmp5, $2  }
0x9c: {  	_ =	sdelay $0x2  }
0x9d: {  	s1 =	simm.s32 $0x800  }
.LBB2_7:
0x9e: {  	_ =	sfence.sel $0x180000  }
0x9f: {  	[bflag:$0x0] =	sbarrier.arrive $0xFFFF  }
0xa0: {  	_ =	strace $0x9000004D  }
0xa1: {  	s0 =	stileid.u32;
	[bflag:$0x2] =	sbarrier.arrive $0xFFFF  }
0xa2: {  	p0 =	sne.s32 s0, $0x0;
	s0 =	rddreg [dreg:$0x3]  }
0xa3: {  	s0 =	sadd.s32 @!p0 $0x100000, s0  }
0xa4: {  	[sflag:s0] =	ssyncadd.tile.s32 @!p0 $0x1;
	_ =	shalt  }
.Lfunc_end2:
_tile_overlayer_lowered:
.L_overlay_start_2:
0xa5: {  	(tag) =	ssettag $0x2  }
0xa6: {  	s0 =	rddreg [dreg:$0x0];
	s2 =	stileid.u32  }
0xa7: {  	s1 =	rddreg [dreg:$0x1];
	p0 =	sne.s32 s2, $0x0  }
0xa8: {  	s3 =	rddreg [dreg:$0x2];
	[bflag:$0x3] =	sbarrier.arrive $0xFFFF;
	s2 =	simm.s32 @!p0 $0x1C09  }
0xa9: {  	[timem:s3], [sflag:s2] =	dma.local @!p0 [hbm:s0], s1  }
0xaa: {  	s0 =	simm.s32 @!p0 $0x9  }
0xab: {  	_ =	swait.ge @!p0 [sflag:s0], s1  }
0xac: {  	s1 =	ssub.s32 @!p0 $0x0, s1;
	[sflag:s0] =	ssyncset.done @!p0 $0x0  }
0xad: {  	[sflag:s0] =	ssyncadd.s32 @!p0 s1  }
0xae: {  	[bflag:$0x3] =	sbarrier.arrive $0xFFFF  }
0xaf: {  	_ =	shalt  }

// kernel: kernel.9.cloned.1.call-start
scs
__scs_entry_jumppad:
0x0: {  	(pc) =	sbr.rel $0x88, $3  }
0x1: {  	(tag) =	ssettag $0x0;
	lr =	simm.s32 $0x1  }
0x2: {  	[smem:$0x3F99] =	sst lr;
	_ =	strace $0xD0000000  }
0x3: {  	_ = 	snop  }
0x4: {  	_ = 	snop  }
0x5: {  	_ = 	snop  }
0x6: {  	_ = 	snop  }
0x7: {  	_ = 	snop  }
__scs_overlays_trampoline_lowered:
0x8: {  	[smem:$0x3FA8] =	sst s0  }
0x9: {  	[smem:$0x3FA9] =	sst s1  }
0xa: {  	[smem:$0x3FAA] =	sst s2  }
0xb: {  	[smem:$0x3FAB] =	sst s3  }
0xc: {  	[smem:$0x3FAC] =	sst s4  }
0xd: {  	[smem:$0x3FAD] =	sst s5  }
0xe: {  	[smem:$0x3FAE] =	sst s6  }
0xf: {  	[smem:$0x3FAF] =	sst s7  }
0x10: {  	[smem:$0x3FB0] =	sst s8  }
0x11: {  	[smem:$0x3FB1] =	sst s9;
	s0 =	simm.s32 @!p0 $0x0  }
0x12: {  	s1 =	sld [smem:$0x3F97];
	s0 =	simm.s32 @p0 $0x1  }
0x13: {  	[smem:$0x3FB2] =	sst s0;
	s0 =	simm.s32 @!p1 $0x0  }
0x14: {  	s2 =	sld [smem:$0x3F96];
	s0 =	simm.s32 @p1 $0x1  }
0x15: {  	[smem:$0x3FB3] =	sst s0;
	s0 =	simm.s32 @!p2 $0x0  }
0x16: {  	s3 =	sld [smem:$0x3FDB];
	s0 =	simm.s32 @p2 $0x1  }
0x17: {  	s4 =	simm.s32 $0x1BF5;
	[smem:$0x3FB5] =	sst s0  }
0x18: {  	s0 =	sld [smem:$0x3F98];
	_ =	swait.ge [sflag:s4], $0x0  }
0x19: {  	s7 =	sld [smem:$0x3F99]  }
0x1a: {  	s8 =	sadd.s32 $0xFFFFE003, lr  }
0x1b: {  	s9 =	sadd.s32 $0xFFFFFEF7, lr;
	s5 =	simm.s32 $0xFFFFFFFF;
	p2 =	slt.u32 s8, $0xFFFFF086  }
0x1c: {  	p1 =	slt.u32 s9, $0xF7A;
	s5 =	simm.s32 @!p2 $0x0  }
0x1d: {  	s5 =	simm.s32 @p1 $0x1;
	p0 =	seq.s32 s7, s2  }
0x1e: {  	s7 =	smul.u32 @!p0 $0xF7A, s2;
	p2 =	seq.s32 @!p0 s5, $0x0  }
0x1f: {  	s9 =	smul.u32 $0xF7A, s1;
	s8 =	simm.s32 @!p0 $0x1BF5;
	p2 =	por !p2, p0  }
0x20: {  	[sflag:s8] =	ssyncset.s32 @!p0 $0xFFFFF086;
	s6 =	sadd.s32 @!p0 s3, s7;
	s7 =	simm.s32 @!p0 $0x108  }
0x21: {  	s3 =	sadd.s32 s3, s9;
	s6 =	sadd.s32 @!p0 $0x88, s6;
	s7 =	simm.s32 @p2 $0x1082  }
0x22: {  	[simem:s7], [sflag:s8] =	dma.local @!p0 [hbm:s6], $0xF7A  }
0x23: {  	s9 =	sor.u32 $0xD0000000, s2;
	s6 =	simm.s32 $0x108;
	_ =	swait.ge @!p0 [sflag:s8], $0x0  }
0x24: {  	s3 =	sadd.s32 $0x88, s3;
	s6 =	simm.s32 @!p1 $0x1082;
	[sflag:s4] =	ssyncset.s32 $0xFFFFF086  }
0x25: {  	[simem:s6], [sflag:s4] =	dma.local [hbm:s3], $0xF7A  }
0x26: {  	[smem:$0x3F99] =	sst s1;
	(tag) =	ssettag s2;
	_ =	strace s9  }
0x27: {  	s1 =	sld [smem:$0x3FA9]  }
0x28: {  	s2 =	sld [smem:$0x3FAA]  }
0x29: {  	s4 =	sld [smem:$0x3FAC]  }
0x2a: {  	p0 =	seq.s32 s5, $0x0;
	s5 =	sld [smem:$0x3FAD]  }
0x2b: {  	s6 =	sld [smem:$0x3FAE]  }
0x2c: {  	s7 =	sld [smem:$0x3FAF]  }
0x2d: {  	s3 =	simm.s32 $0x108;
	s8 =	sld [smem:$0x3FB0]  }
0x2e: {  	s3 =	simm.s32 @!p0 $0x1082;
	s9 =	sld [smem:$0x3FB1]  }
0x2f: {  	lr =	sadd.s32 s0, s3;
	s0 =	sld [smem:$0x3FA8]  }
0x30: {  	s3 =	sld [smem:$0x3FAB]  }
0x31: {  	[smem:$0x3FB4] =	sst s10  }
0x32: {  	s10 =	sld [smem:$0x3FB2];
	_ =	sdelay $0x3  }
0x33: {  	p0 =	seq.s32 s10, $0x1;
	s10 =	sld [smem:$0x3FB4];
	_ =	sdelay $0x3  }
0x34: {  	[smem:$0x3FB4] =	sst s10  }
0x35: {  	s10 =	sld [smem:$0x3FB3];
	_ =	sdelay $0x3  }
0x36: {  	p1 =	seq.s32 s10, $0x1;
	s10 =	sld [smem:$0x3FB4];
	_ =	sdelay $0x3  }
0x37: {  	[smem:$0x3FB4] =	sst s10  }
0x38: {  	s10 =	sld [smem:$0x3FB5]  }
0x39: {  	_ = 	snop;
	(pc) =	sbr.ind lr, $3  }
0x3a: {  	_ = 	snop  }
0x3b: {  	_ = 	snop  }
0x3c: {  	p2 =	seq.s32 s10, $0x1;
	s10 =	sld [smem:$0x3FB4]  }
0x3d: {  	_ =	shalt  }
0x3e: {  	_ =	shalt  }
0x3f: {  	_ =	shalt  }
0x40: {  	_ =	shalt  }
0x41: {  	_ =	shalt  }
0x42: {  	_ =	shalt  }
0x43: {  	_ =	shalt  }
0x44: {  	_ =	shalt  }
0x45: {  	_ =	shalt  }
0x46: {  	_ =	shalt  }
0x47: {  	_ =	shalt  }
0x48: {  	_ =	shalt  }
0x49: {  	_ =	shalt  }
0x4a: {  	_ =	shalt  }
0x4b: {  	_ =	shalt  }
0x4c: {  	_ =	shalt  }
0x4d: {  	_ =	shalt  }
0x4e: {  	_ =	shalt  }
0x4f: {  	_ =	shalt  }
0x50: {  	_ =	shalt  }
0x51: {  	_ =	shalt  }
0x52: {  	_ =	shalt  }
0x53: {  	_ =	shalt  }
0x54: {  	_ =	shalt  }
0x55: {  	_ =	shalt  }
0x56: {  	_ =	shalt  }
0x57: {  	_ =	shalt  }
0x58: {  	_ =	shalt  }
0x59: {  	_ =	shalt  }
0x5a: {  	_ =	shalt  }
0x5b: {  	_ =	shalt  }
0x5c: {  	_ =	shalt  }
0x5d: {  	_ =	shalt  }
0x5e: {  	_ =	shalt  }
0x5f: {  	_ =	shalt  }
0x60: {  	_ =	shalt  }
0x61: {  	_ =	shalt  }
0x62: {  	_ =	shalt  }
0x63: {  	_ =	shalt  }
0x64: {  	_ =	shalt  }
0x65: {  	_ =	shalt  }
0x66: {  	_ =	shalt  }
0x67: {  	_ =	shalt  }
0x68: {  	_ =	shalt  }
0x69: {  	_ =	shalt  }
0x6a: {  	_ =	shalt  }
0x6b: {  	_ =	shalt  }
0x6c: {  	_ =	shalt  }
0x6d: {  	_ =	shalt  }
0x6e: {  	_ =	shalt  }
0x6f: {  	_ =	shalt  }
0x70: {  	_ =	shalt  }
0x71: {  	_ =	shalt  }
0x72: {  	_ =	shalt  }
0x73: {  	_ =	shalt  }
0x74: {  	_ =	shalt  }
0x75: {  	_ =	shalt  }
0x76: {  	_ =	shalt  }
0x77: {  	_ =	shalt  }
0x78: {  	_ =	shalt  }
0x79: {  	_ =	shalt  }
0x7a: {  	_ =	shalt  }
0x7b: {  	_ =	shalt  }
0x7c: {  	_ =	shalt  }
0x7d: {  	_ =	shalt  }
0x7e: {  	_ =	shalt  }
0x7f: {  	_ =	shalt  }
0x80: {  	_ =	shalt  }
0x81: {  	_ =	shalt  }
0x82: {  	_ =	shalt  }
0x83: {  	_ =	shalt  }
0x84: {  	_ =	shalt  }
0x85: {  	_ =	shalt  }
0x86: {  	_ =	shalt  }
0x87: {  	_ =	shalt  }
.Lfunc_end0:
.L_simem_size_0:
called_computation_lowered:
.L_overlay_start_0:
0x88: {  	s2 =	sld [smem:$0x3FD9]  }
0x89: {  	s3 =	sld [smem:$0x3FFE];
	_ =	sdelay $0x1  }
0x8a: {  	s1 =	srdreg.scid  }
0x8b: {  	s0 =	sand.u32 $0x1, s1  }
0x8c: {  	s17 =	sshll.u32 s0, $0xA;
	s2 =	sadd.s32 s3, s2  }
0x8d: {  	s2 =	sadd.s32 s2, s17  }
0x8e: {  	[smem:$0x3FC0] =	sst s2  }
0x8f: {  	_ = 	snop  }
0x90: {  	s2 =	sld [smem:$0x3FD0];
	(tm) =	ssettm $0x1  }
0x91: {  	s18 =	sld [smem:$0x3FFB];
	_ =	sdelay $0x3  }
0x92: {  	_ =	strace s18  }
0x93: {  	s3 =	sld [smem:$0x3FFC];
	_ =	sdelay $0x3  }
0x94: {  	_ =	strace s3  }
0x95: {  	s3 =	sld [smem:$0x3FFD];
	_ =	sdelay $0x3  }
0x96: {  	_ =	strace s3  }
0x97: {  	_ =	strace $0x8FFFFFFF  }
0x98: {  	s19 =	sld [smem:$0x3FDB];
	_ =	sdelay $0x1  }
0x99: {  	s4 =	simm.s32 $_scs_section_size  }
0x9a: {  	s5 =	simm.s32 $_size__tile_overlayer_lowered;
	s6 =	simm.s32 $_tile_overlayer_lowered  }
0x9b: {  	s22 =	simm.s32 $0x1BFF;
	s21 =	sshll.u32 s6, $0x1;
	s3 =	sadd.s32 s4, s19  }
0x9c: {  	s7 =	simm.s32 $0x0;
	s20 =	sshll.u32 s5, $0x1;
	s5 =	sadd.s32 s21, s3  }
0x9d: {  	[timem:s7], [sflag:s22] =	dma.local [hbm:s5], s20  }
0x9e: {  	_ =	swait.ge [sflag:s22], s20  }
0x9f: {  	s4 =	ssub.s32 $0x0, s20;
	[sflag:s22] =	ssyncset.done $0x0  }
0xa0: {  	[sflag:s22] =	ssyncadd.s32 s4;
	_ =	sdelay $0x1  }
0xa1: {  	s23 =	simm.s32 $0x1B8B  }
0xa2: {  	_ =	swait.ge [sflag:s23], $0x1  }
0xa3: {  	[sflag:s23] =	ssyncset.done $0x0  }
0xa4: {  	s25 =	simm.s32 $0x1B8E;
	s24 =	sld [smem:$0x3FFE];
	[sflag:s23] =	ssyncadd.s32 $0xFFFFFFFF  }
0xa5: {  	s26 =	simm.s32 $execute0_lowered;
	[smem:$0x3FD2] =	sst s25  }
0xa6: {  	s5 =	sshll.u32 s26, $0x1;
	_ =	strace $0x80000046;
	[dreg:$0x1] =	wrdreg $0xFFFFFFFF  }
0xa7: {  	s28 =	simm.s32 $_size_execute0_lowered;
	s3 =	sadd.s32 s3, s5;
	[dreg:$0x0] =	wrdreg $0x0  }
0xa8: {  	s5 =	sshll.u32 s28, $0x1;
	[dreg:$0x2] =	wrdreg s3  }
0xa9: {  	[dreg:$0x3] =	wrdreg s5  }
0xaa: {  	[dreg:$0x4] =	wrdreg $0xC0  }
0xab: {  	_ =	task [dreg:s7], $0x5FFFF  }
0xac: {  	[dreg:$0x1] =	wrdreg $0xFFFFFFFF  }
0xad: {  	[dreg:$0x0] =	wrdreg $0x60  }
0xae: {  	[dreg:$0x2] =	wrdreg s24  }
0xaf: {  	[dreg:$0x3] =	wrdreg s2  }
0xb0: {  	[dreg:$0x4] =	wrdreg $0x1E000  }
0xb1: {  	[dreg:$0x5] =	wrdreg $0x9  }
0xb2: {  	_ =	task.clear_ibuf [dreg:s7], $0x6FFFF;
	_ =	strace $0x90000046  }
0xb3: {  	s29 =	simm.s32 $0x9;
	_ =	strace $0x80000048  }
0xb4: {  	_ =	swait.ge [sflag:s29], $0x1  }
0xb5: {  	[sflag:s29] =	ssyncadd.s32 $0xFFFFFFFF  }
0xb6: {  	_ =	strace $0x90000048  }
0xb7: {  	_ =	sfence  }
0xb8: {  	s30 =	sld [smem:$0x0];
	_ =	sdelay $0x2  }
0xb9: {  	s31 =	sshll.u32 s1, $0xD;
	s1 =	sshrl.u32 s1, $0x2  }
0xba: {  	s3 =	sand.u32 $0x4000, s31;
	s1 =	sadd.s32 s1, s30  }
0xbb: {  	s0 =	sor.u32 s3, s0;
	s1 =	sshll.u32 s1, $0x11  }
0xbc: {  	s0 =	sor.u32 s1, s0  }
0xbd: {  	s0 =	sadd.s32 $0x8F2B, s0  }
0xbe: {  	[sflag:s0] =	ssyncadd.remote.s32 $0x1  }
0xbf: {  	_ =	sfence.sel $0xFFFF  }
0xc0: {  	[dreg:$0x0] =	wrdreg $0xFFFFFFFF;
	(pc) =	sbr.abs _section_cstart, $3  }
0xc1: {  	[dreg:$0x1] =	wrdreg $0xFFFFFFFF  }
0xc2: {  	_ =	task.clear_ibuf [dreg:s7], $0x2FFFF;
	_ =	strace $0x9FFFFFFF  }
0xc3: {  	(tm) =	ssettm $0x7FFFFFFF  }
tec
execute0_lowered:
.L_overlay_start_1:
0x0: {  	(tag) =	ssettag $0x1  }
0x1: {  	s5 =	rddreg [dreg:$0x0]  }
0x2: {  	s2 =	rddreg [dreg:$0x1]  }
0x3: {  	s3 =	rddreg [dreg:$0x2]  }
0x4: {  	s0 =	rddreg [dreg:$0x3];
	s1 =	stileid.u32;
	s4 =	simm.s32 $0x0  }
0x5: {  	s6 =	srdreg.scid;
	s14 =	simm.s32 $0x80;
	s15 =	simm.s32 $0x1  }
0x6: {  	s16 =	simm.s32 $0x2;
	s17 =	simm.s32 $0x3;
	s7 =	smul.u32 $0x24, s1  }
0x7: {  	s18 =	simm.s32 $0x4;
	s19 =	simm.s32 $0x0;
	s8 =	smul.u32 $0x2C, s1  }
0x8: {  	[smem:$0x7FF] =	sst s4;
	s6 =	sand.u32 $0x1, s6;
	s9 =	smul.u32 $0x2800, s1  }
0x9: {  	s31 =	sshll.u32 s1, $0x6;
	p0 =	seq.s32 s6, $0x0;
	s28 =	smul.u32 $0x28000, s6  }
0xa: {  	_ =	strace $0x80000047;
	s6 =	ssub.s32 $0x2, s6;
	s7 =	sadd.s32 $0x2C0, s7  }
0xb: {  	s29 =	sshrl.u32 s9, $0x3;
	s30 =	sshrl.u32 s6, $0x1;
	s7 =	smov.u32 @p0 s8  }
0xc: {  	s13 =	sadd.s32 s9, s3;
	s8 =	sadd.s32 s9, s28;
	s7 =	sshll.u32 s7, $0x4  }
0xd: {  	s12 =	ssub.s32 s6, s30;
	s8 =	sshrl.u32 s8, $0x3;
	s10 =	sadd.s32 s7, s5  }
0xe: {  	s7 =	sadd.s32 s29, s5;
	s11 =	sadd.s32 s8, s5;
	s5 =	simm.s32 $0xB  }
0xf: {  	s5 =	simm.s32 @!p0 $0x9;
	s6 =	sadd.s32 $0xCA00, s7;
	s7 =	sor.u32 $0x1C05, s31  }
0x10: {  	s8 =	sadd.s32 $0x7900, s10;
	s9 =	sadd.s32 $0x11A00, s11;
	s10 =	smax.u32 s12, $0x1  }
0x11: {  	s11 =	sshrl.u32 s13, $0x3;
	s12 =	simm.s32 $0x5;
	s13 =	simm.s32 $0x1600  }
.LBB2_1:
0x12: {  	[spmem:s11], [sflag:s7] =	dma.local [hbm:s6], $0x500  }
0x13: {  	_ =	swait.ge [sflag:s12], $0x500  }
0x14: {  	[sflag:s12] =	ssyncset.done $0x0  }
0x15: {  	[sflag:s12] =	ssyncadd.s32 $0xFFFFFB00  }
0x16: {  	[tilespmem:s13], [sflag:$0x5] =	stream.linear.gather [hbm4b:s2+s4], $0x800, $0x38;
	[tilespmem:$0x4600] =	vst v63  }
0x17: {  	_ =	swait.ge [sflag:s12], $0x800  }
0x18: {  	[sflag:s12] =	ssyncset.done $0x0  }
0x19: {  	p1 =	sne.s32 s5, $0x1;
	[sflag:s12] =	ssyncadd.s32 $0xFFFFF800  }
0x1a: {  	[tilespmem:s4], [sflag:$0x5] =	stream.linear.gather [hbm4b:s8+s4], $0x1600, $0x38;
	[tilespmem:$0x4600] =	vst v63  }
.Ltmp0:
0x1b: {  	_ =	swait.ge [sflag:s12], $0x1600;
	(pc) =	sbr.rel @!p1 .LBB2_4-.Ltmp0, $4  }
0x1c: {  	[sflag:s12] =	ssyncset.done $0x0  }
0x1d: {  	[sflag:s12] =	ssyncadd.s32 $0xFFFFEA00  }
0x1e: {  	[bflag:$0x0] =	sbarrier.arrive $0xFFFF  }
0x1f: {  	s20 =	simm.s32 $0x180;
	s21 =	sadd.s32 $0xFFFFFFFF, s5;
	p0 =	por $0x0, $0x0  }
0x20: {  	s22 =	simm.s32 $0x0  }
0x21: {  	[spmem:s3] =	stream.indirect.scatter.add.f32 [tilespmem:s13], [sflag:$0x1], $0x10, s22, s14, $0xb8;
	[tilespmem:$0x4600] =	vst v63  }
0x22: {  	s30 =	simm.s32 $0x80  }
0x23: {  	[spmem:s3] =	stream.indirect.scatter.add.f32 [tilespmem:s13], [sflag:$0x2], $0x10, s30, s14, $0xb8;
	[tilespmem:$0x4600] =	vst v63  }
0x24: {  	s31 =	simm.s32 $0x100  }
0x25: {  	[spmem:s3] =	stream.indirect.scatter.add.f32 [tilespmem:s13], [sflag:$0x3], $0x10, s31, s14, $0xb8;
	[tilespmem:$0x4600] =	vst v63  }
0x26: {  	_ = 	snop  }
0x27: {  	[spmem:s3] =	stream.indirect.scatter.add.f32 [tilespmem:s13], [sflag:$0x4], $0x10, s20, s14, $0xb8;
	[tilespmem:$0x4600] =	vst v63  }
0x28: {  	_ =	swait.ge [sflag:s15], $0x800  }
0x29: {  	[sflag:s15] =	ssyncset.done $0x0  }
0x2a: {  	[sflag:s15] =	ssyncadd.s32 $0xFFFFF800  }
0x2b: {  	_ =	swait.ge [sflag:s16], $0x800  }
0x2c: {  	[sflag:s16] =	ssyncset.done $0x0  }
0x2d: {  	p1 =	sne.s32 s21, $0x1;
	[sflag:s16] =	ssyncadd.s32 $0xFFFFF800  }
.Ltmp1:
0x2e: {  	_ =	swait.ge [sflag:s17], $0x800;
	(pc) =	sbr.rel @!p1 .LBB2_4-.Ltmp1, $4  }
0x2f: {  	[sflag:s17] =	ssyncset.done $0x0  }
0x30: {  	[sflag:s17] =	ssyncadd.s32 $0xFFFFF800  }
0x31: {  	s21 =	sadd.s32 $0xFFFFFFFF, s21;
	_ =	swait.ge [sflag:s18], $0x800  }
0x32: {  	p0 =	por $0x1, $0x1;
	s20 =	simm.s32 $0x380;
	[sflag:s18] =	ssyncset.done $0x0  }
.LBB2_3:
0x33: {  	p1 =	sne.s32 s21, $0x1;
	s22 =	sadd.s32 $0xFFFFFE80, s20;
	[sflag:s18] =	ssyncadd.s32 $0xFFFFF800  }
0x34: {  	[spmem:s3] =	stream.indirect.scatter.add.f32 [tilespmem:s13], [sflag:$0x1], $0x10, s22, s14, $0xb8;
	[tilespmem:$0x4600] =	vst v63  }
0x35: {  	s21 =	sadd.s32 $0xFFFFFFFF, s21;
	s22 =	sadd.s32 $0xFFFFFF00, s20  }
0x36: {  	[spmem:s3] =	stream.indirect.scatter.add.f32 [tilespmem:s13], [sflag:$0x2], $0x10, s22, s14, $0xb8;
	[tilespmem:$0x4600] =	vst v63  }
0x37: {  	s22 =	sadd.s32 $0xFFFFFF80, s20  }
0x38: {  	[spmem:s3] =	stream.indirect.scatter.add.f32 [tilespmem:s13], [sflag:$0x3], $0x10, s22, s14, $0xb8;
	[tilespmem:$0x4600] =	vst v63  }
0x39: {  	_ = 	snop  }
0x3a: {  	[spmem:s3] =	stream.indirect.scatter.add.f32 [tilespmem:s13], [sflag:$0x4], $0x10, s20, s14, $0xb8;
	[tilespmem:$0x4600] =	vst v63  }
0x3b: {  	_ =	swait.ge [sflag:s15], $0x800  }
0x3c: {  	[sflag:s15] =	ssyncset.done $0x0  }
0x3d: {  	[sflag:s15] =	ssyncadd.s32 $0xFFFFF800  }
0x3e: {  	_ =	swait.ge [sflag:s16], $0x800  }
0x3f: {  	[sflag:s16] =	ssyncset.done $0x0  }
0x40: {  	[sflag:s16] =	ssyncadd.s32 $0xFFFFF800  }
.Ltmp2:
0x41: {  	_ =	swait.ge [sflag:s17], $0x800;
	(pc) =	sbr.rel @p1 .LBB2_3-.Ltmp2, $4  }
0x42: {  	[sflag:s17] =	ssyncset.done $0x0  }
0x43: {  	[sflag:s17] =	ssyncadd.s32 $0xFFFFF800  }
0x44: {  	_ =	swait.ge [sflag:s18], $0x800  }
0x45: {  	s20 =	sadd.s32 $0x200, s20;
	[sflag:s18] =	ssyncset.done $0x0  }
.LBB2_4:
0x46: {  	s21 =	sadd.s32 $0xFFFFFE80, s20;
	[sflag:s18] =	ssyncadd.s32 @p0 $0xFFFFF800  }
0x47: {  	[spmem:s3] =	stream.indirect.scatter.add.f32 [tilespmem:s13], [sflag:$0x1], $0x10, s21, s14, $0xb8;
	[tilespmem:$0x4600] =	vst v63  }
0x48: {  	s30 =	sadd.s32 $0xFFFFFF00, s20  }
0x49: {  	[spmem:s3] =	stream.indirect.scatter.add.f32 [tilespmem:s13], [sflag:$0x2], $0x10, s30, s14, $0xb8;
	[tilespmem:$0x4600] =	vst v63  }
0x4a: {  	s31 =	sadd.s32 $0xFFFFFF80, s20  }
0x4b: {  	[spmem:s3] =	stream.indirect.scatter.add.f32 [tilespmem:s13], [sflag:$0x3], $0x10, s31, s14, $0xb8;
	[tilespmem:$0x4600] =	vst v63  }
0x4c: {  	_ = 	snop  }
0x4d: {  	[spmem:s3] =	stream.indirect.scatter.add.f32 [tilespmem:s13], [sflag:$0x4], $0x10, s20, s14, $0xb8;
	[tilespmem:$0x4600] =	vst v63  }
0x4e: {  	_ =	swait.ge [sflag:s15], $0x800  }
0x4f: {  	[sflag:s15] =	ssyncset.done $0x0  }
0x50: {  	[sflag:s15] =	ssyncadd.s32 $0xFFFFF800  }
0x51: {  	_ =	swait.ge [sflag:s16], $0x800  }
0x52: {  	[sflag:s16] =	ssyncset.done $0x0  }
0x53: {  	[sflag:s16] =	ssyncadd.s32 $0xFFFFF800  }
0x54: {  	_ =	swait.ge [sflag:s17], $0x800  }
0x55: {  	[sflag:s17] =	ssyncset.done $0x0  }
0x56: {  	[sflag:s17] =	ssyncadd.s32 $0xFFFFF800  }
0x57: {  	_ =	swait.ge [sflag:s18], $0x800  }
0x58: {  	s19 =	sadd.s32 $0x1, s19;
	[sflag:s18] =	ssyncset.done $0x0  }
0x59: {  	p0 =	sne.s32 s19, s10;
	[sflag:s18] =	ssyncadd.s32 $0xFFFFF800  }
.Ltmp3:
0x5a: {  	[bflag:$0x0] =	sbarrier.arrive $0xFFFF;
	(pc) =	sbr.rel @p0 .LBB2_1-.Ltmp3, $4  }
0x5b: {  	[hbm:s9], [sflag:s7] =	dma.local [spmem:s11], $0x500  }
0x5c: {  	_ =	swait.ge [sflag:s12], $0x500  }
0x5d: {  	[sflag:s12] =	ssyncset.done $0x0  }
0x5e: {  	[sflag:s12] =	ssyncadd.s32 $0xFFFFFB00  }
0x5f: {  	_ =	sfence.sel $0x180000  }
0x60: {  	[bflag:$0x0] =	sbarrier.arrive $0xFFFF  }
0x61: {  	p0 =	sne.s32 s1, $0x0;
	_ =	strace $0x90000047  }
0x62: {  	s0 =	sadd.s32 @!p0 $0x100000, s0;
	[bflag:$0x2] =	sbarrier.arrive $0xFFFF  }
0x63: {  	[sflag:s0] =	ssyncadd.tile.s32 @!p0 $0x1;
	_ =	shalt  }
.Lfunc_end2:
_tile_overlayer_lowered:
.L_overlay_start_2:
0x64: {  	(tag) =	ssettag $0x2  }
0x65: {  	s0 =	rddreg [dreg:$0x0];
	s2 =	stileid.u32  }
0x66: {  	s1 =	rddreg [dreg:$0x1];
	p0 =	sne.s32 s2, $0x0  }
0x67: {  	s3 =	rddreg [dreg:$0x2];
	[bflag:$0x3] =	sbarrier.arrive $0xFFFF;
	s2 =	simm.s32 @!p0 $0x1C05  }
0x68: {  	[timem:s3], [sflag:s2] =	dma.local @!p0 [hbm:s0], s1  }
0x69: {  	s0 =	simm.s32 @!p0 $0x5  }
0x6a: {  	_ =	swait.ge @!p0 [sflag:s0], s1  }
0x6b: {  	s1 =	ssub.s32 @!p0 $0x0, s1;
	[sflag:s0] =	ssyncset.done @!p0 $0x0  }
0x6c: {  	[sflag:s0] =	ssyncadd.s32 @!p0 s1  }
0x6d: {  	[bflag:$0x3] =	sbarrier.arrive $0xFFFF  }
0x6e: {  	_ =	shalt  }

</sc_bundles>
